<compile_context>
chip_gen: v7x
topology: tpu7x:2x2x1
jax: 0.10.2.dev20260603
libtpu: 0.0.44.dev20260713+nightly
codegen_flags: <defaults>
</compile_context>

<pallas_src>
import functools

import jax
import numpy as np
import jax.numpy as jnp
from jax import lax
from jax.experimental import pallas as pl
from jax.experimental.pallas import tpu as pltpu
from jax.experimental.pallas import tpu_sc as plsc

ROWS, COLS = 64, 32768
N = ROWS * COLS
RANK = N // 2 - 1
L = 16
NC, NS = 2, 16
W = NC * NS
RPW = ROWS // W
CHUNK = N // W
VECS = CHUNK // L
SHIFTS = (21, 10, 0)
NBS = (2048, 2048, 1024)
IMIN = np.int32(-(2 ** 31))
IMAX = np.int32(2 ** 31 - 1)


def _mesh():
    return plsc.VectorSubcoreMesh(core_axis_name="c", subcore_axis_name="s")


def _full(v):
    return jnp.full((L,), v, jnp.int32)


def _key16(v_f32):
    b = lax.bitcast_convert_type(v_f32, jnp.int32)
    m = lax.shift_right_arithmetic(b, _full(31))
    return b ^ (m | IMIN)


def _merge_find(partv, nb, r_rem):
    iota = lax.iota(jnp.int32, L)

    def body(c, carry):
        bin_, below, total, ceq = carry
        acc = partv[pl.ds(c * L, L)] + partv[pl.ds(nb + c * L, L)]
        cs = plsc.cumsum(acc)
        mask = (total + cs) > r_rem
        found_here = jnp.any(mask)
        ffs = jnp.where(found_here, plsc.all_reduce_ffs(mask), np.int32(L))
        already = bin_ >= 0
        new_here = jnp.logical_and(found_here, jnp.logical_not(already))
        bin_ = jnp.where(new_here, c * L + ffs, bin_)
        below_here = jnp.sum(jnp.where(iota < ffs, acc, 0))
        eq_here = jnp.sum(jnp.where(iota == ffs, acc, 0))
        upd = jnp.logical_not(already)
        below = jnp.where(upd, below + below_here, below)
        ceq = jnp.where(jnp.logical_and(upd, found_here), eq_here, ceq)
        total = total + jnp.sum(acc)
        return bin_, below, total, ceq

    bin_, below, _, ceq = lax.fori_loop(
        0, nb // L, body, (_full(-1), _full(0), _full(0), _full(0)))
    return bin_, below, ceq


def _step(h_hbm, partv, p, prefix, r_rem):
    nb = NBS[p]
    pltpu.sync_copy(h_hbm.at[pl.ds(0, 2 * nb)], partv.at[pl.ds(0, 2 * nb)])
    b_, below, ceq = _merge_find(partv, nb, r_rem)
    prefix = (prefix << int(np.log2(nb))) | b_
    return prefix, r_rem - below, ceq


def _make_pass(p):
    nb = NBS[p]
    shift = SHIFTS[p]
    out_words = 2 * nb + (W * L if p == 2 else 0) + (2 * L if p else 0)
    state_off = 2 * nb + (W * L if p == 2 else 0)
    scratch = [
        pltpu.VMEM((CHUNK,), jnp.float32),
        pltpu.VMEM((nb,), jnp.int32),
        pltpu.VMEM((nb,), jnp.int32),
        pltpu.VMEM_SHARED((nb,), jnp.int32),
        pltpu.SemaphoreType.DMA,
    ]
    if p:
        scratch.append(pltpu.VMEM((2 * NBS[p - 1],), jnp.int32))

    @functools.partial(
        pl.kernel,
        out_type=jax.ShapeDtypeStruct((out_words,), jnp.int32),
        mesh=_mesh(),
        compiler_params=pltpu.CompilerParams(needs_layout_passes=False),
        scratch_types=scratch,
    )
    def body(*args):
        x_hbm = args[0]
        if p:
            h_prev = args[1]
            out_hbm = args[2]
            xv, histv, idxv, shared, sem, partv = args[3:]
        else:
            out_hbm = args[1]
            xv, histv, idxv, shared, sem = args[2:]
            partv = None
        sid = lax.axis_index("s")
        core = lax.axis_index("c")
        wid = sid * NC + core
        cps = [
            pltpu.async_copy(
                x_hbm.at[wid * RPW + r], xv.at[pl.ds(r * COLS, COLS)], sem)
            for r in range(RPW)
        ]

        iota = lax.iota(jnp.int32, L)
        zero = jnp.zeros((L,), jnp.int32)

        @plsc.parallel_loop(0, nb // L, unroll=8)
        def _(c):
            histv[pl.ds(c * L, L)] = zero
            idxv[pl.ds(c * L, L)] = iota + c * L

        @pl.when(sid == 0)
        def _():
            pltpu.sync_copy(histv, shared)
        plsc.subcore_barrier()

        if p == 1:
            prefix, r_rem, _ = _step(h_prev, partv, 0, _full(0), _full(RANK))
        elif p == 2:
            poff = 2 * NBS[p - 1]
            pltpu.sync_copy(h_prev.at[pl.ds(poff, 2 * L)],
                            partv.at[pl.ds(0, 2 * L)])
            prev_prefix = partv[pl.ds(0, L)]
            prev_r = partv[pl.ds(L, L)]
            prefix, r_rem, _ = _step(h_prev, partv, 1, prev_prefix, prev_r)
        if p:
            @pl.when(jnp.logical_and(sid == 0, core == 0))
            def _():
                partv[pl.ds(0, L)] = prefix
                partv[pl.ds(L, L)] = r_rem
                pltpu.sync_copy(partv.at[pl.ds(0, 2 * L)],
                                out_hbm.at[pl.ds(state_off, 2 * L)])
        for cp in cps:
            cp.wait()

        ones = jnp.ones((L,), jnp.int32)
        shift_v = _full(shift)
        hi_v = _full(shift + int(np.log2(nb)))
        mask_dig = _full(nb - 1)

        @plsc.parallel_loop(0, VECS, carry=jnp.full((L,), IMAX, jnp.int32),
                            unroll=16)
        def mn(i, mn):
            key = _key16(xv[pl.ds(i * L, L)])
            if shift:
                dig = lax.shift_right_logical(key, shift_v) & mask_dig
            else:
                dig = key & mask_dig
            if p:
                hi = lax.shift_right_logical(key, hi_v)
                m = hi == prefix
                plsc.addupdate_scatter(histv, [dig], ones, mask=m)
                if p == 2:
                    mn = jnp.where(hi > prefix,
                                   jnp.minimum(mn, key ^ IMIN), mn)
            else:
                plsc.addupdate_scatter(histv, [dig], ones)
            return mn

        pltpu.sync_copy(histv, shared.at[idxv], add=True)
        plsc.subcore_barrier()

        @pl.when(sid == 0)
        def _():
            pltpu.sync_copy(shared, out_hbm.at[pl.ds(core * nb, nb)])

        if p == 2:
            idxv[pl.ds(0, L)] = mn
            pltpu.sync_copy(
                idxv.at[pl.ds(0, L)],
                out_hbm.at[pl.ds(2 * nb + wid * L, L)])

    return body


_pass1 = _make_pass(0)
_pass2 = _make_pass(1)
_pass3 = _make_pass(2)


@functools.partial(
    pl.kernel,
    out_type=jax.ShapeDtypeStruct((L,), jnp.float32),
    mesh=_mesh(),
    compiler_params=pltpu.CompilerParams(needs_layout_passes=False),
    scratch_types=[
        pltpu.VMEM((2 * NBS[2],), jnp.int32),
        pltpu.VMEM((W * L,), jnp.int32),
        pltpu.VMEM((L,), jnp.float32),
    ],
)
def _final(h3m, out_hbm, partv, cv, outv):
    sid = lax.axis_index("s")
    core = lax.axis_index("c")
    iota = lax.iota(jnp.int32, L)
    nb3 = NBS[2]

    @pl.when(jnp.logical_and(sid == 0, core == 0))
    def _():
        soff = 2 * nb3 + W * L
        pltpu.sync_copy(h3m.at[pl.ds(soff, 2 * L)], cv.at[pl.ds(0, 2 * L)])
        prev_prefix = cv[pl.ds(0, L)]
        prev_r = cv[pl.ds(L, L)]
        key_a, r_rem, ceq = _step(h3m, partv, 2, prev_prefix, prev_r)
        bin3 = key_a & (nb3 - 1)

        def nzbody(c, nxt):
            acc = partv[pl.ds(c * L, L)] + partv[pl.ds(nb3 + c * L, L)]
            gi = c * L + iota
            cand = jnp.where(jnp.logical_and(acc > 0, gi > bin3),
                             gi, _full(nb3))
            return jnp.minimum(nxt, cand)

        nxt = lax.fori_loop(0, nb3 // L, nzbody, _full(nb3))
        nxt_bin = jnp.min(nxt)
        keyc_cand = jnp.where(
            nxt_bin < nb3,
            (((key_a >> 10) << 10) | nxt_bin) ^ IMIN, IMAX)

        pltpu.sync_copy(h3m.at[pl.ds(2 * nb3, W * L)], cv)

        def mbody(t, m_acc):
            return jnp.minimum(m_acc, cv[pl.ds(t * L, L)])

        mn_next = jnp.min(lax.fori_loop(
            0, W, mbody, jnp.full((L,), IMAX, jnp.int32)))

        cnt_le = (_full(RANK) - r_rem) + ceq
        keyc_b = jnp.where(cnt_le >= np.int32(RANK + 2),
                           key_a ^ IMIN,
                           jnp.minimum(keyc_cand, mn_next))
        key_b = keyc_b ^ IMIN
        keys = jnp.where(iota == 1, key_b, key_a)
        bits = jnp.where(keys < 0, keys ^ IMIN, ~keys)
        outv[...] = lax.bitcast_convert_type(bits, jnp.float32)
        pltpu.sync_copy(outv, out_hbm)


def kernel(x):
    h1 = _pass1(x)
    h2 = _pass2(x, h1)
    h3 = _pass3(x, h2)
    out = _final(h3)
    return out[0], out[1], out[2]

# --- scband reference (transcript-rebuilt; emitter-appended) ---
"""Pipeline reference for scband-my-model-61933428415243 (READ-ONLY COPY).

The authoritative reference and input builder live on the scoring server;
editing this copy changes nothing except your own understanding.
"""

import jax, jax.numpy as jnp
import numpy as np


def setup_inputs(seed: int = 0) -> dict:
    key = jax.random.key(seed)
    x = jax.random.normal(key, (64, 32768), dtype=jnp.float32)
    return {"x": x}


def reference(x):
    flat = x.reshape(-1)
    n = flat.shape[0]
    half_k = n // 2
    # torch: sort descending
    sorted_asc = jnp.sort(flat)
    sort_values = sorted_asc[::-1]
    # torch: topk(half_k, sorted=False); lax.top_k returns sorted desc, same value set.
    topk_values, _ = jax.lax.top_k(flat, half_k)
    # torch: kthvalue(half_k) -> half_k-th smallest (1-indexed)
    kthvalue_value = sorted_asc[half_k - 1]
    return (sort_values[half_k], topk_values[-1], kthvalue_value)

if __name__ == "__main__":
    import jax
    _d = setup_inputs()
    print(jax.jit(kernel)(*tuple(_d.values())))

</pallas_src>

<mosaic_0001>
#map = affine_map<(d0, d1) -> (0)>
module attributes {stable_mosaic.version = 14 : i64} {
  func.func @_final(%arg0: i32, %arg1: i32, %arg2: memref<2592xi32, #tpu.memory_space<hbm>>, %arg3: memref<16xf32, #tpu.memory_space<hbm>>, %arg4: memref<2048xi32, #tpu.memory_space<vmem>>, %arg5: memref<512xi32, #tpu.memory_space<vmem>>, %arg6: memref<16xf32, #tpu.memory_space<vmem>>) attributes {dimension_semantics = [#tpu.dimension_semantics<core_parallel>, #tpu.dimension_semantics<subcore_parallel>], iteration_bounds = array<i64: 2, 16>, scalar_prefetch = 0 : i64, scratch_operands = 3 : i64, tpu.core_type = #tpu.core_type<sc_vector_subcore>, window_params = [{transform_indices = #map}, {transform_indices = #map}]} {
    %iota3A = tpu.iota {dimensions = array<i32: 0>} : vector<16xi32>
    %eq3A = arith.constant 0 : i32
    %eq3A_0 = arith.cmpi eq, %arg1, %eq3A : i32
    %eq3A_1 = arith.constant 0 : i32
    %eq3A_2 = arith.cmpi eq, %arg0, %eq3A_1 : i32
    %and3A = arith.andi %eq3A_0, %eq3A_2 : i1
    %convert_element_type3A = arith.extui %and3A : i1 to i32
    %cond3A = arith.constant 0 : i32
    %cond3A_3 = arith.cmpi ne, %convert_element_type3A, %cond3A : i32
    scf.if %cond3A_3 {
      "tpu.region"() ({
        %run_scoped3A = tpu.sem_alloc : memref<!tpu.dma_semaphore, #tpu.memory_space<semaphore_mem>>
        %dma_start3A = arith.constant 0 : i32
        %dma_start3A_93 = tpu.memref_slice %arg5[%dma_start3A] : memref<512xi32, #tpu.memory_space<vmem>> -> memref<32xi32, #tpu.memory_space<vmem>>
        %dma_start3A_94 = arith.constant 2560 : i32
        %dma_start3A_95 = tpu.memref_slice %arg2[%dma_start3A_94] : memref<2592xi32, #tpu.memory_space<hbm>> -> memref<32xi32, #tpu.memory_space<hbm>>
        %dma_start3A_96 = arith.constant 0 : i32
        %dma_start3A_97 = tpu.memref_slice %arg5[%dma_start3A_96] : memref<512xi32, #tpu.memory_space<vmem>> -> memref<32xi32, #tpu.memory_space<vmem>>
        %dma_start3A_98 = arith.constant 2560 : i32
        %dma_start3A_99 = tpu.memref_slice %arg2[%dma_start3A_98] : memref<2592xi32, #tpu.memory_space<hbm>> -> memref<32xi32, #tpu.memory_space<hbm>>
        tpu.enqueue_dma source(%dma_start3A_99 : memref<32xi32, #tpu.memory_space<hbm>>) target(%dma_start3A_97 : memref<32xi32, #tpu.memory_space<vmem>>) target_semaphore(%run_scoped3A : memref<!tpu.dma_semaphore, #tpu.memory_space<semaphore_mem>>)
        %dma_wait3A = arith.constant 0 : i32
        %dma_wait3A_100 = tpu.memref_slice %arg5[%dma_wait3A] : memref<512xi32, #tpu.memory_space<vmem>> -> memref<32xi32, #tpu.memory_space<vmem>>
        %dma_wait3A_101 = arith.constant 2560 : i32
        %dma_wait3A_102 = tpu.memref_slice %arg2[%dma_wait3A_101] : memref<2592xi32, #tpu.memory_space<hbm>> -> memref<32xi32, #tpu.memory_space<hbm>>
        %dma_wait3A_103 = arith.constant 0 : i32
        %dma_wait3A_104 = tpu.memref_slice %arg5[%dma_wait3A_103] : memref<512xi32, #tpu.memory_space<vmem>> -> memref<32xi32, #tpu.memory_space<vmem>>
        %dma_wait3A_105 = arith.constant 2560 : i32
        %dma_wait3A_106 = tpu.memref_slice %arg2[%dma_wait3A_105] : memref<2592xi32, #tpu.memory_space<hbm>> -> memref<32xi32, #tpu.memory_space<hbm>>
        tpu.wait_dma2 semaphore(%run_scoped3A : memref<!tpu.dma_semaphore, #tpu.memory_space<semaphore_mem>>) src(%dma_wait3A_106 : memref<32xi32, #tpu.memory_space<hbm>>) dst(%dma_wait3A_104 : memref<32xi32, #tpu.memory_space<vmem>>)
        tpu.yield
      }) : () -> ()
      %get3A = arith.constant 0 : index
      %get3A_4 = tpu.vector_load %arg5[%get3A] {strides = array<i32>} : memref<512xi32, #tpu.memory_space<vmem>>, vector<16xi32>,
      %get3A_5 = arith.constant 16 : index
      %get3A_6 = tpu.vector_load %arg5[%get3A_5] {strides = array<i32>} : memref<512xi32, #tpu.memory_space<vmem>>, vector<16xi32>,
      "tpu.region"() ({
        %run_scoped3A = tpu.sem_alloc : memref<!tpu.dma_semaphore, #tpu.memory_space<semaphore_mem>>
        %dma_start3A = arith.constant 0 : i32
        %dma_start3A_93 = tpu.memref_slice %arg4[%dma_start3A] : memref<2048xi32, #tpu.memory_space<vmem>> -> memref<2048xi32, #tpu.memory_space<vmem>>
        %dma_start3A_94 = arith.constant 0 : i32
        %dma_start3A_95 = tpu.memref_slice %arg2[%dma_start3A_94] : memref<2592xi32, #tpu.memory_space<hbm>> -> memref<2048xi32, #tpu.memory_space<hbm>>
        %dma_start3A_96 = arith.constant 0 : i32
        %dma_start3A_97 = tpu.memref_slice %arg4[%dma_start3A_96] : memref<2048xi32, #tpu.memory_space<vmem>> -> memref<2048xi32, #tpu.memory_space<vmem>>
        %dma_start3A_98 = arith.constant 0 : i32
        %dma_start3A_99 = tpu.memref_slice %arg2[%dma_start3A_98] : memref<2592xi32, #tpu.memory_space<hbm>> -> memref<2048xi32, #tpu.memory_space<hbm>>
        tpu.enqueue_dma source(%dma_start3A_99 : memref<2048xi32, #tpu.memory_space<hbm>>) target(%dma_start3A_97 : memref<2048xi32, #tpu.memory_space<vmem>>) target_semaphore(%run_scoped3A : memref<!tpu.dma_semaphore, #tpu.memory_space<semaphore_mem>>)
        %dma_wait3A = arith.constant 0 : i32
        %dma_wait3A_100 = tpu.memref_slice %arg4[%dma_wait3A] : memref<2048xi32, #tpu.memory_space<vmem>> -> memref<2048xi32, #tpu.memory_space<vmem>>
        %dma_wait3A_101 = arith.constant 0 : i32
        %dma_wait3A_102 = tpu.memref_slice %arg2[%dma_wait3A_101] : memref<2592xi32, #tpu.memory_space<hbm>> -> memref<2048xi32, #tpu.memory_space<hbm>>
        %dma_wait3A_103 = arith.constant 0 : i32
        %dma_wait3A_104 = tpu.memref_slice %arg4[%dma_wait3A_103] : memref<2048xi32, #tpu.memory_space<vmem>> -> memref<2048xi32, #tpu.memory_space<vmem>>
        %dma_wait3A_105 = arith.constant 0 : i32
        %dma_wait3A_106 = tpu.memref_slice %arg2[%dma_wait3A_105] : memref<2592xi32, #tpu.memory_space<hbm>> -> memref<2048xi32, #tpu.memory_space<hbm>>
        tpu.wait_dma2 semaphore(%run_scoped3A : memref<!tpu.dma_semaphore, #tpu.memory_space<semaphore_mem>>) src(%dma_wait3A_106 : memref<2048xi32, #tpu.memory_space<hbm>>) dst(%dma_wait3A_104 : memref<2048xi32, #tpu.memory_space<vmem>>)
        tpu.yield
      }) : () -> ()
      %iota3A_7 = tpu.iota {dimensions = array<i32: 0>} : vector<16xi32>
      %broadcast_in_dim3A = arith.constant -1 : i32
      %broadcast_in_dim3A_8 = vector.broadcast %broadcast_in_dim3A : i32 to vector<16xi32>
      %broadcast_in_dim3A_9 = arith.constant 0 : i32
      %broadcast_in_dim3A_10 = vector.broadcast %broadcast_in_dim3A_9 : i32 to vector<16xi32>
      %broadcast_in_dim3A_11 = arith.constant 0 : i32
      %broadcast_in_dim3A_12 = vector.broadcast %broadcast_in_dim3A_11 : i32 to vector<16xi32>
      %broadcast_in_dim3A_13 = arith.constant 0 : i32
      %broadcast_in_dim3A_14 = vector.broadcast %broadcast_in_dim3A_13 : i32 to vector<16xi32>
      %scan3A = arith.constant 0 : i32
      %scan3A_15 = arith.constant 64 : i32
      %scan3A_16 = arith.addi %scan3A, %scan3A_15 : i32
      %scan3A_17 = arith.constant 1 : i32
      %scan3A_18:4 = scf.for %scan3A_93 = %scan3A to %scan3A_16 step %scan3A_17 iter_args(%scan3A_94 = %broadcast_in_dim3A_8, %scan3A_95 = %broadcast_in_dim3A_10, %scan3A_96 = %broadcast_in_dim3A_12, %scan3A_97 = %broadcast_in_dim3A_14) -> (vector<16xi32>, vector<16xi32>, vector<16xi32>, vector<16xi32>)  : i32 {
        %mul3A = arith.constant 16 : i32
        %mul3A_98 = arith.muli %scan3A_93, %mul3A : i32
        %get3A_99 = arith.index_cast %mul3A_98 : i32 to index
        %get3A_100 = tpu.vector_load %arg4[%get3A_99] {strides = array<i32>} : memref<2048xi32, #tpu.memory_space<vmem>>, vector<16xi32>,
        %mul3A_101 = arith.constant 16 : i32
        %mul3A_102 = arith.muli %scan3A_93, %mul3A_101 : i32
        %add3A_103 = arith.constant 1024 : i32
        %add3A_104 = arith.addi %add3A_103, %mul3A_102 : i32
        %get3A_105 = arith.index_cast %add3A_104 : i32 to index
        %get3A_106 = tpu.vector_load %arg4[%get3A_105] {strides = array<i32>} : memref<2048xi32, #tpu.memory_space<vmem>>, vector<16xi32>,
        %add3A_107 = arith.addi %get3A_100, %get3A_106 : vector<16xi32>
        %broadcast_in_dim3A_108 = arith.constant true
        %broadcast_in_dim3A_109 = vector.broadcast %broadcast_in_dim3A_108 : i1 to vector<16xi1>
        %masked_cumsum3A = tpu.scan <sum>, %add3A_107 masked %broadcast_in_dim3A_109 : vector<16xi32>, vector<16xi1> -> vector<16xi32>
        %add3A_110 = arith.addi %scan3A_96, %masked_cumsum3A : vector<16xi32>
        %gt3A = arith.cmpi sgt, %add3A_110, %get3A_6 : vector<16xi32>
        %reduce_or3A = arith.constant 1.000000e+00 : f32
        %reduce_or3A_111 = arith.constant 0.000000e+00 : f32
        %reduce_or3A_112 = vector.broadcast %reduce_or3A : f32 to vector<16xf32>
        %reduce_or3A_113 = vector.broadcast %reduce_or3A_111 : f32 to vector<16xf32>
        %reduce_or3A_114 = arith.select %gt3A, %reduce_or3A_112, %reduce_or3A_113 : vector<16xi1>, vector<16xf32>
        %reduce_or3A_115 = arith.constant true
        %reduce_or3A_116 = vector.broadcast %reduce_or3A_115 : i1 to vector<16xi1>
        %reduce_or3A_117 = tpu.scan <max>, %reduce_or3A_114 masked %reduce_or3A_116 : vector<16xf32>, vector<16xi1> -> vector<16xf32>
        %reduce_or3A_118 = vector.extract %reduce_or3A_117[15] : f32 from vector<16xf32>
        %reduce_or3A_119 = arith.constant 0.000000e+00 : f32
        %reduce_or3A_120 = arith.cmpf ogt, %reduce_or3A_118, %reduce_or3A_119 : f32
        %all_reduce_ffs3A = tpu.all_reduce %gt3A {dim = 0 : i64, kind = #tpu.reduction_kind<find_first_set>} : vector<16xi1> -> vector<16xi32>
        %jit3A_121 = arith.constant 16 : i32
        %broadcast_in_dim3A_122 = vector.broadcast %jit3A_121 : i32 to vector<16xi32>
        %select_n3A_123 = arith.select %reduce_or3A_120, %all_reduce_ffs3A, %broadcast_in_dim3A_122 : vector<16xi32>
        %ge3A_124 = arith.constant 0 : i32
        %ge3A_125 = vector.broadcast %ge3A_124 : i32 to vector<16xi32>
        %ge3A_126 = arith.cmpi sge, %scan3A_94, %ge3A_125 : vector<16xi32>
        %not3A_127 = arith.constant dense<true> : vector<16xi1>
        %not3A_128 = arith.xori %ge3A_126, %not3A_127 : vector<16xi1>
        %and3A_129 = vector.broadcast %reduce_or3A_120 : i1 to vector<16xi1>
        %and3A_130 = arith.andi %and3A_129, %not3A_128 : vector<16xi1>
        %mul3A_131 = arith.constant 16 : i32
        %mul3A_132 = arith.muli %scan3A_93, %mul3A_131 : i32
        %add3A_133 = vector.broadcast %mul3A_132 : i32 to vector<16xi32>
        %add3A_134 = arith.addi %add3A_133, %select_n3A_123 : vector<16xi32>
        %select_n3A_135 = arith.select %and3A_130, %add3A_134, %scan3A_94 : vector<16xi1>, vector<16xi32>
        %lt3A_136 = arith.cmpi slt, %iota3A_7, %select_n3A_123 : vector<16xi32>
        %jit3A_137 = arith.constant 0 : i32
        %broadcast_in_dim3A_138 = vector.broadcast %jit3A_137 : i32 to vector<16xi32>
        %select_n3A_139 = arith.select %lt3A_136, %add3A_107, %broadcast_in_dim3A_138 : vector<16xi1>, vector<16xi32>
        %reduce_sum3A = arith.constant true
        %reduce_sum3A_140 = vector.broadcast %reduce_sum3A : i1 to vector<16xi1>
        %reduce_sum3A_141 = tpu.scan <sum>, %select_n3A_139 masked %reduce_sum3A_140 : vector<16xi32>, vector<16xi1> -> vector<16xi32>
        %reduce_sum3A_142 = vector.extract %reduce_sum3A_141[15] : i32 from vector<16xi32>
        %eq3A_143 = arith.cmpi eq, %iota3A_7, %select_n3A_123 : vector<16xi32>
        %jit3A_144 = arith.constant 0 : i32
        %broadcast_in_dim3A_145 = vector.broadcast %jit3A_144 : i32 to vector<16xi32>
        %select_n3A_146 = arith.select %eq3A_143, %add3A_107, %broadcast_in_dim3A_145 : vector<16xi1>, vector<16xi32>
        %reduce_sum3A_147 = arith.constant true
        %reduce_sum3A_148 = vector.broadcast %reduce_sum3A_147 : i1 to vector<16xi1>
        %reduce_sum3A_149 = tpu.scan <sum>, %select_n3A_146 masked %reduce_sum3A_148 : vector<16xi32>, vector<16xi1> -> vector<16xi32>
        %reduce_sum3A_150 = vector.extract %reduce_sum3A_149[15] : i32 from vector<16xi32>
        %not3A_151 = arith.constant dense<true> : vector<16xi1>
        %not3A_152 = arith.xori %ge3A_126, %not3A_151 : vector<16xi1>
        %add3A_153 = vector.broadcast %reduce_sum3A_142 : i32 to vector<16xi32>
        %add3A_154 = arith.addi %scan3A_95, %add3A_153 : vector<16xi32>
        %select_n3A_155 = arith.select %not3A_152, %add3A_154, %scan3A_95 : vector<16xi1>, vector<16xi32>
        %and3A_156 = vector.broadcast %reduce_or3A_120 : i1 to vector<16xi1>
        %and3A_157 = arith.andi %not3A_152, %and3A_156 : vector<16xi1>
        %broadcast_in_dim3A_158 = vector.broadcast %reduce_sum3A_150 : i32 to vector<16xi32>
        %select_n3A_159 = arith.select %and3A_157, %broadcast_in_dim3A_158, %scan3A_97 : vector<16xi1>, vector<16xi32>
        %reduce_sum3A_160 = arith.constant true
        %reduce_sum3A_161 = vector.broadcast %reduce_sum3A_160 : i1 to vector<16xi1>
        %reduce_sum3A_162 = tpu.scan <sum>, %add3A_107 masked %reduce_sum3A_161 : vector<16xi32>, vector<16xi1> -> vector<16xi32>
        %reduce_sum3A_163 = vector.extract %reduce_sum3A_162[15] : i32 from vector<16xi32>
        %add3A_164 = vector.broadcast %reduce_sum3A_163 : i32 to vector<16xi32>
        %add3A_165 = arith.addi %scan3A_96, %add3A_164 : vector<16xi32>
        scf.yield %select_n3A_135, %select_n3A_155, %add3A_165, %select_n3A_159 : vector<16xi32>, vector<16xi32>, vector<16xi32>, vector<16xi32>
      }
      %scan3A_19 = arith.constant 64 : i32
      %shift_left3A = arith.constant 10 : i32
      %shift_left3A_20 = vector.broadcast %shift_left3A : i32 to vector<16xi32>
      %shift_left3A_21 = arith.shli %get3A_4, %shift_left3A_20 : vector<16xi32>
      %or3A = arith.ori %shift_left3A_21, %scan3A_18#0 : vector<16xi32>
      %sub3A = arith.subi %get3A_6, %scan3A_18#1 : vector<16xi32>
      %and3A_22 = arith.constant 1023 : i32
      %and3A_23 = vector.broadcast %and3A_22 : i32 to vector<16xi32>
      %and3A_24 = arith.andi %or3A, %and3A_23 : vector<16xi32>
      %broadcast_in_dim3A_25 = arith.constant 1024 : i32
      %broadcast_in_dim3A_26 = vector.broadcast %broadcast_in_dim3A_25 : i32 to vector<16xi32>
      %scan3A_27 = arith.constant 0 : i32
      %scan3A_28 = arith.constant 64 : i32
      %scan3A_29 = arith.addi %scan3A_27, %scan3A_28 : i32
      %scan3A_30 = arith.constant 1 : i32
      %scan3A_31 = scf.for %scan3A_93 = %scan3A_27 to %scan3A_29 step %scan3A_30 iter_args(%scan3A_94 = %broadcast_in_dim3A_26) -> (vector<16xi32>)  : i32 {
        %mul3A = arith.constant 16 : i32
        %mul3A_95 = arith.muli %scan3A_93, %mul3A : i32
        %get3A_96 = arith.index_cast %mul3A_95 : i32 to index
        %get3A_97 = tpu.vector_load %arg4[%get3A_96] {strides = array<i32>} : memref<2048xi32, #tpu.memory_space<vmem>>, vector<16xi32>,
        %mul3A_98 = arith.constant 16 : i32
        %mul3A_99 = arith.muli %scan3A_93, %mul3A_98 : i32
        %add3A_100 = arith.constant 1024 : i32
        %add3A_101 = arith.addi %add3A_100, %mul3A_99 : i32
        %get3A_102 = arith.index_cast %add3A_101 : i32 to index
        %get3A_103 = tpu.vector_load %arg4[%get3A_102] {strides = array<i32>} : memref<2048xi32, #tpu.memory_space<vmem>>, vector<16xi32>,
        %add3A_104 = arith.addi %get3A_97, %get3A_103 : vector<16xi32>
        %mul3A_105 = arith.constant 16 : i32
        %mul3A_106 = arith.muli %scan3A_93, %mul3A_105 : i32
        %add3A_107 = vector.broadcast %mul3A_106 : i32 to vector<16xi32>
        %add3A_108 = arith.addi %add3A_107, %iota3A : vector<16xi32>
        %gt3A = arith.constant 0 : i32
        %gt3A_109 = vector.broadcast %gt3A : i32 to vector<16xi32>
        %gt3A_110 = arith.cmpi sgt, %add3A_104, %gt3A_109 : vector<16xi32>
        %gt3A_111 = arith.cmpi sgt, %add3A_108, %and3A_24 : vector<16xi32>
        %and3A_112 = arith.andi %gt3A_110, %gt3A_111 : vector<16xi1>
        %broadcast_in_dim3A_113 = arith.constant 1024 : i32
        %broadcast_in_dim3A_114 = vector.broadcast %broadcast_in_dim3A_113 : i32 to vector<16xi32>
        %select_n3A_115 = arith.select %and3A_112, %add3A_108, %broadcast_in_dim3A_114 : vector<16xi1>, vector<16xi32>
        %min3A_116 = arith.minsi %scan3A_94, %select_n3A_115 : vector<16xi32>
        scf.yield %min3A_116 : vector<16xi32>
      }
      %scan3A_32 = arith.constant 64 : i32
      %reduce_min3A = arith.constant true
      %reduce_min3A_33 = vector.broadcast %reduce_min3A : i1 to vector<16xi1>
      %reduce_min3A_34 = arith.constant -2147483648 : i32
      %reduce_min3A_35 = vector.broadcast %reduce_min3A_34 : i32 to vector<16xi32>
      %reduce_min3A_36 = arith.xori %scan3A_31, %reduce_min3A_35 : vector<16xi32>
      %reduce_min3A_37 = tpu.scan <min>, %reduce_min3A_36 masked %reduce_min3A_33 : vector<16xi32>, vector<16xi1> -> vector<16xi32>
      %reduce_min3A_38 = arith.xori %reduce_min3A_37, %reduce_min3A_35 : vector<16xi32>
      %reduce_min3A_39 = vector.extract %reduce_min3A_38[15] : i32 from vector<16xi32>
      %lt3A = arith.constant 1024 : i32
      %lt3A_40 = arith.cmpi slt, %reduce_min3A_39, %lt3A : i32
      %shift_right_arithmetic3A = arith.constant 10 : i32
      %shift_right_arithmetic3A_41 = vector.broadcast %shift_right_arithmetic3A : i32 to vector<16xi32>
      %shift_right_arithmetic3A_42 = arith.shrsi %or3A, %shift_right_arithmetic3A_41 : vector<16xi32>
      %shift_left3A_43 = arith.constant 10 : i32
      %shift_left3A_44 = vector.broadcast %shift_left3A_43 : i32 to vector<16xi32>
      %shift_left3A_45 = arith.shli %shift_right_arithmetic3A_42, %shift_left3A_44 : vector<16xi32>
      %or3A_46 = vector.broadcast %reduce_min3A_39 : i32 to vector<16xi32>
      %or3A_47 = arith.ori %shift_left3A_45, %or3A_46 : vector<16xi32>
      %xor3A = arith.constant -2147483648 : i32
      %xor3A_48 = vector.broadcast %xor3A : i32 to vector<16xi32>
      %xor3A_49 = arith.xori %or3A_47, %xor3A_48 : vector<16xi32>
      %jit3A = arith.constant 2147483647 : i32
      %broadcast_in_dim3A_50 = vector.broadcast %jit3A : i32 to vector<16xi32>
      %select_n3A = arith.select %lt3A_40, %xor3A_49, %broadcast_in_dim3A_50 : vector<16xi32>
      "tpu.region"() ({
        %run_scoped3A = tpu.sem_alloc : memref<!tpu.dma_semaphore, #tpu.memory_space<semaphore_mem>>
        %dma_start3A = arith.constant 2048 : i32
        %dma_start3A_93 = tpu.memref_slice %arg2[%dma_start3A] : memref<2592xi32, #tpu.memory_space<hbm>> -> memref<512xi32, #tpu.memory_space<hbm>>
        %dma_start3A_94 = arith.constant 2048 : i32
        %dma_start3A_95 = tpu.memref_slice %arg2[%dma_start3A_94] : memref<2592xi32, #tpu.memory_space<hbm>> -> memref<512xi32, #tpu.memory_space<hbm>>
        tpu.enqueue_dma source(%dma_start3A_95 : memref<512xi32, #tpu.memory_space<hbm>>) target(%arg5 : memref<512xi32, #tpu.memory_space<vmem>>) target_semaphore(%run_scoped3A : memref<!tpu.dma_semaphore, #tpu.memory_space<semaphore_mem>>)
        %dma_wait3A = arith.constant 2048 : i32
        %dma_wait3A_96 = tpu.memref_slice %arg2[%dma_wait3A] : memref<2592xi32, #tpu.memory_space<hbm>> -> memref<512xi32, #tpu.memory_space<hbm>>
        %dma_wait3A_97 = arith.constant 2048 : i32
        %dma_wait3A_98 = tpu.memref_slice %arg2[%dma_wait3A_97] : memref<2592xi32, #tpu.memory_space<hbm>> -> memref<512xi32, #tpu.memory_space<hbm>>
        tpu.wait_dma2 semaphore(%run_scoped3A : memref<!tpu.dma_semaphore, #tpu.memory_space<semaphore_mem>>) src(%dma_wait3A_98 : memref<512xi32, #tpu.memory_space<hbm>>) dst(%arg5 : memref<512xi32, #tpu.memory_space<vmem>>)
        tpu.yield
      }) : () -> ()
      %broadcast_in_dim3A_51 = arith.constant 2147483647 : i32
      %broadcast_in_dim3A_52 = vector.broadcast %broadcast_in_dim3A_51 : i32 to vector<16xi32>
      %scan3A_53 = arith.constant 0 : i32
      %scan3A_54 = arith.constant 32 : i32
      %scan3A_55 = arith.addi %scan3A_53, %scan3A_54 : i32
      %scan3A_56 = arith.constant 1 : i32
      %scan3A_57 = scf.for %scan3A_93 = %scan3A_53 to %scan3A_55 step %scan3A_56 iter_args(%scan3A_94 = %broadcast_in_dim3A_52) -> (vector<16xi32>)  : i32 {
        %mul3A = arith.constant 16 : i32
        %mul3A_95 = arith.muli %scan3A_93, %mul3A : i32
        %get3A_96 = arith.index_cast %mul3A_95 : i32 to index
        %get3A_97 = tpu.vector_load %arg5[%get3A_96] {strides = array<i32>} : memref<512xi32, #tpu.memory_space<vmem>>, vector<16xi32>,
        %min3A_98 = arith.minsi %scan3A_94, %get3A_97 : vector<16xi32>
        scf.yield %min3A_98 : vector<16xi32>
      }
      %scan3A_58 = arith.constant 32 : i32
      %reduce_min3A_59 = arith.constant true
      %reduce_min3A_60 = vector.broadcast %reduce_min3A_59 : i1 to vector<16xi1>
      %reduce_min3A_61 = arith.constant -2147483648 : i32
      %reduce_min3A_62 = vector.broadcast %reduce_min3A_61 : i32 to vector<16xi32>
      %reduce_min3A_63 = arith.xori %scan3A_57, %reduce_min3A_62 : vector<16xi32>
      %reduce_min3A_64 = tpu.scan <min>, %reduce_min3A_63 masked %reduce_min3A_60 : vector<16xi32>, vector<16xi1> -> vector<16xi32>
      %reduce_min3A_65 = arith.xori %reduce_min3A_64, %reduce_min3A_62 : vector<16xi32>
      %reduce_min3A_66 = vector.extract %reduce_min3A_65[15] : i32 from vector<16xi32>
      %broadcast_in_dim3A_67 = arith.constant 1048575 : i32
      %broadcast_in_dim3A_68 = vector.broadcast %broadcast_in_dim3A_67 : i32 to vector<16xi32>
      %sub3A_69 = arith.subi %broadcast_in_dim3A_68, %sub3A : vector<16xi32>
      %add3A = arith.addi %sub3A_69, %scan3A_18#3 : vector<16xi32>
      %ge3A = arith.constant 1048577 : i32
      %ge3A_70 = vector.broadcast %ge3A : i32 to vector<16xi32>
      %ge3A_71 = arith.cmpi sge, %add3A, %ge3A_70 : vector<16xi32>
      %xor3A_72 = arith.constant -2147483648 : i32
      %xor3A_73 = vector.broadcast %xor3A_72 : i32 to vector<16xi32>
      %xor3A_74 = arith.xori %or3A, %xor3A_73 : vector<16xi32>
      %min3A = vector.broadcast %reduce_min3A_66 : i32 to vector<16xi32>
      %min3A_75 = arith.minsi %select_n3A, %min3A : vector<16xi32>
      %select_n3A_76 = arith.select %ge3A_71, %xor3A_74, %min3A_75 : vector<16xi1>, vector<16xi32>
      %xor3A_77 = arith.constant -2147483648 : i32
      %xor3A_78 = vector.broadcast %xor3A_77 : i32 to vector<16xi32>
      %xor3A_79 = arith.xori %select_n3A_76, %xor3A_78 : vector<16xi32>
      %eq3A_80 = arith.constant 1 : i32
      %eq3A_81 = vector.broadcast %eq3A_80 : i32 to vector<16xi32>
      %eq3A_82 = arith.cmpi eq, %iota3A, %eq3A_81 : vector<16xi32>
      %select_n3A_83 = arith.select %eq3A_82, %xor3A_79, %or3A : vector<16xi1>, vector<16xi32>
      %lt3A_84 = arith.constant 0 : i32
      %lt3A_85 = vector.broadcast %lt3A_84 : i32 to vector<16xi32>
      %lt3A_86 = arith.cmpi slt, %select_n3A_83, %lt3A_85 : vector<16xi32>
      %xor3A_87 = arith.constant -2147483648 : i32
      %xor3A_88 = vector.broadcast %xor3A_87 : i32 to vector<16xi32>
      %xor3A_89 = arith.xori %select_n3A_83, %xor3A_88 : vector<16xi32>
      %not3A = arith.constant dense<-1> : vector<16xi32>
      %not3A_90 = arith.xori %select_n3A_83, %not3A : vector<16xi32>
      %select_n3A_91 = arith.select %lt3A_86, %xor3A_89, %not3A_90 : vector<16xi1>, vector<16xi32>
      %bitcast_convert_type3A = tpu.bitcast %select_n3A_91 : vector<16xi32> -> vector<16xf32>
      %swap3A = arith.constant 0 : index
      %swap3A_92 = tpu.vector_load %arg6[%swap3A] {strides = array<i32>} : memref<16xf32, #tpu.memory_space<vmem>>, vector<16xf32>,
      tpu.vector_store %arg6[%swap3A], %bitcast_convert_type3A {strides = array<i32>} : memref<16xf32, #tpu.memory_space<vmem>>, vector<16xf32>,
      "tpu.region"() ({
        %run_scoped3A = tpu.sem_alloc : memref<!tpu.dma_semaphore, #tpu.memory_space<semaphore_mem>>
        tpu.enqueue_dma source(%arg6 : memref<16xf32, #tpu.memory_space<vmem>>) target(%arg3 : memref<16xf32, #tpu.memory_space<hbm>>) target_semaphore(%run_scoped3A : memref<!tpu.dma_semaphore, #tpu.memory_space<semaphore_mem>>)
        tpu.wait_dma2 semaphore(%run_scoped3A : memref<!tpu.dma_semaphore, #tpu.memory_space<semaphore_mem>>) src(%arg6 : memref<16xf32, #tpu.memory_space<vmem>>) dst(%arg3 : memref<16xf32, #tpu.memory_space<hbm>>)
        tpu.yield
      }) : () -> ()
    } else {
    }
    return
  }
}

#map = affine_map<(d0, d1) -> (0, 0)>
#map1 = affine_map<(d0, d1) -> (0)>
module attributes {stable_mosaic.version = 14 : i64} {
  func.func @body(%arg0: i32, %arg1: i32, %arg2: memref<64x32768xf32, #tpu.memory_space<hbm>>, %arg3: memref<4128xi32, #tpu.memory_space<hbm>>, %arg4: memref<2592xi32, #tpu.memory_space<hbm>>, %arg5: memref<65536xf32, #tpu.memory_space<vmem>>, %arg6: memref<1024xi32, #tpu.memory_space<vmem>>, %arg7: memref<1024xi32, #tpu.memory_space<vmem>>, %arg8: memref<1024xi32, #tpu.memory_space<vmem_shared>>, %arg9: memref<!tpu.dma_semaphore, #tpu.memory_space<semaphore_mem>>, %arg10: memref<4096xi32, #tpu.memory_space<vmem>>) attributes {dimension_semantics = [#tpu.dimension_semantics<core_parallel>, #tpu.dimension_semantics<subcore_parallel>], iteration_bounds = array<i64: 2, 16>, scalar_prefetch = 0 : i64, scratch_operands = 6 : i64, tpu.core_type = #tpu.core_type<sc_vector_subcore>, window_params = [{transform_indices = #map}, {transform_indices = #map1}, {transform_indices = #map1}]} {
    %mul3A = arith.constant 2 : i32
    %mul3A_0 = arith.muli %arg1, %mul3A : i32
    %add3A = arith.addi %mul3A_0, %arg0 : i32
    %mul3A_1 = arith.constant 2 : i32
    %mul3A_2 = arith.muli %add3A, %mul3A_1 : i32
    %add3A_3 = arith.constant 0 : i32
    %add3A_4 = arith.addi %mul3A_2, %add3A_3 : i32
    %dma_start3A = arith.constant 0 : i32
    %dma_start3A_5 = tpu.memref_slice %arg5[%dma_start3A] : memref<65536xf32, #tpu.memory_space<vmem>> -> memref<32768xf32, #tpu.memory_space<vmem>>
    %dma_start3A_6 = arith.constant 0 : i32
    %dma_start3A_7 = tpu.memref_slice %arg2[%add3A_4, %dma_start3A_6] : memref<64x32768xf32, #tpu.memory_space<hbm>> -> memref<1x32768xf32, #tpu.memory_space<hbm>>
    %dma_start3A_8 = tpu.memref_squeeze %dma_start3A_7 : memref<1x32768xf32, #tpu.memory_space<hbm>> -> memref<32768xf32, #tpu.memory_space<hbm>>
    %dma_start3A_9 = arith.constant 0 : i32
    %dma_start3A_10 = tpu.memref_slice %arg5[%dma_start3A_9] : memref<65536xf32, #tpu.memory_space<vmem>> -> memref<32768xf32, #tpu.memory_space<vmem>>
    %dma_start3A_11 = arith.constant 0 : i32
    %dma_start3A_12 = tpu.memref_slice %arg2[%add3A_4, %dma_start3A_11] : memref<64x32768xf32, #tpu.memory_space<hbm>> -> memref<1x32768xf32, #tpu.memory_space<hbm>>
    %dma_start3A_13 = tpu.memref_squeeze %dma_start3A_12 : memref<1x32768xf32, #tpu.memory_space<hbm>> -> memref<32768xf32, #tpu.memory_space<hbm>>
    tpu.enqueue_dma source(%dma_start3A_13 : memref<32768xf32, #tpu.memory_space<hbm>>) target(%dma_start3A_10 : memref<32768xf32, #tpu.memory_space<vmem>>) target_semaphore(%arg9 : memref<!tpu.dma_semaphore, #tpu.memory_space<semaphore_mem>>)
    %mul3A_14 = arith.constant 2 : i32
    %mul3A_15 = arith.muli %add3A, %mul3A_14 : i32
    %add3A_16 = arith.constant 1 : i32
    %add3A_17 = arith.addi %mul3A_15, %add3A_16 : i32
    %dma_start3A_18 = arith.constant 32768 : i32
    %dma_start3A_19 = tpu.memref_slice %arg5[%dma_start3A_18] : memref<65536xf32, #tpu.memory_space<vmem>> -> memref<32768xf32, #tpu.memory_space<vmem>>
    %dma_start3A_20 = arith.constant 0 : i32
    %dma_start3A_21 = tpu.memref_slice %arg2[%add3A_17, %dma_start3A_20] : memref<64x32768xf32, #tpu.memory_space<hbm>> -> memref<1x32768xf32, #tpu.memory_space<hbm>>
    %dma_start3A_22 = tpu.memref_squeeze %dma_start3A_21 : memref<1x32768xf32, #tpu.memory_space<hbm>> -> memref<32768xf32, #tpu.memory_space<hbm>>
    %dma_start3A_23 = arith.constant 32768 : i32
    %dma_start3A_24 = tpu.memref_slice %arg5[%dma_start3A_23] : memref<65536xf32, #tpu.memory_space<vmem>> -> memref<32768xf32, #tpu.memory_space<vmem>>
    %dma_start3A_25 = arith.constant 0 : i32
    %dma_start3A_26 = tpu.memref_slice %arg2[%add3A_17, %dma_start3A_25] : memref<64x32768xf32, #tpu.memory_space<hbm>> -> memref<1x32768xf32, #tpu.memory_space<hbm>>
    %dma_start3A_27 = tpu.memref_squeeze %dma_start3A_26 : memref<1x32768xf32, #tpu.memory_space<hbm>> -> memref<32768xf32, #tpu.memory_space<hbm>>
    tpu.enqueue_dma source(%dma_start3A_27 : memref<32768xf32, #tpu.memory_space<hbm>>) target(%dma_start3A_24 : memref<32768xf32, #tpu.memory_space<vmem>>) target_semaphore(%arg9 : memref<!tpu.dma_semaphore, #tpu.memory_space<semaphore_mem>>)
    %iota3A = tpu.iota {dimensions = array<i32: 0>} : vector<16xi32>
    %broadcast_in_dim3A = arith.constant 0 : i32
    %broadcast_in_dim3A_28 = vector.broadcast %broadcast_in_dim3A : i32 to vector<16xi32>
    %parallel_loop3A = arith.constant 0 : i32
    %parallel_loop3A_29 = arith.constant 64 : i32
    %parallel_loop3A_30 = arith.constant 1 : i32
    scf.for %parallel_loop3A_103 = %parallel_loop3A to %parallel_loop3A_29 step %parallel_loop3A_30  : i32 {
      %parallel_loop3A_104 = arith.constant 16 : i32
      %parallel_loop3A_105 = arith.muli %parallel_loop3A_103, %parallel_loop3A_104 : i32
      %parallel_loop3A_106 = arith.index_cast %parallel_loop3A_105 : i32 to index
      %parallel_loop3A_107 = tpu.vector_load %arg6[%parallel_loop3A_106] {strides = array<i32>} : memref<1024xi32, #tpu.memory_space<vmem>>, vector<16xi32>,
      tpu.vector_store %arg6[%parallel_loop3A_106], %broadcast_in_dim3A_28 {strides = array<i32>} : memref<1024xi32, #tpu.memory_space<vmem>>, vector<16xi32>,
      %parallel_loop3A_108 = arith.constant 16 : i32
      %parallel_loop3A_109 = arith.muli %parallel_loop3A_103, %parallel_loop3A_108 : i32
      %parallel_loop3A_110 = vector.broadcast %parallel_loop3A_109 : i32 to vector<16xi32>
      %parallel_loop3A_111 = arith.addi %iota3A, %parallel_loop3A_110 : vector<16xi32>
      %parallel_loop3A_112 = arith.constant 16 : i32
      %parallel_loop3A_113 = arith.muli %parallel_loop3A_103, %parallel_loop3A_112 : i32
      %parallel_loop3A_114 = arith.index_cast %parallel_loop3A_113 : i32 to index
      %parallel_loop3A_115 = tpu.vector_load %arg7[%parallel_loop3A_114] {strides = array<i32>} : memref<1024xi32, #tpu.memory_space<vmem>>, vector<16xi32>,
      tpu.vector_store %arg7[%parallel_loop3A_114], %parallel_loop3A_111 {strides = array<i32>} : memref<1024xi32, #tpu.memory_space<vmem>>, vector<16xi32>,
    } {sc.loop_unroll_factor = 8 : i64, sc.parallel_access}
    %eq3A = arith.constant 0 : i32
    %eq3A_31 = arith.cmpi eq, %arg1, %eq3A : i32
    %convert_element_type3A = arith.extui %eq3A_31 : i1 to i32
    %cond3A = arith.constant 0 : i32
    %cond3A_32 = arith.cmpi ne, %convert_element_type3A, %cond3A : i32
    scf.if %cond3A_32 {
      "tpu.region"() ({
        %run_scoped3A = tpu.sem_alloc : memref<!tpu.dma_semaphore, #tpu.memory_space<semaphore_mem>>
        tpu.enqueue_dma source(%arg6 : memref<1024xi32, #tpu.memory_space<vmem>>) target(%arg8 : memref<1024xi32, #tpu.memory_space<vmem_shared>>) target_semaphore(%run_scoped3A : memref<!tpu.dma_semaphore, #tpu.memory_space<semaphore_mem>>)
        tpu.wait_dma2 semaphore(%run_scoped3A : memref<!tpu.dma_semaphore, #tpu.memory_space<semaphore_mem>>) src(%arg6 : memref<1024xi32, #tpu.memory_space<vmem>>) dst(%arg8 : memref<1024xi32, #tpu.memory_space<vmem_shared>>)
        tpu.yield
      }) : () -> ()
    } else {
    }
    %barrier3A = arith.constant 0 : index
    tpu.barrier barrier_id(%barrier3A)
    "tpu.region"() ({
      %run_scoped3A = tpu.sem_alloc : memref<!tpu.dma_semaphore, #tpu.memory_space<semaphore_mem>>
      %dma_start3A_103 = arith.constant 0 : i32
      %dma_start3A_104 = tpu.memref_slice %arg10[%dma_start3A_103] : memref<4096xi32, #tpu.memory_space<vmem>> -> memref<32xi32, #tpu.memory_space<vmem>>
      %dma_start3A_105 = arith.constant 4096 : i32
      %dma_start3A_106 = tpu.memref_slice %arg3[%dma_start3A_105] : memref<4128xi32, #tpu.memory_space<hbm>> -> memref<32xi32, #tpu.memory_space<hbm>>
      %dma_start3A_107 = arith.constant 0 : i32
      %dma_start3A_108 = tpu.memref_slice %arg10[%dma_start3A_107] : memref<4096xi32, #tpu.memory_space<vmem>> -> memref<32xi32, #tpu.memory_space<vmem>>
      %dma_start3A_109 = arith.constant 4096 : i32
      %dma_start3A_110 = tpu.memref_slice %arg3[%dma_start3A_109] : memref<4128xi32, #tpu.memory_space<hbm>> -> memref<32xi32, #tpu.memory_space<hbm>>
      tpu.enqueue_dma source(%dma_start3A_110 : memref<32xi32, #tpu.memory_space<hbm>>) target(%dma_start3A_108 : memref<32xi32, #tpu.memory_space<vmem>>) target_semaphore(%run_scoped3A : memref<!tpu.dma_semaphore, #tpu.memory_space<semaphore_mem>>)
      %dma_wait3A_111 = arith.constant 0 : i32
      %dma_wait3A_112 = tpu.memref_slice %arg10[%dma_wait3A_111] : memref<4096xi32, #tpu.memory_space<vmem>> -> memref<32xi32, #tpu.memory_space<vmem>>
      %dma_wait3A_113 = arith.constant 4096 : i32
      %dma_wait3A_114 = tpu.memref_slice %arg3[%dma_wait3A_113] : memref<4128xi32, #tpu.memory_space<hbm>> -> memref<32xi32, #tpu.memory_space<hbm>>
      %dma_wait3A_115 = arith.constant 0 : i32
      %dma_wait3A_116 = tpu.memref_slice %arg10[%dma_wait3A_115] : memref<4096xi32, #tpu.memory_space<vmem>> -> memref<32xi32, #tpu.memory_space<vmem>>
      %dma_wait3A_117 = arith.constant 4096 : i32
      %dma_wait3A_118 = tpu.memref_slice %arg3[%dma_wait3A_117] : memref<4128xi32, #tpu.memory_space<hbm>> -> memref<32xi32, #tpu.memory_space<hbm>>
      tpu.wait_dma2 semaphore(%run_scoped3A : memref<!tpu.dma_semaphore, #tpu.memory_space<semaphore_mem>>) src(%dma_wait3A_118 : memref<32xi32, #tpu.memory_space<hbm>>) dst(%dma_wait3A_116 : memref<32xi32, #tpu.memory_space<vmem>>)
      tpu.yield
    }) : () -> ()
    %get3A = arith.constant 0 : index
    %get3A_33 = tpu.vector_load %arg10[%get3A] {strides = array<i32>} : memref<4096xi32, #tpu.memory_space<vmem>>, vector<16xi32>,
    %get3A_34 = arith.constant 16 : index
    %get3A_35 = tpu.vector_load %arg10[%get3A_34] {strides = array<i32>} : memref<4096xi32, #tpu.memory_space<vmem>>, vector<16xi32>,
    "tpu.region"() ({
      %run_scoped3A = tpu.sem_alloc : memref<!tpu.dma_semaphore, #tpu.memory_space<semaphore_mem>>
      %dma_start3A_103 = arith.constant 0 : i32
      %dma_start3A_104 = tpu.memref_slice %arg10[%dma_start3A_103] : memref<4096xi32, #tpu.memory_space<vmem>> -> memref<4096xi32, #tpu.memory_space<vmem>>
      %dma_start3A_105 = arith.constant 0 : i32
      %dma_start3A_106 = tpu.memref_slice %arg3[%dma_start3A_105] : memref<4128xi32, #tpu.memory_space<hbm>> -> memref<4096xi32, #tpu.memory_space<hbm>>
      %dma_start3A_107 = arith.constant 0 : i32
      %dma_start3A_108 = tpu.memref_slice %arg10[%dma_start3A_107] : memref<4096xi32, #tpu.memory_space<vmem>> -> memref<4096xi32, #tpu.memory_space<vmem>>
      %dma_start3A_109 = arith.constant 0 : i32
      %dma_start3A_110 = tpu.memref_slice %arg3[%dma_start3A_109] : memref<4128xi32, #tpu.memory_space<hbm>> -> memref<4096xi32, #tpu.memory_space<hbm>>
      tpu.enqueue_dma source(%dma_start3A_110 : memref<4096xi32, #tpu.memory_space<hbm>>) target(%dma_start3A_108 : memref<4096xi32, #tpu.memory_space<vmem>>) target_semaphore(%run_scoped3A : memref<!tpu.dma_semaphore, #tpu.memory_space<semaphore_mem>>)
      %dma_wait3A_111 = arith.constant 0 : i32
      %dma_wait3A_112 = tpu.memref_slice %arg10[%dma_wait3A_111] : memref<4096xi32, #tpu.memory_space<vmem>> -> memref<4096xi32, #tpu.memory_space<vmem>>
      %dma_wait3A_113 = arith.constant 0 : i32
      %dma_wait3A_114 = tpu.memref_slice %arg3[%dma_wait3A_113] : memref<4128xi32, #tpu.memory_space<hbm>> -> memref<4096xi32, #tpu.memory_space<hbm>>
      %dma_wait3A_115 = arith.constant 0 : i32
      %dma_wait3A_116 = tpu.memref_slice %arg10[%dma_wait3A_115] : memref<4096xi32, #tpu.memory_space<vmem>> -> memref<4096xi32, #tpu.memory_space<vmem>>
      %dma_wait3A_117 = arith.constant 0 : i32
      %dma_wait3A_118 = tpu.memref_slice %arg3[%dma_wait3A_117] : memref<4128xi32, #tpu.memory_space<hbm>> -> memref<4096xi32, #tpu.memory_space<hbm>>
      tpu.wait_dma2 semaphore(%run_scoped3A : memref<!tpu.dma_semaphore, #tpu.memory_space<semaphore_mem>>) src(%dma_wait3A_118 : memref<4096xi32, #tpu.memory_space<hbm>>) dst(%dma_wait3A_116 : memref<4096xi32, #tpu.memory_space<vmem>>)
      tpu.yield
    }) : () -> ()
    %iota3A_36 = tpu.iota {dimensions = array<i32: 0>} : vector<16xi32>
    %broadcast_in_dim3A_37 = arith.constant -1 : i32
    %broadcast_in_dim3A_38 = vector.broadcast %broadcast_in_dim3A_37 : i32 to vector<16xi32>
    %broadcast_in_dim3A_39 = arith.constant 0 : i32
    %broadcast_in_dim3A_40 = vector.broadcast %broadcast_in_dim3A_39 : i32 to vector<16xi32>
    %broadcast_in_dim3A_41 = arith.constant 0 : i32
    %broadcast_in_dim3A_42 = vector.broadcast %broadcast_in_dim3A_41 : i32 to vector<16xi32>
    %broadcast_in_dim3A_43 = arith.constant 0 : i32
    %broadcast_in_dim3A_44 = vector.broadcast %broadcast_in_dim3A_43 : i32 to vector<16xi32>
    %scan3A = arith.constant 0 : i32
    %scan3A_45 = arith.constant 128 : i32
    %scan3A_46 = arith.addi %scan3A, %scan3A_45 : i32
    %scan3A_47 = arith.constant 1 : i32
    %scan3A_48:4 = scf.for %scan3A_103 = %scan3A to %scan3A_46 step %scan3A_47 iter_args(%scan3A_104 = %broadcast_in_dim3A_38, %scan3A_105 = %broadcast_in_dim3A_40, %scan3A_106 = %broadcast_in_dim3A_42, %scan3A_107 = %broadcast_in_dim3A_44) -> (vector<16xi32>, vector<16xi32>, vector<16xi32>, vector<16xi32>)  : i32 {
      %mul3A_108 = arith.constant 16 : i32
      %mul3A_109 = arith.muli %scan3A_103, %mul3A_108 : i32
      %get3A_110 = arith.index_cast %mul3A_109 : i32 to index
      %get3A_111 = tpu.vector_load %arg10[%get3A_110] {strides = array<i32>} : memref<4096xi32, #tpu.memory_space<vmem>>, vector<16xi32>,
      %mul3A_112 = arith.constant 16 : i32
      %mul3A_113 = arith.muli %scan3A_103, %mul3A_112 : i32
      %add3A_114 = arith.constant 2048 : i32
      %add3A_115 = arith.addi %add3A_114, %mul3A_113 : i32
      %get3A_116 = arith.index_cast %add3A_115 : i32 to index
      %get3A_117 = tpu.vector_load %arg10[%get3A_116] {strides = array<i32>} : memref<4096xi32, #tpu.memory_space<vmem>>, vector<16xi32>,
      %add3A_118 = arith.addi %get3A_111, %get3A_117 : vector<16xi32>
      %broadcast_in_dim3A_119 = arith.constant true
      %broadcast_in_dim3A_120 = vector.broadcast %broadcast_in_dim3A_119 : i1 to vector<16xi1>
      %masked_cumsum3A = tpu.scan <sum>, %add3A_118 masked %broadcast_in_dim3A_120 : vector<16xi32>, vector<16xi1> -> vector<16xi32>
      %add3A_121 = arith.addi %scan3A_106, %masked_cumsum3A : vector<16xi32>
      %gt3A = arith.cmpi sgt, %add3A_121, %get3A_35 : vector<16xi32>
      %reduce_or3A = arith.constant 1.000000e+00 : f32
      %reduce_or3A_122 = arith.constant 0.000000e+00 : f32
      %reduce_or3A_123 = vector.broadcast %reduce_or3A : f32 to vector<16xf32>
      %reduce_or3A_124 = vector.broadcast %reduce_or3A_122 : f32 to vector<16xf32>
      %reduce_or3A_125 = arith.select %gt3A, %reduce_or3A_123, %reduce_or3A_124 : vector<16xi1>, vector<16xf32>
      %reduce_or3A_126 = arith.constant true
      %reduce_or3A_127 = vector.broadcast %reduce_or3A_126 : i1 to vector<16xi1>
      %reduce_or3A_128 = tpu.scan <max>, %reduce_or3A_125 masked %reduce_or3A_127 : vector<16xf32>, vector<16xi1> -> vector<16xf32>
      %reduce_or3A_129 = vector.extract %reduce_or3A_128[15] : f32 from vector<16xf32>
      %reduce_or3A_130 = arith.constant 0.000000e+00 : f32
      %reduce_or3A_131 = arith.cmpf ogt, %reduce_or3A_129, %reduce_or3A_130 : f32
      %all_reduce_ffs3A = tpu.all_reduce %gt3A {dim = 0 : i64, kind = #tpu.reduction_kind<find_first_set>} : vector<16xi1> -> vector<16xi32>
      %jit3A = arith.constant 16 : i32
      %broadcast_in_dim3A_132 = vector.broadcast %jit3A : i32 to vector<16xi32>
      %select_n3A = arith.select %reduce_or3A_131, %all_reduce_ffs3A, %broadcast_in_dim3A_132 : vector<16xi32>
      %ge3A = arith.constant 0 : i32
      %ge3A_133 = vector.broadcast %ge3A : i32 to vector<16xi32>
      %ge3A_134 = arith.cmpi sge, %scan3A_104, %ge3A_133 : vector<16xi32>
      %not3A = arith.constant dense<true> : vector<16xi1>
      %not3A_135 = arith.xori %ge3A_134, %not3A : vector<16xi1>
      %and3A_136 = vector.broadcast %reduce_or3A_131 : i1 to vector<16xi1>
      %and3A_137 = arith.andi %and3A_136, %not3A_135 : vector<16xi1>
      %mul3A_138 = arith.constant 16 : i32
      %mul3A_139 = arith.muli %scan3A_103, %mul3A_138 : i32
      %add3A_140 = vector.broadcast %mul3A_139 : i32 to vector<16xi32>
      %add3A_141 = arith.addi %add3A_140, %select_n3A : vector<16xi32>
      %select_n3A_142 = arith.select %and3A_137, %add3A_141, %scan3A_104 : vector<16xi1>, vector<16xi32>
      %lt3A = arith.cmpi slt, %iota3A_36, %select_n3A : vector<16xi32>
      %jit3A_143 = arith.constant 0 : i32
      %broadcast_in_dim3A_144 = vector.broadcast %jit3A_143 : i32 to vector<16xi32>
      %select_n3A_145 = arith.select %lt3A, %add3A_118, %broadcast_in_dim3A_144 : vector<16xi1>, vector<16xi32>
      %reduce_sum3A = arith.constant true
      %reduce_sum3A_146 = vector.broadcast %reduce_sum3A : i1 to vector<16xi1>
      %reduce_sum3A_147 = tpu.scan <sum>, %select_n3A_145 masked %reduce_sum3A_146 : vector<16xi32>, vector<16xi1> -> vector<16xi32>
      %reduce_sum3A_148 = vector.extract %reduce_sum3A_147[15] : i32 from vector<16xi32>
      %eq3A_149 = arith.cmpi eq, %iota3A_36, %select_n3A : vector<16xi32>
      %jit3A_150 = arith.constant 0 : i32
      %broadcast_in_dim3A_151 = vector.broadcast %jit3A_150 : i32 to vector<16xi32>
      %select_n3A_152 = arith.select %eq3A_149, %add3A_118, %broadcast_in_dim3A_151 : vector<16xi1>, vector<16xi32>
      %reduce_sum3A_153 = arith.constant true
      %reduce_sum3A_154 = vector.broadcast %reduce_sum3A_153 : i1 to vector<16xi1>
      %reduce_sum3A_155 = tpu.scan <sum>, %select_n3A_152 masked %reduce_sum3A_154 : vector<16xi32>, vector<16xi1> -> vector<16xi32>
      %reduce_sum3A_156 = vector.extract %reduce_sum3A_155[15] : i32 from vector<16xi32>
      %not3A_157 = arith.constant dense<true> : vector<16xi1>
      %not3A_158 = arith.xori %ge3A_134, %not3A_157 : vector<16xi1>
      %add3A_159 = vector.broadcast %reduce_sum3A_148 : i32 to vector<16xi32>
      %add3A_160 = arith.addi %scan3A_105, %add3A_159 : vector<16xi32>
      %select_n3A_161 = arith.select %not3A_158, %add3A_160, %scan3A_105 : vector<16xi1>, vector<16xi32>
      %and3A_162 = vector.broadcast %reduce_or3A_131 : i1 to vector<16xi1>
      %and3A_163 = arith.andi %not3A_158, %and3A_162 : vector<16xi1>
      %broadcast_in_dim3A_164 = vector.broadcast %reduce_sum3A_156 : i32 to vector<16xi32>
      %select_n3A_165 = arith.select %and3A_163, %broadcast_in_dim3A_164, %scan3A_107 : vector<16xi1>, vector<16xi32>
      %reduce_sum3A_166 = arith.constant true
      %reduce_sum3A_167 = vector.broadcast %reduce_sum3A_166 : i1 to vector<16xi1>
      %reduce_sum3A_168 = tpu.scan <sum>, %add3A_118 masked %reduce_sum3A_167 : vector<16xi32>, vector<16xi1> -> vector<16xi32>
      %reduce_sum3A_169 = vector.extract %reduce_sum3A_168[15] : i32 from vector<16xi32>
      %add3A_170 = vector.broadcast %reduce_sum3A_169 : i32 to vector<16xi32>
      %add3A_171 = arith.addi %scan3A_106, %add3A_170 : vector<16xi32>
      scf.yield %select_n3A_142, %select_n3A_161, %add3A_171, %select_n3A_165 : vector<16xi32>, vector<16xi32>, vector<16xi32>, vector<16xi32>
    }
    %scan3A_49 = arith.constant 128 : i32
    %shift_left3A = arith.constant 11 : i32
    %shift_left3A_50 = vector.broadcast %shift_left3A : i32 to vector<16xi32>
    %shift_left3A_51 = arith.shli %get3A_33, %shift_left3A_50 : vector<16xi32>
    %or3A = arith.ori %shift_left3A_51, %scan3A_48#0 : vector<16xi32>
    %sub3A = arith.subi %get3A_35, %scan3A_48#1 : vector<16xi32>
    %eq3A_52 = arith.constant 0 : i32
    %eq3A_53 = arith.cmpi eq, %arg1, %eq3A_52 : i32
    %eq3A_54 = arith.constant 0 : i32
    %eq3A_55 = arith.cmpi eq, %arg0, %eq3A_54 : i32
    %and3A = arith.andi %eq3A_53, %eq3A_55 : i1
    %convert_element_type3A_56 = arith.extui %and3A : i1 to i32
    %cond3A_57 = arith.constant 0 : i32
    %cond3A_58 = arith.cmpi ne, %convert_element_type3A_56, %cond3A_57 : i32
    scf.if %cond3A_58 {
      %swap3A_103 = arith.constant 0 : index
      %swap3A_104 = tpu.vector_load %arg10[%swap3A_103] {strides = array<i32>} : memref<4096xi32, #tpu.memory_space<vmem>>, vector<16xi32>,
      tpu.vector_store %arg10[%swap3A_103], %or3A {strides = array<i32>} : memref<4096xi32, #tpu.memory_space<vmem>>, vector<16xi32>,
      %swap3A_105 = arith.constant 16 : index
      %swap3A_106 = tpu.vector_load %arg10[%swap3A_105] {strides = array<i32>} : memref<4096xi32, #tpu.memory_space<vmem>>, vector<16xi32>,
      tpu.vector_store %arg10[%swap3A_105], %sub3A {strides = array<i32>} : memref<4096xi32, #tpu.memory_space<vmem>>, vector<16xi32>,
      "tpu.region"() ({
        %run_scoped3A = tpu.sem_alloc : memref<!tpu.dma_semaphore, #tpu.memory_space<semaphore_mem>>
        %dma_start3A_107 = arith.constant 0 : i32
        %dma_start3A_108 = tpu.memref_slice %arg10[%dma_start3A_107] : memref<4096xi32, #tpu.memory_space<vmem>> -> memref<32xi32, #tpu.memory_space<vmem>>
        %dma_start3A_109 = arith.constant 2560 : i32
        %dma_start3A_110 = tpu.memref_slice %arg4[%dma_start3A_109] : memref<2592xi32, #tpu.memory_space<hbm>> -> memref<32xi32, #tpu.memory_space<hbm>>
        %dma_start3A_111 = arith.constant 2560 : i32
        %dma_start3A_112 = tpu.memref_slice %arg4[%dma_start3A_111] : memref<2592xi32, #tpu.memory_space<hbm>> -> memref<32xi32, #tpu.memory_space<hbm>>
        %dma_start3A_113 = arith.constant 0 : i32
        %dma_start3A_114 = tpu.memref_slice %arg10[%dma_start3A_113] : memref<4096xi32, #tpu.memory_space<vmem>> -> memref<32xi32, #tpu.memory_space<vmem>>
        tpu.enqueue_dma source(%dma_start3A_114 : memref<32xi32, #tpu.memory_space<vmem>>) target(%dma_start3A_112 : memref<32xi32, #tpu.memory_space<hbm>>) target_semaphore(%run_scoped3A : memref<!tpu.dma_semaphore, #tpu.memory_space<semaphore_mem>>)
        %dma_wait3A_115 = arith.constant 0 : i32
        %dma_wait3A_116 = tpu.memref_slice %arg10[%dma_wait3A_115] : memref<4096xi32, #tpu.memory_space<vmem>> -> memref<32xi32, #tpu.memory_space<vmem>>
        %dma_wait3A_117 = arith.constant 2560 : i32
        %dma_wait3A_118 = tpu.memref_slice %arg4[%dma_wait3A_117] : memref<2592xi32, #tpu.memory_space<hbm>> -> memref<32xi32, #tpu.memory_space<hbm>>
        %dma_wait3A_119 = arith.constant 2560 : i32
        %dma_wait3A_120 = tpu.memref_slice %arg4[%dma_wait3A_119] : memref<2592xi32, #tpu.memory_space<hbm>> -> memref<32xi32, #tpu.memory_space<hbm>>
        %dma_wait3A_121 = arith.constant 0 : i32
        %dma_wait3A_122 = tpu.memref_slice %arg10[%dma_wait3A_121] : memref<4096xi32, #tpu.memory_space<vmem>> -> memref<32xi32, #tpu.memory_space<vmem>>
        tpu.wait_dma2 semaphore(%run_scoped3A : memref<!tpu.dma_semaphore, #tpu.memory_space<semaphore_mem>>) src(%dma_wait3A_122 : memref<32xi32, #tpu.memory_space<vmem>>) dst(%dma_wait3A_120 : memref<32xi32, #tpu.memory_space<hbm>>)
        tpu.yield
      }) : () -> ()
    } else {
    }
    %dma_wait3A = arith.constant 0 : i32
    %dma_wait3A_59 = tpu.memref_slice %arg5[%dma_wait3A] : memref<65536xf32, #tpu.memory_space<vmem>> -> memref<32768xf32, #tpu.memory_space<vmem>>
    %dma_wait3A_60 = arith.constant 0 : i32
    %dma_wait3A_61 = tpu.memref_slice %arg2[%add3A_4, %dma_wait3A_60] : memref<64x32768xf32, #tpu.memory_space<hbm>> -> memref<1x32768xf32, #tpu.memory_space<hbm>>
    %dma_wait3A_62 = tpu.memref_squeeze %dma_wait3A_61 : memref<1x32768xf32, #tpu.memory_space<hbm>> -> memref<32768xf32, #tpu.memory_space<hbm>>
    %dma_wait3A_63 = arith.constant 0 : i32
    %dma_wait3A_64 = tpu.memref_slice %arg5[%dma_wait3A_63] : memref<65536xf32, #tpu.memory_space<vmem>> -> memref<32768xf32, #tpu.memory_space<vmem>>
    %dma_wait3A_65 = arith.constant 0 : i32
    %dma_wait3A_66 = tpu.memref_slice %arg2[%add3A_4, %dma_wait3A_65] : memref<64x32768xf32, #tpu.memory_space<hbm>> -> memref<1x32768xf32, #tpu.memory_space<hbm>>
    %dma_wait3A_67 = tpu.memref_squeeze %dma_wait3A_66 : memref<1x32768xf32, #tpu.memory_space<hbm>> -> memref<32768xf32, #tpu.memory_space<hbm>>
    tpu.wait_dma2 semaphore(%arg9 : memref<!tpu.dma_semaphore, #tpu.memory_space<semaphore_mem>>) src(%dma_wait3A_67 : memref<32768xf32, #tpu.memory_space<hbm>>) dst(%dma_wait3A_64 : memref<32768xf32, #tpu.memory_space<vmem>>)
    %dma_wait3A_68 = arith.constant 32768 : i32
    %dma_wait3A_69 = tpu.memref_slice %arg5[%dma_wait3A_68] : memref<65536xf32, #tpu.memory_space<vmem>> -> memref<32768xf32, #tpu.memory_space<vmem>>
    %dma_wait3A_70 = arith.constant 0 : i32
    %dma_wait3A_71 = tpu.memref_slice %arg2[%add3A_17, %dma_wait3A_70] : memref<64x32768xf32, #tpu.memory_space<hbm>> -> memref<1x32768xf32, #tpu.memory_space<hbm>>
    %dma_wait3A_72 = tpu.memref_squeeze %dma_wait3A_71 : memref<1x32768xf32, #tpu.memory_space<hbm>> -> memref<32768xf32, #tpu.memory_space<hbm>>
    %dma_wait3A_73 = arith.constant 32768 : i32
    %dma_wait3A_74 = tpu.memref_slice %arg5[%dma_wait3A_73] : memref<65536xf32, #tpu.memory_space<vmem>> -> memref<32768xf32, #tpu.memory_space<vmem>>
    %dma_wait3A_75 = arith.constant 0 : i32
    %dma_wait3A_76 = tpu.memref_slice %arg2[%add3A_17, %dma_wait3A_75] : memref<64x32768xf32, #tpu.memory_space<hbm>> -> memref<1x32768xf32, #tpu.memory_space<hbm>>
    %dma_wait3A_77 = tpu.memref_squeeze %dma_wait3A_76 : memref<1x32768xf32, #tpu.memory_space<hbm>> -> memref<32768xf32, #tpu.memory_space<hbm>>
    tpu.wait_dma2 semaphore(%arg9 : memref<!tpu.dma_semaphore, #tpu.memory_space<semaphore_mem>>) src(%dma_wait3A_77 : memref<32768xf32, #tpu.memory_space<hbm>>) dst(%dma_wait3A_74 : memref<32768xf32, #tpu.memory_space<vmem>>)
    %broadcast_in_dim3A_78 = arith.constant 1 : i32
    %broadcast_in_dim3A_79 = vector.broadcast %broadcast_in_dim3A_78 : i32 to vector<16xi32>
    %broadcast_in_dim3A_80 = arith.constant 0 : i32
    %broadcast_in_dim3A_81 = vector.broadcast %broadcast_in_dim3A_80 : i32 to vector<16xi32>
    %broadcast_in_dim3A_82 = arith.constant 10 : i32
    %broadcast_in_dim3A_83 = vector.broadcast %broadcast_in_dim3A_82 : i32 to vector<16xi32>
    %broadcast_in_dim3A_84 = arith.constant 1023 : i32
    %broadcast_in_dim3A_85 = vector.broadcast %broadcast_in_dim3A_84 : i32 to vector<16xi32>
    %broadcast_in_dim3A_86 = arith.constant 2147483647 : i32
    %broadcast_in_dim3A_87 = vector.broadcast %broadcast_in_dim3A_86 : i32 to vector<16xi32>
    %parallel_loop3A_88 = arith.constant 0 : i32
    %parallel_loop3A_89 = arith.constant 4096 : i32
    %parallel_loop3A_90 = arith.constant 1 : i32
    %parallel_loop3A_91 = scf.for %parallel_loop3A_103 = %parallel_loop3A_88 to %parallel_loop3A_89 step %parallel_loop3A_90 iter_args(%parallel_loop3A_104 = %broadcast_in_dim3A_87) -> (vector<16xi32>)  : i32 {
      %parallel_loop3A_105 = arith.constant 16 : i32
      %parallel_loop3A_106 = arith.muli %parallel_loop3A_103, %parallel_loop3A_105 : i32
      %parallel_loop3A_107 = arith.index_cast %parallel_loop3A_106 : i32 to index
      %parallel_loop3A_108 = tpu.vector_load %arg5[%parallel_loop3A_107] {strides = array<i32>} : memref<65536xf32, #tpu.memory_space<vmem>>, vector<16xf32>,
      %parallel_loop3A_109 = tpu.bitcast %parallel_loop3A_108 : vector<16xf32> -> vector<16xi32>
      %parallel_loop3A_110 = arith.constant 31 : i32
      %parallel_loop3A_111 = vector.broadcast %parallel_loop3A_110 : i32 to vector<16xi32>
      %parallel_loop3A_112 = arith.shrsi %parallel_loop3A_109, %parallel_loop3A_111 : vector<16xi32>
      %parallel_loop3A_113 = arith.constant -2147483648 : i32
      %parallel_loop3A_114 = vector.broadcast %parallel_loop3A_113 : i32 to vector<16xi32>
      %parallel_loop3A_115 = arith.ori %parallel_loop3A_112, %parallel_loop3A_114 : vector<16xi32>
      %parallel_loop3A_116 = arith.xori %parallel_loop3A_109, %parallel_loop3A_115 : vector<16xi32>
      %parallel_loop3A_117 = arith.andi %parallel_loop3A_116, %broadcast_in_dim3A_85 : vector<16xi32>
      %parallel_loop3A_118 = arith.shrui %parallel_loop3A_116, %broadcast_in_dim3A_83 : vector<16xi32>
      %parallel_loop3A_119 = arith.cmpi eq, %parallel_loop3A_118, %or3A : vector<16xi32>
      tpu.vector_store_idx %arg6[%parallel_loop3A_117], %broadcast_in_dim3A_79 masked %parallel_loop3A_119 {add = true} : memref<1024xi32, #tpu.memory_space<vmem>>[vector<16xi32>], vector<16xi32>, vector<16xi1>
      %parallel_loop3A_120 = arith.cmpi sgt, %parallel_loop3A_118, %or3A : vector<16xi32>
      %parallel_loop3A_121 = arith.constant -2147483648 : i32
      %parallel_loop3A_122 = vector.broadcast %parallel_loop3A_121 : i32 to vector<16xi32>
      %parallel_loop3A_123 = arith.xori %parallel_loop3A_116, %parallel_loop3A_122 : vector<16xi32>
      %parallel_loop3A_124 = arith.minsi %parallel_loop3A_104, %parallel_loop3A_123 : vector<16xi32>
      %parallel_loop3A_125 = arith.select %parallel_loop3A_120, %parallel_loop3A_124, %parallel_loop3A_104 : vector<16xi1>, vector<16xi32>
      scf.yield %parallel_loop3A_125 : vector<16xi32>
    } {sc.loop_unroll_factor = 16 : i64, sc.parallel_access}
    "tpu.region"() ({
      %run_scoped3A = tpu.sem_alloc : memref<!tpu.dma_semaphore, #tpu.memory_space<semaphore_mem>>
      %dma_start3A_103 = arith.constant 0 : i32
      %dma_start3A_104 = tpu.memref_slice %arg8[%dma_start3A_103] : memref<1024xi32, #tpu.memory_space<vmem_shared>> -> memref<1024xi32, #tpu.memory_space<vmem_shared>>
      tpu.enqueue_indirect_dma source(%arg6 : memref<1024xi32, #tpu.memory_space<vmem>>) target(%dma_start3A_104 : memref<1024xi32, #tpu.memory_space<vmem_shared>>) offsets(%arg7 : memref<1024xi32, #tpu.memory_space<vmem>>) semaphore(%run_scoped3A : memref<!tpu.dma_semaphore, #tpu.memory_space<semaphore_mem>>) {add = true}
      %dma_wait3A_105 = arith.constant 0 : i32
      %dma_wait3A_106 = tpu.memref_slice %arg8[%dma_wait3A_105] : memref<1024xi32, #tpu.memory_space<vmem_shared>> -> memref<1024xi32, #tpu.memory_space<vmem_shared>>
      tpu.wait_indirect_dma semaphore(%run_scoped3A : memref<!tpu.dma_semaphore, #tpu.memory_space<semaphore_mem>>) src(%arg6 : memref<1024xi32, #tpu.memory_space<vmem>>) dst(%dma_wait3A_106 : memref<1024xi32, #tpu.memory_space<vmem_shared>>)
      tpu.yield
    }) : () -> ()
    %barrier3A_92 = arith.constant 0 : index
    tpu.barrier barrier_id(%barrier3A_92)
    %eq3A_93 = arith.constant 0 : i32
    %eq3A_94 = arith.cmpi eq, %arg1, %eq3A_93 : i32
    %convert_element_type3A_95 = arith.extui %eq3A_94 : i1 to i32
    %cond3A_96 = arith.constant 0 : i32
    %cond3A_97 = arith.cmpi ne, %convert_element_type3A_95, %cond3A_96 : i32
    scf.if %cond3A_97 {
      %mul3A_103 = arith.constant 1024 : i32
      %mul3A_104 = arith.muli %arg0, %mul3A_103 : i32
      "tpu.region"() ({
        %run_scoped3A = tpu.sem_alloc : memref<!tpu.dma_semaphore, #tpu.memory_space<semaphore_mem>>
        %dma_start3A_105 = tpu.memref_slice %arg4[%mul3A_104] : memref<2592xi32, #tpu.memory_space<hbm>> -> memref<1024xi32, #tpu.memory_space<hbm>>
        tpu.enqueue_dma source(%arg8 : memref<1024xi32, #tpu.memory_space<vmem_shared>>) target(%dma_start3A_105 : memref<1024xi32, #tpu.memory_space<hbm>>) target_semaphore(%run_scoped3A : memref<!tpu.dma_semaphore, #tpu.memory_space<semaphore_mem>>)
        %dma_wait3A_106 = tpu.memref_slice %arg4[%mul3A_104] : memref<2592xi32, #tpu.memory_space<hbm>> -> memref<1024xi32, #tpu.memory_space<hbm>>
        tpu.wait_dma2 semaphore(%run_scoped3A : memref<!tpu.dma_semaphore, #tpu.memory_space<semaphore_mem>>) src(%arg8 : memref<1024xi32, #tpu.memory_space<vmem_shared>>) dst(%dma_wait3A_106 : memref<1024xi32, #tpu.memory_space<hbm>>)
        tpu.yield
      }) : () -> ()
    } else {
    }
    %swap3A = arith.constant 0 : index
    %swap3A_98 = tpu.vector_load %arg7[%swap3A] {strides = array<i32>} : memref<1024xi32, #tpu.memory_space<vmem>>, vector<16xi32>,
    tpu.vector_store %arg7[%swap3A], %parallel_loop3A_91 {strides = array<i32>} : memref<1024xi32, #tpu.memory_space<vmem>>, vector<16xi32>,
    %mul3A_99 = arith.constant 16 : i32
    %mul3A_100 = arith.muli %add3A, %mul3A_99 : i32
    %add3A_101 = arith.constant 2048 : i32
    %add3A_102 = arith.addi %add3A_101, %mul3A_100 : i32
    "tpu.region"() ({
      %run_scoped3A = tpu.sem_alloc : memref<!tpu.dma_semaphore, #tpu.memory_space<semaphore_mem>>
      %dma_start3A_103 = arith.constant 0 : i32
      %dma_start3A_104 = tpu.memref_slice %arg7[%dma_start3A_103] : memref<1024xi32, #tpu.memory_space<vmem>> -> memref<16xi32, #tpu.memory_space<vmem>>
      %dma_start3A_105 = tpu.memref_slice %arg4[%add3A_102] : memref<2592xi32, #tpu.memory_space<hbm>> -> memref<16xi32, #tpu.memory_space<hbm>>
      %dma_start3A_106 = tpu.memref_slice %arg4[%add3A_102] : memref<2592xi32, #tpu.memory_space<hbm>> -> memref<16xi32, #tpu.memory_space<hbm>>
      %dma_start3A_107 = arith.constant 0 : i32
      %dma_start3A_108 = tpu.memref_slice %arg7[%dma_start3A_107] : memref<1024xi32, #tpu.memory_space<vmem>> -> memref<16xi32, #tpu.memory_space<vmem>>
      tpu.enqueue_dma source(%dma_start3A_108 : memref<16xi32, #tpu.memory_space<vmem>>) target(%dma_start3A_106 : memref<16xi32, #tpu.memory_space<hbm>>) target_semaphore(%run_scoped3A : memref<!tpu.dma_semaphore, #tpu.memory_space<semaphore_mem>>)
      %dma_wait3A_109 = arith.constant 0 : i32
      %dma_wait3A_110 = tpu.memref_slice %arg7[%dma_wait3A_109] : memref<1024xi32, #tpu.memory_space<vmem>> -> memref<16xi32, #tpu.memory_space<vmem>>
      %dma_wait3A_111 = tpu.memref_slice %arg4[%add3A_102] : memref<2592xi32, #tpu.memory_space<hbm>> -> memref<16xi32, #tpu.memory_space<hbm>>
      %dma_wait3A_112 = tpu.memref_slice %arg4[%add3A_102] : memref<2592xi32, #tpu.memory_space<hbm>> -> memref<16xi32, #tpu.memory_space<hbm>>
      %dma_wait3A_113 = arith.constant 0 : i32
      %dma_wait3A_114 = tpu.memref_slice %arg7[%dma_wait3A_113] : memref<1024xi32, #tpu.memory_space<vmem>> -> memref<16xi32, #tpu.memory_space<vmem>>
      tpu.wait_dma2 semaphore(%run_scoped3A : memref<!tpu.dma_semaphore, #tpu.memory_space<semaphore_mem>>) src(%dma_wait3A_114 : memref<16xi32, #tpu.memory_space<vmem>>) dst(%dma_wait3A_112 : memref<16xi32, #tpu.memory_space<hbm>>)
      tpu.yield
    }) : () -> ()
    return
  }
}

#map = affine_map<(d0, d1) -> (0, 0)>
#map1 = affine_map<(d0, d1) -> (0)>
module attributes {stable_mosaic.version = 14 : i64} {
  func.func @body(%arg0: i32, %arg1: i32, %arg2: memref<64x32768xf32, #tpu.memory_space<hbm>>, %arg3: memref<4096xi32, #tpu.memory_space<hbm>>, %arg4: memref<65536xf32, #tpu.memory_space<vmem>>, %arg5: memref<2048xi32, #tpu.memory_space<vmem>>, %arg6: memref<2048xi32, #tpu.memory_space<vmem>>, %arg7: memref<2048xi32, #tpu.memory_space<vmem_shared>>, %arg8: memref<!tpu.dma_semaphore, #tpu.memory_space<semaphore_mem>>) attributes {dimension_semantics = [#tpu.dimension_semantics<core_parallel>, #tpu.dimension_semantics<subcore_parallel>], iteration_bounds = array<i64: 2, 16>, scalar_prefetch = 0 : i64, scratch_operands = 5 : i64, tpu.core_type = #tpu.core_type<sc_vector_subcore>, window_params = [{transform_indices = #map}, {transform_indices = #map1}]} {
    %mul3A = arith.constant 2 : i32
    %mul3A_0 = arith.muli %arg1, %mul3A : i32
    %add3A = arith.addi %mul3A_0, %arg0 : i32
    %mul3A_1 = arith.constant 2 : i32
    %mul3A_2 = arith.muli %add3A, %mul3A_1 : i32
    %add3A_3 = arith.constant 0 : i32
    %add3A_4 = arith.addi %mul3A_2, %add3A_3 : i32
    %dma_start3A = arith.constant 0 : i32
    %dma_start3A_5 = tpu.memref_slice %arg4[%dma_start3A] : memref<65536xf32, #tpu.memory_space<vmem>> -> memref<32768xf32, #tpu.memory_space<vmem>>
    %dma_start3A_6 = arith.constant 0 : i32
    %dma_start3A_7 = tpu.memref_slice %arg2[%add3A_4, %dma_start3A_6] : memref<64x32768xf32, #tpu.memory_space<hbm>> -> memref<1x32768xf32, #tpu.memory_space<hbm>>
    %dma_start3A_8 = tpu.memref_squeeze %dma_start3A_7 : memref<1x32768xf32, #tpu.memory_space<hbm>> -> memref<32768xf32, #tpu.memory_space<hbm>>
    %dma_start3A_9 = arith.constant 0 : i32
    %dma_start3A_10 = tpu.memref_slice %arg4[%dma_start3A_9] : memref<65536xf32, #tpu.memory_space<vmem>> -> memref<32768xf32, #tpu.memory_space<vmem>>
    %dma_start3A_11 = arith.constant 0 : i32
    %dma_start3A_12 = tpu.memref_slice %arg2[%add3A_4, %dma_start3A_11] : memref<64x32768xf32, #tpu.memory_space<hbm>> -> memref<1x32768xf32, #tpu.memory_space<hbm>>
    %dma_start3A_13 = tpu.memref_squeeze %dma_start3A_12 : memref<1x32768xf32, #tpu.memory_space<hbm>> -> memref<32768xf32, #tpu.memory_space<hbm>>
    tpu.enqueue_dma source(%dma_start3A_13 : memref<32768xf32, #tpu.memory_space<hbm>>) target(%dma_start3A_10 : memref<32768xf32, #tpu.memory_space<vmem>>) target_semaphore(%arg8 : memref<!tpu.dma_semaphore, #tpu.memory_space<semaphore_mem>>)
    %mul3A_14 = arith.constant 2 : i32
    %mul3A_15 = arith.muli %add3A, %mul3A_14 : i32
    %add3A_16 = arith.constant 1 : i32
    %add3A_17 = arith.addi %mul3A_15, %add3A_16 : i32
    %dma_start3A_18 = arith.constant 32768 : i32
    %dma_start3A_19 = tpu.memref_slice %arg4[%dma_start3A_18] : memref<65536xf32, #tpu.memory_space<vmem>> -> memref<32768xf32, #tpu.memory_space<vmem>>
    %dma_start3A_20 = arith.constant 0 : i32
    %dma_start3A_21 = tpu.memref_slice %arg2[%add3A_17, %dma_start3A_20] : memref<64x32768xf32, #tpu.memory_space<hbm>> -> memref<1x32768xf32, #tpu.memory_space<hbm>>
    %dma_start3A_22 = tpu.memref_squeeze %dma_start3A_21 : memref<1x32768xf32, #tpu.memory_space<hbm>> -> memref<32768xf32, #tpu.memory_space<hbm>>
    %dma_start3A_23 = arith.constant 32768 : i32
    %dma_start3A_24 = tpu.memref_slice %arg4[%dma_start3A_23] : memref<65536xf32, #tpu.memory_space<vmem>> -> memref<32768xf32, #tpu.memory_space<vmem>>
    %dma_start3A_25 = arith.constant 0 : i32
    %dma_start3A_26 = tpu.memref_slice %arg2[%add3A_17, %dma_start3A_25] : memref<64x32768xf32, #tpu.memory_space<hbm>> -> memref<1x32768xf32, #tpu.memory_space<hbm>>
    %dma_start3A_27 = tpu.memref_squeeze %dma_start3A_26 : memref<1x32768xf32, #tpu.memory_space<hbm>> -> memref<32768xf32, #tpu.memory_space<hbm>>
    tpu.enqueue_dma source(%dma_start3A_27 : memref<32768xf32, #tpu.memory_space<hbm>>) target(%dma_start3A_24 : memref<32768xf32, #tpu.memory_space<vmem>>) target_semaphore(%arg8 : memref<!tpu.dma_semaphore, #tpu.memory_space<semaphore_mem>>)
    %iota3A = tpu.iota {dimensions = array<i32: 0>} : vector<16xi32>
    %broadcast_in_dim3A = arith.constant 0 : i32
    %broadcast_in_dim3A_28 = vector.broadcast %broadcast_in_dim3A : i32 to vector<16xi32>
    %parallel_loop3A = arith.constant 0 : i32
    %parallel_loop3A_29 = arith.constant 128 : i32
    %parallel_loop3A_30 = arith.constant 1 : i32
    scf.for %parallel_loop3A_72 = %parallel_loop3A to %parallel_loop3A_29 step %parallel_loop3A_30  : i32 {
      %parallel_loop3A_73 = arith.constant 16 : i32
      %parallel_loop3A_74 = arith.muli %parallel_loop3A_72, %parallel_loop3A_73 : i32
      %parallel_loop3A_75 = arith.index_cast %parallel_loop3A_74 : i32 to index
      %parallel_loop3A_76 = tpu.vector_load %arg5[%parallel_loop3A_75] {strides = array<i32>} : memref<2048xi32, #tpu.memory_space<vmem>>, vector<16xi32>,
      tpu.vector_store %arg5[%parallel_loop3A_75], %broadcast_in_dim3A_28 {strides = array<i32>} : memref<2048xi32, #tpu.memory_space<vmem>>, vector<16xi32>,
      %parallel_loop3A_77 = arith.constant 16 : i32
      %parallel_loop3A_78 = arith.muli %parallel_loop3A_72, %parallel_loop3A_77 : i32
      %parallel_loop3A_79 = vector.broadcast %parallel_loop3A_78 : i32 to vector<16xi32>
      %parallel_loop3A_80 = arith.addi %iota3A, %parallel_loop3A_79 : vector<16xi32>
      %parallel_loop3A_81 = arith.constant 16 : i32
      %parallel_loop3A_82 = arith.muli %parallel_loop3A_72, %parallel_loop3A_81 : i32
      %parallel_loop3A_83 = arith.index_cast %parallel_loop3A_82 : i32 to index
      %parallel_loop3A_84 = tpu.vector_load %arg6[%parallel_loop3A_83] {strides = array<i32>} : memref<2048xi32, #tpu.memory_space<vmem>>, vector<16xi32>,
      tpu.vector_store %arg6[%parallel_loop3A_83], %parallel_loop3A_80 {strides = array<i32>} : memref<2048xi32, #tpu.memory_space<vmem>>, vector<16xi32>,
    } {sc.loop_unroll_factor = 8 : i64, sc.parallel_access}
    %eq3A = arith.constant 0 : i32
    %eq3A_31 = arith.cmpi eq, %arg1, %eq3A : i32
    %convert_element_type3A = arith.extui %eq3A_31 : i1 to i32
    %cond3A = arith.constant 0 : i32
    %cond3A_32 = arith.cmpi ne, %convert_element_type3A, %cond3A : i32
    scf.if %cond3A_32 {
      "tpu.region"() ({
        %run_scoped3A = tpu.sem_alloc : memref<!tpu.dma_semaphore, #tpu.memory_space<semaphore_mem>>
        tpu.enqueue_dma source(%arg5 : memref<2048xi32, #tpu.memory_space<vmem>>) target(%arg7 : memref<2048xi32, #tpu.memory_space<vmem_shared>>) target_semaphore(%run_scoped3A : memref<!tpu.dma_semaphore, #tpu.memory_space<semaphore_mem>>)
        tpu.wait_dma2 semaphore(%run_scoped3A : memref<!tpu.dma_semaphore, #tpu.memory_space<semaphore_mem>>) src(%arg5 : memref<2048xi32, #tpu.memory_space<vmem>>) dst(%arg7 : memref<2048xi32, #tpu.memory_space<vmem_shared>>)
        tpu.yield
      }) : () -> ()
    } else {
    }
    %barrier3A = arith.constant 0 : index
    tpu.barrier barrier_id(%barrier3A)
    %dma_wait3A = arith.constant 0 : i32
    %dma_wait3A_33 = tpu.memref_slice %arg4[%dma_wait3A] : memref<65536xf32, #tpu.memory_space<vmem>> -> memref<32768xf32, #tpu.memory_space<vmem>>
    %dma_wait3A_34 = arith.constant 0 : i32
    %dma_wait3A_35 = tpu.memref_slice %arg2[%add3A_4, %dma_wait3A_34] : memref<64x32768xf32, #tpu.memory_space<hbm>> -> memref<1x32768xf32, #tpu.memory_space<hbm>>
    %dma_wait3A_36 = tpu.memref_squeeze %dma_wait3A_35 : memref<1x32768xf32, #tpu.memory_space<hbm>> -> memref<32768xf32, #tpu.memory_space<hbm>>
    %dma_wait3A_37 = arith.constant 0 : i32
    %dma_wait3A_38 = tpu.memref_slice %arg4[%dma_wait3A_37] : memref<65536xf32, #tpu.memory_space<vmem>> -> memref<32768xf32, #tpu.memory_space<vmem>>
    %dma_wait3A_39 = arith.constant 0 : i32
    %dma_wait3A_40 = tpu.memref_slice %arg2[%add3A_4, %dma_wait3A_39] : memref<64x32768xf32, #tpu.memory_space<hbm>> -> memref<1x32768xf32, #tpu.memory_space<hbm>>
    %dma_wait3A_41 = tpu.memref_squeeze %dma_wait3A_40 : memref<1x32768xf32, #tpu.memory_space<hbm>> -> memref<32768xf32, #tpu.memory_space<hbm>>
    tpu.wait_dma2 semaphore(%arg8 : memref<!tpu.dma_semaphore, #tpu.memory_space<semaphore_mem>>) src(%dma_wait3A_41 : memref<32768xf32, #tpu.memory_space<hbm>>) dst(%dma_wait3A_38 : memref<32768xf32, #tpu.memory_space<vmem>>)
    %dma_wait3A_42 = arith.constant 32768 : i32
    %dma_wait3A_43 = tpu.memref_slice %arg4[%dma_wait3A_42] : memref<65536xf32, #tpu.memory_space<vmem>> -> memref<32768xf32, #tpu.memory_space<vmem>>
    %dma_wait3A_44 = arith.constant 0 : i32
    %dma_wait3A_45 = tpu.memref_slice %arg2[%add3A_17, %dma_wait3A_44] : memref<64x32768xf32, #tpu.memory_space<hbm>> -> memref<1x32768xf32, #tpu.memory_space<hbm>>
    %dma_wait3A_46 = tpu.memref_squeeze %dma_wait3A_45 : memref<1x32768xf32, #tpu.memory_space<hbm>> -> memref<32768xf32, #tpu.memory_space<hbm>>
    %dma_wait3A_47 = arith.constant 32768 : i32
    %dma_wait3A_48 = tpu.memref_slice %arg4[%dma_wait3A_47] : memref<65536xf32, #tpu.memory_space<vmem>> -> memref<32768xf32, #tpu.memory_space<vmem>>
    %dma_wait3A_49 = arith.constant 0 : i32
    %dma_wait3A_50 = tpu.memref_slice %arg2[%add3A_17, %dma_wait3A_49] : memref<64x32768xf32, #tpu.memory_space<hbm>> -> memref<1x32768xf32, #tpu.memory_space<hbm>>
    %dma_wait3A_51 = tpu.memref_squeeze %dma_wait3A_50 : memref<1x32768xf32, #tpu.memory_space<hbm>> -> memref<32768xf32, #tpu.memory_space<hbm>>
    tpu.wait_dma2 semaphore(%arg8 : memref<!tpu.dma_semaphore, #tpu.memory_space<semaphore_mem>>) src(%dma_wait3A_51 : memref<32768xf32, #tpu.memory_space<hbm>>) dst(%dma_wait3A_48 : memref<32768xf32, #tpu.memory_space<vmem>>)
    %broadcast_in_dim3A_52 = arith.constant 1 : i32
    %broadcast_in_dim3A_53 = vector.broadcast %broadcast_in_dim3A_52 : i32 to vector<16xi32>
    %broadcast_in_dim3A_54 = arith.constant 21 : i32
    %broadcast_in_dim3A_55 = vector.broadcast %broadcast_in_dim3A_54 : i32 to vector<16xi32>
    %broadcast_in_dim3A_56 = arith.constant 32 : i32
    %broadcast_in_dim3A_57 = vector.broadcast %broadcast_in_dim3A_56 : i32 to vector<16xi32>
    %broadcast_in_dim3A_58 = arith.constant 2047 : i32
    %broadcast_in_dim3A_59 = vector.broadcast %broadcast_in_dim3A_58 : i32 to vector<16xi32>
    %broadcast_in_dim3A_60 = arith.constant 2147483647 : i32
    %broadcast_in_dim3A_61 = vector.broadcast %broadcast_in_dim3A_60 : i32 to vector<16xi32>
    %parallel_loop3A_62 = arith.constant 0 : i32
    %parallel_loop3A_63 = arith.constant 4096 : i32
    %parallel_loop3A_64 = arith.constant 1 : i32
    %parallel_loop3A_65 = scf.for %parallel_loop3A_72 = %parallel_loop3A_62 to %parallel_loop3A_63 step %parallel_loop3A_64 iter_args(%parallel_loop3A_73 = %broadcast_in_dim3A_61) -> (vector<16xi32>)  : i32 {
      %parallel_loop3A_74 = arith.constant 16 : i32
      %parallel_loop3A_75 = arith.muli %parallel_loop3A_72, %parallel_loop3A_74 : i32
      %parallel_loop3A_76 = arith.index_cast %parallel_loop3A_75 : i32 to index
      %parallel_loop3A_77 = tpu.vector_load %arg4[%parallel_loop3A_76] {strides = array<i32>} : memref<65536xf32, #tpu.memory_space<vmem>>, vector<16xf32>,
      %parallel_loop3A_78 = tpu.bitcast %parallel_loop3A_77 : vector<16xf32> -> vector<16xi32>
      %parallel_loop3A_79 = arith.constant 31 : i32
      %parallel_loop3A_80 = vector.broadcast %parallel_loop3A_79 : i32 to vector<16xi32>
      %parallel_loop3A_81 = arith.shrsi %parallel_loop3A_78, %parallel_loop3A_80 : vector<16xi32>
      %parallel_loop3A_82 = arith.constant -2147483648 : i32
      %parallel_loop3A_83 = vector.broadcast %parallel_loop3A_82 : i32 to vector<16xi32>
      %parallel_loop3A_84 = arith.ori %parallel_loop3A_81, %parallel_loop3A_83 : vector<16xi32>
      %parallel_loop3A_85 = arith.xori %parallel_loop3A_78, %parallel_loop3A_84 : vector<16xi32>
      %parallel_loop3A_86 = arith.shrui %parallel_loop3A_85, %broadcast_in_dim3A_55 : vector<16xi32>
      %parallel_loop3A_87 = arith.andi %parallel_loop3A_86, %broadcast_in_dim3A_59 : vector<16xi32>
      tpu.vector_store_idx %arg5[%parallel_loop3A_87], %broadcast_in_dim3A_53 {add = true} : memref<2048xi32, #tpu.memory_space<vmem>>[vector<16xi32>], vector<16xi32>,
      scf.yield %parallel_loop3A_73 : vector<16xi32>
    } {sc.loop_unroll_factor = 16 : i64, sc.parallel_access}
    "tpu.region"() ({
      %run_scoped3A = tpu.sem_alloc : memref<!tpu.dma_semaphore, #tpu.memory_space<semaphore_mem>>
      %dma_start3A_72 = arith.constant 0 : i32
      %dma_start3A_73 = tpu.memref_slice %arg7[%dma_start3A_72] : memref<2048xi32, #tpu.memory_space<vmem_shared>> -> memref<2048xi32, #tpu.memory_space<vmem_shared>>
      tpu.enqueue_indirect_dma source(%arg5 : memref<2048xi32, #tpu.memory_space<vmem>>) target(%dma_start3A_73 : memref<2048xi32, #tpu.memory_space<vmem_shared>>) offsets(%arg6 : memref<2048xi32, #tpu.memory_space<vmem>>) semaphore(%run_scoped3A : memref<!tpu.dma_semaphore, #tpu.memory_space<semaphore_mem>>) {add = true}
      %dma_wait3A_74 = arith.constant 0 : i32
      %dma_wait3A_75 = tpu.memref_slice %arg7[%dma_wait3A_74] : memref<2048xi32, #tpu.memory_space<vmem_shared>> -> memref<2048xi32, #tpu.memory_space<vmem_shared>>
      tpu.wait_indirect_dma semaphore(%run_scoped3A : memref<!tpu.dma_semaphore, #tpu.memory_space<semaphore_mem>>) src(%arg5 : memref<2048xi32, #tpu.memory_space<vmem>>) dst(%dma_wait3A_75 : memref<2048xi32, #tpu.memory_space<vmem_shared>>)
      tpu.yield
    }) : () -> ()
    %barrier3A_66 = arith.constant 0 : index
    tpu.barrier barrier_id(%barrier3A_66)
    %eq3A_67 = arith.constant 0 : i32
    %eq3A_68 = arith.cmpi eq, %arg1, %eq3A_67 : i32
    %convert_element_type3A_69 = arith.extui %eq3A_68 : i1 to i32
    %cond3A_70 = arith.constant 0 : i32
    %cond3A_71 = arith.cmpi ne, %convert_element_type3A_69, %cond3A_70 : i32
    scf.if %cond3A_71 {
      %mul3A_72 = arith.constant 2048 : i32
      %mul3A_73 = arith.muli %arg0, %mul3A_72 : i32
      "tpu.region"() ({
        %run_scoped3A = tpu.sem_alloc : memref<!tpu.dma_semaphore, #tpu.memory_space<semaphore_mem>>
        %dma_start3A_74 = tpu.memref_slice %arg3[%mul3A_73] : memref<4096xi32, #tpu.memory_space<hbm>> -> memref<2048xi32, #tpu.memory_space<hbm>>
        tpu.enqueue_dma source(%arg7 : memref<2048xi32, #tpu.memory_space<vmem_shared>>) target(%dma_start3A_74 : memref<2048xi32, #tpu.memory_space<hbm>>) target_semaphore(%run_scoped3A : memref<!tpu.dma_semaphore, #tpu.memory_space<semaphore_mem>>)
        %dma_wait3A_75 = tpu.memref_slice %arg3[%mul3A_73] : memref<4096xi32, #tpu.memory_space<hbm>> -> memref<2048xi32, #tpu.memory_space<hbm>>
        tpu.wait_dma2 semaphore(%run_scoped3A : memref<!tpu.dma_semaphore, #tpu.memory_space<semaphore_mem>>) src(%arg7 : memref<2048xi32, #tpu.memory_space<vmem_shared>>) dst(%dma_wait3A_75 : memref<2048xi32, #tpu.memory_space<hbm>>)
        tpu.yield
      }) : () -> ()
    } else {
    }
    return
  }
}

#map = affine_map<(d0, d1) -> (0, 0)>
#map1 = affine_map<(d0, d1) -> (0)>
module attributes {stable_mosaic.version = 14 : i64} {
  func.func @body(%arg0: i32, %arg1: i32, %arg2: memref<64x32768xf32, #tpu.memory_space<hbm>>, %arg3: memref<4096xi32, #tpu.memory_space<hbm>>, %arg4: memref<4128xi32, #tpu.memory_space<hbm>>, %arg5: memref<65536xf32, #tpu.memory_space<vmem>>, %arg6: memref<2048xi32, #tpu.memory_space<vmem>>, %arg7: memref<2048xi32, #tpu.memory_space<vmem>>, %arg8: memref<2048xi32, #tpu.memory_space<vmem_shared>>, %arg9: memref<!tpu.dma_semaphore, #tpu.memory_space<semaphore_mem>>, %arg10: memref<4096xi32, #tpu.memory_space<vmem>>) attributes {dimension_semantics = [#tpu.dimension_semantics<core_parallel>, #tpu.dimension_semantics<subcore_parallel>], iteration_bounds = array<i64: 2, 16>, scalar_prefetch = 0 : i64, scratch_operands = 6 : i64, tpu.core_type = #tpu.core_type<sc_vector_subcore>, window_params = [{transform_indices = #map}, {transform_indices = #map1}, {transform_indices = #map1}]} {
    %mul3A = arith.constant 2 : i32
    %mul3A_0 = arith.muli %arg1, %mul3A : i32
    %add3A = arith.addi %mul3A_0, %arg0 : i32
    %mul3A_1 = arith.constant 2 : i32
    %mul3A_2 = arith.muli %add3A, %mul3A_1 : i32
    %add3A_3 = arith.constant 0 : i32
    %add3A_4 = arith.addi %mul3A_2, %add3A_3 : i32
    %dma_start3A = arith.constant 0 : i32
    %dma_start3A_5 = tpu.memref_slice %arg5[%dma_start3A] : memref<65536xf32, #tpu.memory_space<vmem>> -> memref<32768xf32, #tpu.memory_space<vmem>>
    %dma_start3A_6 = arith.constant 0 : i32
    %dma_start3A_7 = tpu.memref_slice %arg2[%add3A_4, %dma_start3A_6] : memref<64x32768xf32, #tpu.memory_space<hbm>> -> memref<1x32768xf32, #tpu.memory_space<hbm>>
    %dma_start3A_8 = tpu.memref_squeeze %dma_start3A_7 : memref<1x32768xf32, #tpu.memory_space<hbm>> -> memref<32768xf32, #tpu.memory_space<hbm>>
    %dma_start3A_9 = arith.constant 0 : i32
    %dma_start3A_10 = tpu.memref_slice %arg5[%dma_start3A_9] : memref<65536xf32, #tpu.memory_space<vmem>> -> memref<32768xf32, #tpu.memory_space<vmem>>
    %dma_start3A_11 = arith.constant 0 : i32
    %dma_start3A_12 = tpu.memref_slice %arg2[%add3A_4, %dma_start3A_11] : memref<64x32768xf32, #tpu.memory_space<hbm>> -> memref<1x32768xf32, #tpu.memory_space<hbm>>
    %dma_start3A_13 = tpu.memref_squeeze %dma_start3A_12 : memref<1x32768xf32, #tpu.memory_space<hbm>> -> memref<32768xf32, #tpu.memory_space<hbm>>
    tpu.enqueue_dma source(%dma_start3A_13 : memref<32768xf32, #tpu.memory_space<hbm>>) target(%dma_start3A_10 : memref<32768xf32, #tpu.memory_space<vmem>>) target_semaphore(%arg9 : memref<!tpu.dma_semaphore, #tpu.memory_space<semaphore_mem>>)
    %mul3A_14 = arith.constant 2 : i32
    %mul3A_15 = arith.muli %add3A, %mul3A_14 : i32
    %add3A_16 = arith.constant 1 : i32
    %add3A_17 = arith.addi %mul3A_15, %add3A_16 : i32
    %dma_start3A_18 = arith.constant 32768 : i32
    %dma_start3A_19 = tpu.memref_slice %arg5[%dma_start3A_18] : memref<65536xf32, #tpu.memory_space<vmem>> -> memref<32768xf32, #tpu.memory_space<vmem>>
    %dma_start3A_20 = arith.constant 0 : i32
    %dma_start3A_21 = tpu.memref_slice %arg2[%add3A_17, %dma_start3A_20] : memref<64x32768xf32, #tpu.memory_space<hbm>> -> memref<1x32768xf32, #tpu.memory_space<hbm>>
    %dma_start3A_22 = tpu.memref_squeeze %dma_start3A_21 : memref<1x32768xf32, #tpu.memory_space<hbm>> -> memref<32768xf32, #tpu.memory_space<hbm>>
    %dma_start3A_23 = arith.constant 32768 : i32
    %dma_start3A_24 = tpu.memref_slice %arg5[%dma_start3A_23] : memref<65536xf32, #tpu.memory_space<vmem>> -> memref<32768xf32, #tpu.memory_space<vmem>>
    %dma_start3A_25 = arith.constant 0 : i32
    %dma_start3A_26 = tpu.memref_slice %arg2[%add3A_17, %dma_start3A_25] : memref<64x32768xf32, #tpu.memory_space<hbm>> -> memref<1x32768xf32, #tpu.memory_space<hbm>>
    %dma_start3A_27 = tpu.memref_squeeze %dma_start3A_26 : memref<1x32768xf32, #tpu.memory_space<hbm>> -> memref<32768xf32, #tpu.memory_space<hbm>>
    tpu.enqueue_dma source(%dma_start3A_27 : memref<32768xf32, #tpu.memory_space<hbm>>) target(%dma_start3A_24 : memref<32768xf32, #tpu.memory_space<vmem>>) target_semaphore(%arg9 : memref<!tpu.dma_semaphore, #tpu.memory_space<semaphore_mem>>)
    %iota3A = tpu.iota {dimensions = array<i32: 0>} : vector<16xi32>
    %broadcast_in_dim3A = arith.constant 0 : i32
    %broadcast_in_dim3A_28 = vector.broadcast %broadcast_in_dim3A : i32 to vector<16xi32>
    %parallel_loop3A = arith.constant 0 : i32
    %parallel_loop3A_29 = arith.constant 128 : i32
    %parallel_loop3A_30 = arith.constant 1 : i32
    scf.for %parallel_loop3A_99 = %parallel_loop3A to %parallel_loop3A_29 step %parallel_loop3A_30  : i32 {
      %parallel_loop3A_100 = arith.constant 16 : i32
      %parallel_loop3A_101 = arith.muli %parallel_loop3A_99, %parallel_loop3A_100 : i32
      %parallel_loop3A_102 = arith.index_cast %parallel_loop3A_101 : i32 to index
      %parallel_loop3A_103 = tpu.vector_load %arg6[%parallel_loop3A_102] {strides = array<i32>} : memref<2048xi32, #tpu.memory_space<vmem>>, vector<16xi32>,
      tpu.vector_store %arg6[%parallel_loop3A_102], %broadcast_in_dim3A_28 {strides = array<i32>} : memref<2048xi32, #tpu.memory_space<vmem>>, vector<16xi32>,
      %parallel_loop3A_104 = arith.constant 16 : i32
      %parallel_loop3A_105 = arith.muli %parallel_loop3A_99, %parallel_loop3A_104 : i32
      %parallel_loop3A_106 = vector.broadcast %parallel_loop3A_105 : i32 to vector<16xi32>
      %parallel_loop3A_107 = arith.addi %iota3A, %parallel_loop3A_106 : vector<16xi32>
      %parallel_loop3A_108 = arith.constant 16 : i32
      %parallel_loop3A_109 = arith.muli %parallel_loop3A_99, %parallel_loop3A_108 : i32
      %parallel_loop3A_110 = arith.index_cast %parallel_loop3A_109 : i32 to index
      %parallel_loop3A_111 = tpu.vector_load %arg7[%parallel_loop3A_110] {strides = array<i32>} : memref<2048xi32, #tpu.memory_space<vmem>>, vector<16xi32>,
      tpu.vector_store %arg7[%parallel_loop3A_110], %parallel_loop3A_107 {strides = array<i32>} : memref<2048xi32, #tpu.memory_space<vmem>>, vector<16xi32>,
    } {sc.loop_unroll_factor = 8 : i64, sc.parallel_access}
    %eq3A = arith.constant 0 : i32
    %eq3A_31 = arith.cmpi eq, %arg1, %eq3A : i32
    %convert_element_type3A = arith.extui %eq3A_31 : i1 to i32
    %cond3A = arith.constant 0 : i32
    %cond3A_32 = arith.cmpi ne, %convert_element_type3A, %cond3A : i32
    scf.if %cond3A_32 {
      "tpu.region"() ({
        %run_scoped3A = tpu.sem_alloc : memref<!tpu.dma_semaphore, #tpu.memory_space<semaphore_mem>>
        tpu.enqueue_dma source(%arg6 : memref<2048xi32, #tpu.memory_space<vmem>>) target(%arg8 : memref<2048xi32, #tpu.memory_space<vmem_shared>>) target_semaphore(%run_scoped3A : memref<!tpu.dma_semaphore, #tpu.memory_space<semaphore_mem>>)
        tpu.wait_dma2 semaphore(%run_scoped3A : memref<!tpu.dma_semaphore, #tpu.memory_space<semaphore_mem>>) src(%arg6 : memref<2048xi32, #tpu.memory_space<vmem>>) dst(%arg8 : memref<2048xi32, #tpu.memory_space<vmem_shared>>)
        tpu.yield
      }) : () -> ()
    } else {
    }
    %barrier3A = arith.constant 0 : index
    tpu.barrier barrier_id(%barrier3A)
    %broadcast_in_dim3A_33 = arith.constant 0 : i32
    %broadcast_in_dim3A_34 = vector.broadcast %broadcast_in_dim3A_33 : i32 to vector<16xi32>
    %broadcast_in_dim3A_35 = arith.constant 1048575 : i32
    %broadcast_in_dim3A_36 = vector.broadcast %broadcast_in_dim3A_35 : i32 to vector<16xi32>
    "tpu.region"() ({
      %run_scoped3A = tpu.sem_alloc : memref<!tpu.dma_semaphore, #tpu.memory_space<semaphore_mem>>
      %dma_start3A_99 = arith.constant 0 : i32
      %dma_start3A_100 = tpu.memref_slice %arg10[%dma_start3A_99] : memref<4096xi32, #tpu.memory_space<vmem>> -> memref<4096xi32, #tpu.memory_space<vmem>>
      %dma_start3A_101 = arith.constant 0 : i32
      %dma_start3A_102 = tpu.memref_slice %arg3[%dma_start3A_101] : memref<4096xi32, #tpu.memory_space<hbm>> -> memref<4096xi32, #tpu.memory_space<hbm>>
      %dma_start3A_103 = arith.constant 0 : i32
      %dma_start3A_104 = tpu.memref_slice %arg10[%dma_start3A_103] : memref<4096xi32, #tpu.memory_space<vmem>> -> memref<4096xi32, #tpu.memory_space<vmem>>
      %dma_start3A_105 = arith.constant 0 : i32
      %dma_start3A_106 = tpu.memref_slice %arg3[%dma_start3A_105] : memref<4096xi32, #tpu.memory_space<hbm>> -> memref<4096xi32, #tpu.memory_space<hbm>>
      tpu.enqueue_dma source(%dma_start3A_106 : memref<4096xi32, #tpu.memory_space<hbm>>) target(%dma_start3A_104 : memref<4096xi32, #tpu.memory_space<vmem>>) target_semaphore(%run_scoped3A : memref<!tpu.dma_semaphore, #tpu.memory_space<semaphore_mem>>)
      %dma_wait3A_107 = arith.constant 0 : i32
      %dma_wait3A_108 = tpu.memref_slice %arg10[%dma_wait3A_107] : memref<4096xi32, #tpu.memory_space<vmem>> -> memref<4096xi32, #tpu.memory_space<vmem>>
      %dma_wait3A_109 = arith.constant 0 : i32
      %dma_wait3A_110 = tpu.memref_slice %arg3[%dma_wait3A_109] : memref<4096xi32, #tpu.memory_space<hbm>> -> memref<4096xi32, #tpu.memory_space<hbm>>
      %dma_wait3A_111 = arith.constant 0 : i32
      %dma_wait3A_112 = tpu.memref_slice %arg10[%dma_wait3A_111] : memref<4096xi32, #tpu.memory_space<vmem>> -> memref<4096xi32, #tpu.memory_space<vmem>>
      %dma_wait3A_113 = arith.constant 0 : i32
      %dma_wait3A_114 = tpu.memref_slice %arg3[%dma_wait3A_113] : memref<4096xi32, #tpu.memory_space<hbm>> -> memref<4096xi32, #tpu.memory_space<hbm>>
      tpu.wait_dma2 semaphore(%run_scoped3A : memref<!tpu.dma_semaphore, #tpu.memory_space<semaphore_mem>>) src(%dma_wait3A_114 : memref<4096xi32, #tpu.memory_space<hbm>>) dst(%dma_wait3A_112 : memref<4096xi32, #tpu.memory_space<vmem>>)
      tpu.yield
    }) : () -> ()
    %iota3A_37 = tpu.iota {dimensions = array<i32: 0>} : vector<16xi32>
    %broadcast_in_dim3A_38 = arith.constant -1 : i32
    %broadcast_in_dim3A_39 = vector.broadcast %broadcast_in_dim3A_38 : i32 to vector<16xi32>
    %broadcast_in_dim3A_40 = arith.constant 0 : i32
    %broadcast_in_dim3A_41 = vector.broadcast %broadcast_in_dim3A_40 : i32 to vector<16xi32>
    %broadcast_in_dim3A_42 = arith.constant 0 : i32
    %broadcast_in_dim3A_43 = vector.broadcast %broadcast_in_dim3A_42 : i32 to vector<16xi32>
    %broadcast_in_dim3A_44 = arith.constant 0 : i32
    %broadcast_in_dim3A_45 = vector.broadcast %broadcast_in_dim3A_44 : i32 to vector<16xi32>
    %scan3A = arith.constant 0 : i32
    %scan3A_46 = arith.constant 128 : i32
    %scan3A_47 = arith.addi %scan3A, %scan3A_46 : i32
    %scan3A_48 = arith.constant 1 : i32
    %scan3A_49:4 = scf.for %scan3A_99 = %scan3A to %scan3A_47 step %scan3A_48 iter_args(%scan3A_100 = %broadcast_in_dim3A_39, %scan3A_101 = %broadcast_in_dim3A_41, %scan3A_102 = %broadcast_in_dim3A_43, %scan3A_103 = %broadcast_in_dim3A_45) -> (vector<16xi32>, vector<16xi32>, vector<16xi32>, vector<16xi32>)  : i32 {
      %mul3A_104 = arith.constant 16 : i32
      %mul3A_105 = arith.muli %scan3A_99, %mul3A_104 : i32
      %get3A = arith.index_cast %mul3A_105 : i32 to index
      %get3A_106 = tpu.vector_load %arg10[%get3A] {strides = array<i32>} : memref<4096xi32, #tpu.memory_space<vmem>>, vector<16xi32>,
      %mul3A_107 = arith.constant 16 : i32
      %mul3A_108 = arith.muli %scan3A_99, %mul3A_107 : i32
      %add3A_109 = arith.constant 2048 : i32
      %add3A_110 = arith.addi %add3A_109, %mul3A_108 : i32
      %get3A_111 = arith.index_cast %add3A_110 : i32 to index
      %get3A_112 = tpu.vector_load %arg10[%get3A_111] {strides = array<i32>} : memref<4096xi32, #tpu.memory_space<vmem>>, vector<16xi32>,
      %add3A_113 = arith.addi %get3A_106, %get3A_112 : vector<16xi32>
      %broadcast_in_dim3A_114 = arith.constant true
      %broadcast_in_dim3A_115 = vector.broadcast %broadcast_in_dim3A_114 : i1 to vector<16xi1>
      %masked_cumsum3A = tpu.scan <sum>, %add3A_113 masked %broadcast_in_dim3A_115 : vector<16xi32>, vector<16xi1> -> vector<16xi32>
      %add3A_116 = arith.addi %scan3A_102, %masked_cumsum3A : vector<16xi32>
      %gt3A = arith.cmpi sgt, %add3A_116, %broadcast_in_dim3A_36 : vector<16xi32>
      %reduce_or3A = arith.constant 1.000000e+00 : f32
      %reduce_or3A_117 = arith.constant 0.000000e+00 : f32
      %reduce_or3A_118 = vector.broadcast %reduce_or3A : f32 to vector<16xf32>
      %reduce_or3A_119 = vector.broadcast %reduce_or3A_117 : f32 to vector<16xf32>
      %reduce_or3A_120 = arith.select %gt3A, %reduce_or3A_118, %reduce_or3A_119 : vector<16xi1>, vector<16xf32>
      %reduce_or3A_121 = arith.constant true
      %reduce_or3A_122 = vector.broadcast %reduce_or3A_121 : i1 to vector<16xi1>
      %reduce_or3A_123 = tpu.scan <max>, %reduce_or3A_120 masked %reduce_or3A_122 : vector<16xf32>, vector<16xi1> -> vector<16xf32>
      %reduce_or3A_124 = vector.extract %reduce_or3A_123[15] : f32 from vector<16xf32>
      %reduce_or3A_125 = arith.constant 0.000000e+00 : f32
      %reduce_or3A_126 = arith.cmpf ogt, %reduce_or3A_124, %reduce_or3A_125 : f32
      %all_reduce_ffs3A = tpu.all_reduce %gt3A {dim = 0 : i64, kind = #tpu.reduction_kind<find_first_set>} : vector<16xi1> -> vector<16xi32>
      %jit3A = arith.constant 16 : i32
      %broadcast_in_dim3A_127 = vector.broadcast %jit3A : i32 to vector<16xi32>
      %select_n3A = arith.select %reduce_or3A_126, %all_reduce_ffs3A, %broadcast_in_dim3A_127 : vector<16xi32>
      %ge3A = arith.constant 0 : i32
      %ge3A_128 = vector.broadcast %ge3A : i32 to vector<16xi32>
      %ge3A_129 = arith.cmpi sge, %scan3A_100, %ge3A_128 : vector<16xi32>
      %not3A = arith.constant dense<true> : vector<16xi1>
      %not3A_130 = arith.xori %ge3A_129, %not3A : vector<16xi1>
      %and3A_131 = vector.broadcast %reduce_or3A_126 : i1 to vector<16xi1>
      %and3A_132 = arith.andi %and3A_131, %not3A_130 : vector<16xi1>
      %mul3A_133 = arith.constant 16 : i32
      %mul3A_134 = arith.muli %scan3A_99, %mul3A_133 : i32
      %add3A_135 = vector.broadcast %mul3A_134 : i32 to vector<16xi32>
      %add3A_136 = arith.addi %add3A_135, %select_n3A : vector<16xi32>
      %select_n3A_137 = arith.select %and3A_132, %add3A_136, %scan3A_100 : vector<16xi1>, vector<16xi32>
      %lt3A = arith.cmpi slt, %iota3A_37, %select_n3A : vector<16xi32>
      %jit3A_138 = arith.constant 0 : i32
      %broadcast_in_dim3A_139 = vector.broadcast %jit3A_138 : i32 to vector<16xi32>
      %select_n3A_140 = arith.select %lt3A, %add3A_113, %broadcast_in_dim3A_139 : vector<16xi1>, vector<16xi32>
      %reduce_sum3A = arith.constant true
      %reduce_sum3A_141 = vector.broadcast %reduce_sum3A : i1 to vector<16xi1>
      %reduce_sum3A_142 = tpu.scan <sum>, %select_n3A_140 masked %reduce_sum3A_141 : vector<16xi32>, vector<16xi1> -> vector<16xi32>
      %reduce_sum3A_143 = vector.extract %reduce_sum3A_142[15] : i32 from vector<16xi32>
      %eq3A_144 = arith.cmpi eq, %iota3A_37, %select_n3A : vector<16xi32>
      %jit3A_145 = arith.constant 0 : i32
      %broadcast_in_dim3A_146 = vector.broadcast %jit3A_145 : i32 to vector<16xi32>
      %select_n3A_147 = arith.select %eq3A_144, %add3A_113, %broadcast_in_dim3A_146 : vector<16xi1>, vector<16xi32>
      %reduce_sum3A_148 = arith.constant true
      %reduce_sum3A_149 = vector.broadcast %reduce_sum3A_148 : i1 to vector<16xi1>
      %reduce_sum3A_150 = tpu.scan <sum>, %select_n3A_147 masked %reduce_sum3A_149 : vector<16xi32>, vector<16xi1> -> vector<16xi32>
      %reduce_sum3A_151 = vector.extract %reduce_sum3A_150[15] : i32 from vector<16xi32>
      %not3A_152 = arith.constant dense<true> : vector<16xi1>
      %not3A_153 = arith.xori %ge3A_129, %not3A_152 : vector<16xi1>
      %add3A_154 = vector.broadcast %reduce_sum3A_143 : i32 to vector<16xi32>
      %add3A_155 = arith.addi %scan3A_101, %add3A_154 : vector<16xi32>
      %select_n3A_156 = arith.select %not3A_153, %add3A_155, %scan3A_101 : vector<16xi1>, vector<16xi32>
      %and3A_157 = vector.broadcast %reduce_or3A_126 : i1 to vector<16xi1>
      %and3A_158 = arith.andi %not3A_153, %and3A_157 : vector<16xi1>
      %broadcast_in_dim3A_159 = vector.broadcast %reduce_sum3A_151 : i32 to vector<16xi32>
      %select_n3A_160 = arith.select %and3A_158, %broadcast_in_dim3A_159, %scan3A_103 : vector<16xi1>, vector<16xi32>
      %reduce_sum3A_161 = arith.constant true
      %reduce_sum3A_162 = vector.broadcast %reduce_sum3A_161 : i1 to vector<16xi1>
      %reduce_sum3A_163 = tpu.scan <sum>, %add3A_113 masked %reduce_sum3A_162 : vector<16xi32>, vector<16xi1> -> vector<16xi32>
      %reduce_sum3A_164 = vector.extract %reduce_sum3A_163[15] : i32 from vector<16xi32>
      %add3A_165 = vector.broadcast %reduce_sum3A_164 : i32 to vector<16xi32>
      %add3A_166 = arith.addi %scan3A_102, %add3A_165 : vector<16xi32>
      scf.yield %select_n3A_137, %select_n3A_156, %add3A_166, %select_n3A_160 : vector<16xi32>, vector<16xi32>, vector<16xi32>, vector<16xi32>
    }
    %scan3A_50 = arith.constant 128 : i32
    %shift_left3A = arith.constant 11 : i32
    %shift_left3A_51 = vector.broadcast %shift_left3A : i32 to vector<16xi32>
    %shift_left3A_52 = arith.shli %broadcast_in_dim3A_34, %shift_left3A_51 : vector<16xi32>
    %or3A = arith.ori %shift_left3A_52, %scan3A_49#0 : vector<16xi32>
    %sub3A = arith.subi %broadcast_in_dim3A_36, %scan3A_49#1 : vector<16xi32>
    %eq3A_53 = arith.constant 0 : i32
    %eq3A_54 = arith.cmpi eq, %arg1, %eq3A_53 : i32
    %eq3A_55 = arith.constant 0 : i32
    %eq3A_56 = arith.cmpi eq, %arg0, %eq3A_55 : i32
    %and3A = arith.andi %eq3A_54, %eq3A_56 : i1
    %convert_element_type3A_57 = arith.extui %and3A : i1 to i32
    %cond3A_58 = arith.constant 0 : i32
    %cond3A_59 = arith.cmpi ne, %convert_element_type3A_57, %cond3A_58 : i32
    scf.if %cond3A_59 {
      %swap3A = arith.constant 0 : index
      %swap3A_99 = tpu.vector_load %arg10[%swap3A] {strides = array<i32>} : memref<4096xi32, #tpu.memory_space<vmem>>, vector<16xi32>,
      tpu.vector_store %arg10[%swap3A], %or3A {strides = array<i32>} : memref<4096xi32, #tpu.memory_space<vmem>>, vector<16xi32>,
      %swap3A_100 = arith.constant 16 : index
      %swap3A_101 = tpu.vector_load %arg10[%swap3A_100] {strides = array<i32>} : memref<4096xi32, #tpu.memory_space<vmem>>, vector<16xi32>,
      tpu.vector_store %arg10[%swap3A_100], %sub3A {strides = array<i32>} : memref<4096xi32, #tpu.memory_space<vmem>>, vector<16xi32>,
      "tpu.region"() ({
        %run_scoped3A = tpu.sem_alloc : memref<!tpu.dma_semaphore, #tpu.memory_space<semaphore_mem>>
        %dma_start3A_102 = arith.constant 0 : i32
        %dma_start3A_103 = tpu.memref_slice %arg10[%dma_start3A_102] : memref<4096xi32, #tpu.memory_space<vmem>> -> memref<32xi32, #tpu.memory_space<vmem>>
        %dma_start3A_104 = arith.constant 4096 : i32
        %dma_start3A_105 = tpu.memref_slice %arg4[%dma_start3A_104] : memref<4128xi32, #tpu.memory_space<hbm>> -> memref<32xi32, #tpu.memory_space<hbm>>
        %dma_start3A_106 = arith.constant 4096 : i32
        %dma_start3A_107 = tpu.memref_slice %arg4[%dma_start3A_106] : memref<4128xi32, #tpu.memory_space<hbm>> -> memref<32xi32, #tpu.memory_space<hbm>>
        %dma_start3A_108 = arith.constant 0 : i32
        %dma_start3A_109 = tpu.memref_slice %arg10[%dma_start3A_108] : memref<4096xi32, #tpu.memory_space<vmem>> -> memref<32xi32, #tpu.memory_space<vmem>>
        tpu.enqueue_dma source(%dma_start3A_109 : memref<32xi32, #tpu.memory_space<vmem>>) target(%dma_start3A_107 : memref<32xi32, #tpu.memory_space<hbm>>) target_semaphore(%run_scoped3A : memref<!tpu.dma_semaphore, #tpu.memory_space<semaphore_mem>>)
        %dma_wait3A_110 = arith.constant 0 : i32
        %dma_wait3A_111 = tpu.memref_slice %arg10[%dma_wait3A_110] : memref<4096xi32, #tpu.memory_space<vmem>> -> memref<32xi32, #tpu.memory_space<vmem>>
        %dma_wait3A_112 = arith.constant 4096 : i32
        %dma_wait3A_113 = tpu.memref_slice %arg4[%dma_wait3A_112] : memref<4128xi32, #tpu.memory_space<hbm>> -> memref<32xi32, #tpu.memory_space<hbm>>
        %dma_wait3A_114 = arith.constant 4096 : i32
        %dma_wait3A_115 = tpu.memref_slice %arg4[%dma_wait3A_114] : memref<4128xi32, #tpu.memory_space<hbm>> -> memref<32xi32, #tpu.memory_space<hbm>>
        %dma_wait3A_116 = arith.constant 0 : i32
        %dma_wait3A_117 = tpu.memref_slice %arg10[%dma_wait3A_116] : memref<4096xi32, #tpu.memory_space<vmem>> -> memref<32xi32, #tpu.memory_space<vmem>>
        tpu.wait_dma2 semaphore(%run_scoped3A : memref<!tpu.dma_semaphore, #tpu.memory_space<semaphore_mem>>) src(%dma_wait3A_117 : memref<32xi32, #tpu.memory_space<vmem>>) dst(%dma_wait3A_115 : memref<32xi32, #tpu.memory_space<hbm>>)
        tpu.yield
      }) : () -> ()
    } else {
    }
    %dma_wait3A = arith.constant 0 : i32
    %dma_wait3A_60 = tpu.memref_slice %arg5[%dma_wait3A] : memref<65536xf32, #tpu.memory_space<vmem>> -> memref<32768xf32, #tpu.memory_space<vmem>>
    %dma_wait3A_61 = arith.constant 0 : i32
    %dma_wait3A_62 = tpu.memref_slice %arg2[%add3A_4, %dma_wait3A_61] : memref<64x32768xf32, #tpu.memory_space<hbm>> -> memref<1x32768xf32, #tpu.memory_space<hbm>>
    %dma_wait3A_63 = tpu.memref_squeeze %dma_wait3A_62 : memref<1x32768xf32, #tpu.memory_space<hbm>> -> memref<32768xf32, #tpu.memory_space<hbm>>
    %dma_wait3A_64 = arith.constant 0 : i32
    %dma_wait3A_65 = tpu.memref_slice %arg5[%dma_wait3A_64] : memref<65536xf32, #tpu.memory_space<vmem>> -> memref<32768xf32, #tpu.memory_space<vmem>>
    %dma_wait3A_66 = arith.constant 0 : i32
    %dma_wait3A_67 = tpu.memref_slice %arg2[%add3A_4, %dma_wait3A_66] : memref<64x32768xf32, #tpu.memory_space<hbm>> -> memref<1x32768xf32, #tpu.memory_space<hbm>>
    %dma_wait3A_68 = tpu.memref_squeeze %dma_wait3A_67 : memref<1x32768xf32, #tpu.memory_space<hbm>> -> memref<32768xf32, #tpu.memory_space<hbm>>
    tpu.wait_dma2 semaphore(%arg9 : memref<!tpu.dma_semaphore, #tpu.memory_space<semaphore_mem>>) src(%dma_wait3A_68 : memref<32768xf32, #tpu.memory_space<hbm>>) dst(%dma_wait3A_65 : memref<32768xf32, #tpu.memory_space<vmem>>)
    %dma_wait3A_69 = arith.constant 32768 : i32
    %dma_wait3A_70 = tpu.memref_slice %arg5[%dma_wait3A_69] : memref<65536xf32, #tpu.memory_space<vmem>> -> memref<32768xf32, #tpu.memory_space<vmem>>
    %dma_wait3A_71 = arith.constant 0 : i32
    %dma_wait3A_72 = tpu.memref_slice %arg2[%add3A_17, %dma_wait3A_71] : memref<64x32768xf32, #tpu.memory_space<hbm>> -> memref<1x32768xf32, #tpu.memory_space<hbm>>
    %dma_wait3A_73 = tpu.memref_squeeze %dma_wait3A_72 : memref<1x32768xf32, #tpu.memory_space<hbm>> -> memref<32768xf32, #tpu.memory_space<hbm>>
    %dma_wait3A_74 = arith.constant 32768 : i32
    %dma_wait3A_75 = tpu.memref_slice %arg5[%dma_wait3A_74] : memref<65536xf32, #tpu.memory_space<vmem>> -> memref<32768xf32, #tpu.memory_space<vmem>>
    %dma_wait3A_76 = arith.constant 0 : i32
    %dma_wait3A_77 = tpu.memref_slice %arg2[%add3A_17, %dma_wait3A_76] : memref<64x32768xf32, #tpu.memory_space<hbm>> -> memref<1x32768xf32, #tpu.memory_space<hbm>>
    %dma_wait3A_78 = tpu.memref_squeeze %dma_wait3A_77 : memref<1x32768xf32, #tpu.memory_space<hbm>> -> memref<32768xf32, #tpu.memory_space<hbm>>
    tpu.wait_dma2 semaphore(%arg9 : memref<!tpu.dma_semaphore, #tpu.memory_space<semaphore_mem>>) src(%dma_wait3A_78 : memref<32768xf32, #tpu.memory_space<hbm>>) dst(%dma_wait3A_75 : memref<32768xf32, #tpu.memory_space<vmem>>)
    %broadcast_in_dim3A_79 = arith.constant 1 : i32
    %broadcast_in_dim3A_80 = vector.broadcast %broadcast_in_dim3A_79 : i32 to vector<16xi32>
    %broadcast_in_dim3A_81 = arith.constant 10 : i32
    %broadcast_in_dim3A_82 = vector.broadcast %broadcast_in_dim3A_81 : i32 to vector<16xi32>
    %broadcast_in_dim3A_83 = arith.constant 21 : i32
    %broadcast_in_dim3A_84 = vector.broadcast %broadcast_in_dim3A_83 : i32 to vector<16xi32>
    %broadcast_in_dim3A_85 = arith.constant 2047 : i32
    %broadcast_in_dim3A_86 = vector.broadcast %broadcast_in_dim3A_85 : i32 to vector<16xi32>
    %broadcast_in_dim3A_87 = arith.constant 2147483647 : i32
    %broadcast_in_dim3A_88 = vector.broadcast %broadcast_in_dim3A_87 : i32 to vector<16xi32>
    %parallel_loop3A_89 = arith.constant 0 : i32
    %parallel_loop3A_90 = arith.constant 4096 : i32
    %parallel_loop3A_91 = arith.constant 1 : i32
    %parallel_loop3A_92 = scf.for %parallel_loop3A_99 = %parallel_loop3A_89 to %parallel_loop3A_90 step %parallel_loop3A_91 iter_args(%parallel_loop3A_100 = %broadcast_in_dim3A_88) -> (vector<16xi32>)  : i32 {
      %parallel_loop3A_101 = arith.constant 16 : i32
      %parallel_loop3A_102 = arith.muli %parallel_loop3A_99, %parallel_loop3A_101 : i32
      %parallel_loop3A_103 = arith.index_cast %parallel_loop3A_102 : i32 to index
      %parallel_loop3A_104 = tpu.vector_load %arg5[%parallel_loop3A_103] {strides = array<i32>} : memref<65536xf32, #tpu.memory_space<vmem>>, vector<16xf32>,
      %parallel_loop3A_105 = tpu.bitcast %parallel_loop3A_104 : vector<16xf32> -> vector<16xi32>
      %parallel_loop3A_106 = arith.constant 31 : i32
      %parallel_loop3A_107 = vector.broadcast %parallel_loop3A_106 : i32 to vector<16xi32>
      %parallel_loop3A_108 = arith.shrsi %parallel_loop3A_105, %parallel_loop3A_107 : vector<16xi32>
      %parallel_loop3A_109 = arith.constant -2147483648 : i32
      %parallel_loop3A_110 = vector.broadcast %parallel_loop3A_109 : i32 to vector<16xi32>
      %parallel_loop3A_111 = arith.ori %parallel_loop3A_108, %parallel_loop3A_110 : vector<16xi32>
      %parallel_loop3A_112 = arith.xori %parallel_loop3A_105, %parallel_loop3A_111 : vector<16xi32>
      %parallel_loop3A_113 = arith.shrui %parallel_loop3A_112, %broadcast_in_dim3A_82 : vector<16xi32>
      %parallel_loop3A_114 = arith.andi %parallel_loop3A_113, %broadcast_in_dim3A_86 : vector<16xi32>
      %parallel_loop3A_115 = arith.shrui %parallel_loop3A_112, %broadcast_in_dim3A_84 : vector<16xi32>
      %parallel_loop3A_116 = arith.cmpi eq, %parallel_loop3A_115, %or3A : vector<16xi32>
      tpu.vector_store_idx %arg6[%parallel_loop3A_114], %broadcast_in_dim3A_80 masked %parallel_loop3A_116 {add = true} : memref<2048xi32, #tpu.memory_space<vmem>>[vector<16xi32>], vector<16xi32>, vector<16xi1>
      scf.yield %parallel_loop3A_100 : vector<16xi32>
    } {sc.loop_unroll_factor = 16 : i64, sc.parallel_access}
    "tpu.region"() ({
      %run_scoped3A = tpu.sem_alloc : memref<!tpu.dma_semaphore, #tpu.memory_space<semaphore_mem>>
      %dma_start3A_99 = arith.constant 0 : i32
      %dma_start3A_100 = tpu.memref_slice %arg8[%dma_start3A_99] : memref<2048xi32, #tpu.memory_space<vmem_shared>> -> memref<2048xi32, #tpu.memory_space<vmem_shared>>
      tpu.enqueue_indirect_dma source(%arg6 : memref<2048xi32, #tpu.memory_space<vmem>>) target(%dma_start3A_100 : memref<2048xi32, #tpu.memory_space<vmem_shared>>) offsets(%arg7 : memref<2048xi32, #tpu.memory_space<vmem>>) semaphore(%run_scoped3A : memref<!tpu.dma_semaphore, #tpu.memory_space<semaphore_mem>>) {add = true}
      %dma_wait3A_101 = arith.constant 0 : i32
      %dma_wait3A_102 = tpu.memref_slice %arg8[%dma_wait3A_101] : memref<2048xi32, #tpu.memory_space<vmem_shared>> -> memref<2048xi32, #tpu.memory_space<vmem_shared>>
      tpu.wait_indirect_dma semaphore(%run_scoped3A : memref<!tpu.dma_semaphore, #tpu.memory_space<semaphore_mem>>) src(%arg6 : memref<2048xi32, #tpu.memory_space<vmem>>) dst(%dma_wait3A_102 : memref<2048xi32, #tpu.memory_space<vmem_shared>>)
      tpu.yield
    }) : () -> ()
    %barrier3A_93 = arith.constant 0 : index
    tpu.barrier barrier_id(%barrier3A_93)
    %eq3A_94 = arith.constant 0 : i32
    %eq3A_95 = arith.cmpi eq, %arg1, %eq3A_94 : i32
    %convert_element_type3A_96 = arith.extui %eq3A_95 : i1 to i32
    %cond3A_97 = arith.constant 0 : i32
    %cond3A_98 = arith.cmpi ne, %convert_element_type3A_96, %cond3A_97 : i32
    scf.if %cond3A_98 {
      %mul3A_99 = arith.constant 2048 : i32
      %mul3A_100 = arith.muli %arg0, %mul3A_99 : i32
      "tpu.region"() ({
        %run_scoped3A = tpu.sem_alloc : memref<!tpu.dma_semaphore, #tpu.memory_space<semaphore_mem>>
        %dma_start3A_101 = tpu.memref_slice %arg4[%mul3A_100] : memref<4128xi32, #tpu.memory_space<hbm>> -> memref<2048xi32, #tpu.memory_space<hbm>>
        tpu.enqueue_dma source(%arg8 : memref<2048xi32, #tpu.memory_space<vmem_shared>>) target(%dma_start3A_101 : memref<2048xi32, #tpu.memory_space<hbm>>) target_semaphore(%run_scoped3A : memref<!tpu.dma_semaphore, #tpu.memory_space<semaphore_mem>>)
        %dma_wait3A_102 = tpu.memref_slice %arg4[%mul3A_100] : memref<4128xi32, #tpu.memory_space<hbm>> -> memref<2048xi32, #tpu.memory_space<hbm>>
        tpu.wait_dma2 semaphore(%run_scoped3A : memref<!tpu.dma_semaphore, #tpu.memory_space<semaphore_mem>>) src(%arg8 : memref<2048xi32, #tpu.memory_space<vmem_shared>>) dst(%dma_wait3A_102 : memref<2048xi32, #tpu.memory_space<hbm>>)
        tpu.yield
      }) : () -> ()
    } else {
    }
    return
  }
}

</mosaic_0001>

<sc_bundles>
// kernel: kernel.12.cloned.1.call-start
scs
__scs_entry_jumppad:
0x0: {  	(pc) =	sbr.rel $0x88, $3  }
0x1: {  	(tag) =	ssettag $0x0;
	lr =	simm.s32 $0x1  }
0x2: {  	[smem:$0x3FA0] =	sst lr;
	_ =	strace $0xD0000000  }
0x3: {  	_ = 	snop  }
0x4: {  	_ = 	snop  }
0x5: {  	_ = 	snop  }
0x6: {  	_ = 	snop  }
0x7: {  	_ = 	snop  }
__scs_overlays_trampoline_lowered:
0x8: {  	[smem:$0x3FAF] =	sst s0  }
0x9: {  	[smem:$0x3FB0] =	sst s1  }
0xa: {  	[smem:$0x3FB1] =	sst s2  }
0xb: {  	[smem:$0x3FB2] =	sst s3  }
0xc: {  	[smem:$0x3FB3] =	sst s4  }
0xd: {  	[smem:$0x3FB4] =	sst s5  }
0xe: {  	[smem:$0x3FB5] =	sst s6  }
0xf: {  	[smem:$0x3FB6] =	sst s7  }
0x10: {  	[smem:$0x3FB7] =	sst s8  }
0x11: {  	[smem:$0x3FB8] =	sst s9;
	s0 =	simm.s32 @!p0 $0x0  }
0x12: {  	s1 =	sld [smem:$0x3F9E];
	s0 =	simm.s32 @p0 $0x1  }
0x13: {  	[smem:$0x3FB9] =	sst s0;
	s0 =	simm.s32 @!p1 $0x0  }
0x14: {  	s2 =	sld [smem:$0x3F9D];
	s0 =	simm.s32 @p1 $0x1  }
0x15: {  	[smem:$0x3FBA] =	sst s0;
	s0 =	simm.s32 @!p2 $0x0  }
0x16: {  	s3 =	sld [smem:$0x3FDB];
	s0 =	simm.s32 @p2 $0x1  }
0x17: {  	s4 =	simm.s32 $0x1BF5;
	[smem:$0x3FBC] =	sst s0  }
0x18: {  	s0 =	sld [smem:$0x3F9F];
	_ =	swait.ge [sflag:s4], $0x0  }
0x19: {  	s7 =	sld [smem:$0x3FA0]  }
0x1a: {  	s8 =	sadd.s32 $0xFFFFE003, lr  }
0x1b: {  	s9 =	sadd.s32 $0xFFFFFEF7, lr;
	s5 =	simm.s32 $0xFFFFFFFF;
	p2 =	slt.u32 s8, $0xFFFFF086  }
0x1c: {  	p1 =	slt.u32 s9, $0xF7A;
	s5 =	simm.s32 @!p2 $0x0  }
0x1d: {  	s5 =	simm.s32 @p1 $0x1;
	p0 =	seq.s32 s7, s2  }
0x1e: {  	s7 =	smul.u32 @!p0 $0xF7A, s2;
	p2 =	seq.s32 @!p0 s5, $0x0  }
0x1f: {  	s9 =	smul.u32 $0xF7A, s1;
	s8 =	simm.s32 @!p0 $0x1BF5;
	p2 =	por !p2, p0  }
0x20: {  	[sflag:s8] =	ssyncset.s32 @!p0 $0xFFFFF086;
	s6 =	sadd.s32 @!p0 s3, s7;
	s7 =	simm.s32 @!p0 $0x108  }
0x21: {  	s3 =	sadd.s32 s3, s9;
	s6 =	sadd.s32 @!p0 $0x88, s6;
	s7 =	simm.s32 @p2 $0x1082  }
0x22: {  	[simem:s7], [sflag:s8] =	dma.local @!p0 [hbm:s6], $0xF7A  }
0x23: {  	s9 =	sor.u32 $0xD0000000, s2;
	s6 =	simm.s32 $0x108;
	_ =	swait.ge @!p0 [sflag:s8], $0x0  }
0x24: {  	s3 =	sadd.s32 $0x88, s3;
	s6 =	simm.s32 @!p1 $0x1082;
	[sflag:s4] =	ssyncset.s32 $0xFFFFF086  }
0x25: {  	[simem:s6], [sflag:s4] =	dma.local [hbm:s3], $0xF7A  }
0x26: {  	[smem:$0x3FA0] =	sst s1;
	(tag) =	ssettag s2;
	_ =	strace s9  }
0x27: {  	s1 =	sld [smem:$0x3FB0]  }
0x28: {  	s2 =	sld [smem:$0x3FB1]  }
0x29: {  	s4 =	sld [smem:$0x3FB3]  }
0x2a: {  	p0 =	seq.s32 s5, $0x0;
	s5 =	sld [smem:$0x3FB4]  }
0x2b: {  	s6 =	sld [smem:$0x3FB5]  }
0x2c: {  	s7 =	sld [smem:$0x3FB6]  }
0x2d: {  	s3 =	simm.s32 $0x108;
	s8 =	sld [smem:$0x3FB7]  }
0x2e: {  	s3 =	simm.s32 @!p0 $0x1082;
	s9 =	sld [smem:$0x3FB8]  }
0x2f: {  	lr =	sadd.s32 s0, s3;
	s0 =	sld [smem:$0x3FAF]  }
0x30: {  	s3 =	sld [smem:$0x3FB2]  }
0x31: {  	[smem:$0x3FBB] =	sst s10  }
0x32: {  	s10 =	sld [smem:$0x3FB9];
	_ =	sdelay $0x3  }
0x33: {  	p0 =	seq.s32 s10, $0x1;
	s10 =	sld [smem:$0x3FBB];
	_ =	sdelay $0x3  }
0x34: {  	[smem:$0x3FBB] =	sst s10  }
0x35: {  	s10 =	sld [smem:$0x3FBA];
	_ =	sdelay $0x3  }
0x36: {  	p1 =	seq.s32 s10, $0x1;
	s10 =	sld [smem:$0x3FBB];
	_ =	sdelay $0x3  }
0x37: {  	[smem:$0x3FBB] =	sst s10  }
0x38: {  	s10 =	sld [smem:$0x3FBC]  }
0x39: {  	_ = 	snop;
	(pc) =	sbr.ind lr, $3  }
0x3a: {  	_ = 	snop  }
0x3b: {  	_ = 	snop  }
0x3c: {  	p2 =	seq.s32 s10, $0x1;
	s10 =	sld [smem:$0x3FBB]  }
0x3d: {  	_ =	shalt  }
0x3e: {  	_ =	shalt  }
0x3f: {  	_ =	shalt  }
0x40: {  	_ =	shalt  }
0x41: {  	_ =	shalt  }
0x42: {  	_ =	shalt  }
0x43: {  	_ =	shalt  }
0x44: {  	_ =	shalt  }
0x45: {  	_ =	shalt  }
0x46: {  	_ =	shalt  }
0x47: {  	_ =	shalt  }
0x48: {  	_ =	shalt  }
0x49: {  	_ =	shalt  }
0x4a: {  	_ =	shalt  }
0x4b: {  	_ =	shalt  }
0x4c: {  	_ =	shalt  }
0x4d: {  	_ =	shalt  }
0x4e: {  	_ =	shalt  }
0x4f: {  	_ =	shalt  }
0x50: {  	_ =	shalt  }
0x51: {  	_ =	shalt  }
0x52: {  	_ =	shalt  }
0x53: {  	_ =	shalt  }
0x54: {  	_ =	shalt  }
0x55: {  	_ =	shalt  }
0x56: {  	_ =	shalt  }
0x57: {  	_ =	shalt  }
0x58: {  	_ =	shalt  }
0x59: {  	_ =	shalt  }
0x5a: {  	_ =	shalt  }
0x5b: {  	_ =	shalt  }
0x5c: {  	_ =	shalt  }
0x5d: {  	_ =	shalt  }
0x5e: {  	_ =	shalt  }
0x5f: {  	_ =	shalt  }
0x60: {  	_ =	shalt  }
0x61: {  	_ =	shalt  }
0x62: {  	_ =	shalt  }
0x63: {  	_ =	shalt  }
0x64: {  	_ =	shalt  }
0x65: {  	_ =	shalt  }
0x66: {  	_ =	shalt  }
0x67: {  	_ =	shalt  }
0x68: {  	_ =	shalt  }
0x69: {  	_ =	shalt  }
0x6a: {  	_ =	shalt  }
0x6b: {  	_ =	shalt  }
0x6c: {  	_ =	shalt  }
0x6d: {  	_ =	shalt  }
0x6e: {  	_ =	shalt  }
0x6f: {  	_ =	shalt  }
0x70: {  	_ =	shalt  }
0x71: {  	_ =	shalt  }
0x72: {  	_ =	shalt  }
0x73: {  	_ =	shalt  }
0x74: {  	_ =	shalt  }
0x75: {  	_ =	shalt  }
0x76: {  	_ =	shalt  }
0x77: {  	_ =	shalt  }
0x78: {  	_ =	shalt  }
0x79: {  	_ =	shalt  }
0x7a: {  	_ =	shalt  }
0x7b: {  	_ =	shalt  }
0x7c: {  	_ =	shalt  }
0x7d: {  	_ =	shalt  }
0x7e: {  	_ =	shalt  }
0x7f: {  	_ =	shalt  }
0x80: {  	_ =	shalt  }
0x81: {  	_ =	shalt  }
0x82: {  	_ =	shalt  }
0x83: {  	_ =	shalt  }
0x84: {  	_ =	shalt  }
0x85: {  	_ =	shalt  }
0x86: {  	_ =	shalt  }
0x87: {  	_ =	shalt  }
.Lfunc_end0:
.L_simem_size_0:
called_computation.2_lowered:
.L_overlay_start_0:
0x88: {  	s2 =	sld [smem:$0x3FD9]  }
0x89: {  	s3 =	sld [smem:$0x3FFE];
	_ =	sdelay $0x1  }
0x8a: {  	s1 =	srdreg.scid  }
0x8b: {  	s0 =	sand.u32 $0x1, s1  }
0x8c: {  	s17 =	sshll.u32 s0, $0xA;
	s2 =	sadd.s32 s3, s2  }
0x8d: {  	s2 =	sadd.s32 s2, s17  }
0x8e: {  	[smem:$0x3FC7] =	sst s2  }
0x8f: {  	_ = 	snop  }
0x90: {  	s2 =	sld [smem:$0x3FC9];
	(tm) =	ssettm $0x1  }
0x91: {  	s18 =	sld [smem:$0x3FFB];
	_ =	sdelay $0x3  }
0x92: {  	_ =	strace s18  }
0x93: {  	s3 =	sld [smem:$0x3FFC];
	_ =	sdelay $0x3  }
0x94: {  	_ =	strace s3  }
0x95: {  	s3 =	sld [smem:$0x3FFD];
	_ =	sdelay $0x3  }
0x96: {  	_ =	strace s3  }
0x97: {  	_ =	strace $0x8FFFFFFF  }
0x98: {  	s19 =	sld [smem:$0x3FDB];
	_ =	sdelay $0x1  }
0x99: {  	s4 =	simm.s32 $_scs_section_size  }
0x9a: {  	s5 =	simm.s32 $_size__tile_overlayer_lowered;
	s6 =	simm.s32 $_tile_overlayer_lowered  }
0x9b: {  	s22 =	simm.s32 $0x1BFF;
	s21 =	sshll.u32 s6, $0x1;
	s3 =	sadd.s32 s4, s19  }
0x9c: {  	s7 =	simm.s32 $0x0;
	s20 =	sshll.u32 s5, $0x1;
	s5 =	sadd.s32 s21, s3  }
0x9d: {  	[timem:s7], [sflag:s22] =	dma.local [hbm:s5], s20  }
0x9e: {  	_ =	swait.ge [sflag:s22], s20  }
0x9f: {  	s4 =	ssub.s32 $0x0, s20;
	[sflag:s22] =	ssyncset.done $0x0  }
0xa0: {  	[sflag:s22] =	ssyncadd.s32 s4;
	_ =	sdelay $0x1  }
0xa1: {  	s23 =	simm.s32 $0x1B8B  }
0xa2: {  	_ =	swait.ge [sflag:s23], $0x1  }
0xa3: {  	[sflag:s23] =	ssyncset.done $0x0  }
0xa4: {  	s25 =	simm.s32 $0x1B8E;
	s24 =	sld [smem:$0x3FFE];
	[sflag:s23] =	ssyncadd.s32 $0xFFFFFFFF  }
0xa5: {  	s26 =	simm.s32 $execute0_lowered;
	[smem:$0x3FD2] =	sst s25  }
0xa6: {  	s5 =	sshll.u32 s26, $0x1;
	_ =	strace $0x8000004C;
	[dreg:$0x1] =	wrdreg $0xFFFFFFFF  }
0xa7: {  	s28 =	simm.s32 $_size_execute0_lowered;
	s3 =	sadd.s32 s3, s5;
	[dreg:$0x0] =	wrdreg $0x0  }
0xa8: {  	s5 =	sshll.u32 s28, $0x1;
	[dreg:$0x2] =	wrdreg s3  }
0xa9: {  	[dreg:$0x3] =	wrdreg s5  }
0xaa: {  	[dreg:$0x4] =	wrdreg $0xC0  }
0xab: {  	_ =	task [dreg:s7], $0x5FFFF  }
0xac: {  	[dreg:$0x1] =	wrdreg $0xFFFFFFFF  }
0xad: {  	[dreg:$0x0] =	wrdreg $0x60  }
0xae: {  	[dreg:$0x2] =	wrdreg s2  }
0xaf: {  	[dreg:$0x3] =	wrdreg s24  }
0xb0: {  	[dreg:$0x4] =	wrdreg $0x108000  }
0xb1: {  	[dreg:$0x5] =	wrdreg $0x9  }
0xb2: {  	_ =	task.clear_ibuf [dreg:s7], $0x6FFFF;
	_ =	strace $0x9000004C  }
0xb3: {  	s29 =	simm.s32 $0x9;
	_ =	strace $0x8000004E  }
0xb4: {  	_ =	swait.ge [sflag:s29], $0x1  }
0xb5: {  	[sflag:s29] =	ssyncadd.s32 $0xFFFFFFFF  }
0xb6: {  	_ =	strace $0x9000004E  }
0xb7: {  	_ =	sfence  }
0xb8: {  	s30 =	sld [smem:$0x0];
	_ =	sdelay $0x2  }
0xb9: {  	s31 =	sshll.u32 s1, $0xD;
	s1 =	sshrl.u32 s1, $0x2  }
0xba: {  	s3 =	sand.u32 $0x4000, s31;
	s1 =	sadd.s32 s1, s30  }
0xbb: {  	s0 =	sor.u32 s3, s0;
	s1 =	sshll.u32 s1, $0x11  }
0xbc: {  	s0 =	sor.u32 s1, s0  }
0xbd: {  	s0 =	sadd.s32 $0x8F2B, s0  }
0xbe: {  	[sflag:s0] =	ssyncadd.remote.s32 $0x1  }
0xbf: {  	_ =	sfence.sel $0xFFFF  }
0xc0: {  	[dreg:$0x0] =	wrdreg $0xFFFFFFFF;
	(pc) =	sbr.abs _section_cstart, $3  }
0xc1: {  	[dreg:$0x1] =	wrdreg $0xFFFFFFFF  }
0xc2: {  	_ =	task.clear_ibuf [dreg:s7], $0x2FFFF;
	_ =	strace $0x9FFFFFFF  }
0xc3: {  	(tm) =	ssettm $0x7FFFFFFF  }
tec
execute0_lowered:
.L_overlay_start_1:
0x0: {  	(tag) =	ssettag $0x1  }
0x1: {  	s4 =	rddreg [dreg:$0x0]  }
0x2: {  	s7 =	rddreg [dreg:$0x1];
	s0 =	srdreg.scid  }
0x3: {  	s14 =	stileid.u32;
	s1 =	rddreg [dreg:$0x2];
	s2 =	simm.s32 $0x0  }
0x4: {  	s12 =	simm.s32 $0x400;
	s13 =	simm.s32 $0x8000;
	s16 =	simm.s32 $0x10000  }
0x5: {  	s17 =	simm.s32 $0x10400;
	s8 =	sand.u32 $0x1, s0;
	s0 =	rddreg [dreg:$0x3]  }
0x6: {  	s18 =	simm.s32 $0x0;
	s3 =	sshll.u32 s14, $0x1;
	[smem:$0x7FF] =	sst s2  }
0x7: {  	s31 =	sshll.u32 s14, $0xE;
	s10 =	sadd.s32 $0x1200, s7;
	p0 =	sne.s32 s14, $0x0  }
0x8: {  	s9 =	sor.u32 s8, s3;
	_ =	strace $0x8000004D;
	s3 =	sadd.s32 $0x1400, s7  }
0x9: {  	s6 =	ssub.s32 $0x2, s8;
	s15 =	sor.u32 s8, s14;
	s8 =	sshll.u32 s8, $0x7  }
0xa: {  	s14 =	simm.s32 $0x2;
	s5 =	sshll.u32 s9, $0x5;
	s11 =	sshrl.u32 s6, $0x1  }
0xb: {  	s9 =	sshll.u32 s9, $0x1;
	s8 =	sadd.s32 s10, s8;
	p1 =	sne.s32 s15, $0x0  }
0xc: {  	s15 =	simm.s32 $0x1;
	s5 =	sor.u32 s31, s5;
	s11 =	ssub.s32 s6, s11  }
0xd: {  	s6 =	sadd.s32 $0x1600, s7;
	s9 =	sadd.s32 s9, s10;
	s5 =	sand.u32 $0x38060, s5  }
0xe: {  	v0 =	vimm.s32 $0x0;
	v1 =	vlaneseq.u32;
	s7 =	sadd.s32 $0x1340, s7;
	s9 =	sadd.s32 $0x100, s9;
	s4 =	sadd.s32 s4, s5  }
0xf: {  	v2 =	vimm.f32 $0.0e+00;
	vm0 =	vmxor vm0, vm0;
	v3 =	vimm.s32 $0x1;
	s10 =	smax.u32 s11, $0x1;
	s11 =	simm.s32 $0x80;
	s5 =	sadd.s32 $0x10, s4  }
.LBB2_1:
0x10: {  	[tilespmem:s2], [sflag:$0x1] =	stream.strided.gather [hbm4b:s4+s11], $0x8000, s12, s11, $0x38;
	[tilespmem:$0x11840] =	vst v63  }
0x11: {  	s19 =	simm.s32 $0x10040  }
0x12: {  	[tilespmem:s13], [sflag:$0x1] =	stream.strided.gather [hbm4b:s5+s11], $0x8000, s12, s11, $0x38;
	[tilespmem:$0x11840] =	vst v63  }
0x13: {  	[tilespmem:s19+$0xFFFFFFC0] =	vst v0  }
0x14: {  	[tilespmem:s19+$0x30] =	vst v0  }
0x15: {  	[tilespmem:s19+$0x10] =	vst v0  }
0x16: {  	[tilespmem:s19+$0xFFFFFFE0] =	vst v0  }
0x17: {  	[tilespmem:s19+$0x20] =	vst v0  }
0x18: {  	[tilespmem:s19+$0xFFFFFFF0] =	vst v0  }
0x19: {  	s20 =	simm.s32 $0x70;
	[tilespmem:s19+$0x0] =	vst v0  }
0x1a: {  	s21 =	simm.s32 $0x10440;
	s23 =	simm.s32 $0x50;
	v4 =	vor.u32 s20, v1;
	[tilespmem:s19+$0xFFFFFFD0] =	vst v0  }
0x1b: {  	s22 =	simm.s32 $0x60;
	v5 =	vor.u32 s23, v1;
	[tilespmem:s21+$0x30] =	vst v4  }
0x1c: {  	s29 =	simm.s32 $0x30;
	v4 =	vor.u32 s22, v1;
	[tilespmem:s21+$0x10] =	vst v5  }
0x1d: {  	s26 =	simm.s32 $0x20;
	v5 =	vor.u32 s29, v1;
	[tilespmem:s21+$0x20] =	vst v4  }
0x1e: {  	s30 =	simm.s32 $0x10;
	v4 =	vor.u32 s26, v1;
	[tilespmem:s21+$0xFFFFFFF0] =	vst v5  }
0x1f: {  	s28 =	simm.s32 $0x40;
	v5 =	vor.u32 s30, v1;
	[tilespmem:s21+$0xFFFFFFE0] =	vst v4  }
0x20: {  	s31 =	simm.s32 $0x0;
	v4 =	vor.u32 s28, v1;
	[tilespmem:s21+$0xFFFFFFD0] =	vst v5  }
0x21: {  	s23 =	simm.s32 $0x104C0;
	s22 =	simm.s32 $0x0;
	[tilespmem:s21+$0x0] =	vst v4;
	v4 =	vor.u32 s31, v1  }
.LBB2_2:
0x22: {  	s22 =	sadd.s32 $0x8, s22;
	[tilespmem:s21+$0xFFFFFFC0] =	vst v4;
	s20 =	sadd.s32 $0x80, s20;
	s19 =	sadd.s32 $0x80, s19  }
0x23: {  	s21 =	smov.u32 s23;
	[tilespmem:s19+$0xFFFFFFC0] =	vst v0;
	p2 =	slt.u32 s22, $0x38  }
0x24: {  	v4 =	vor.u32 s20, v1;
	[tilespmem:s19+$0x30] =	vst v0  }
0x25: {  	[tilespmem:s23+$0x30] =	vst v4  }
0x26: {  	[tilespmem:s19+$0x10] =	vst v0  }
0x27: {  	s24 =	sadd.s32 $0xFFFFFFF0, s20;
	[tilespmem:s19+$0xFFFFFFE0] =	vst v0  }
0x28: {  	s25 =	sadd.s32 $0xFFFFFFE0, s20;
	v4 =	vor.u32 s24, v1;
	[tilespmem:s19+$0x20] =	vst v0  }
0x29: {  	v5 =	vor.u32 s25, v1;
	s24 =	sadd.s32 $0xFFFFFFB0, s20;
	[tilespmem:s23+$0x20] =	vst v4  }
0x2a: {  	v4 =	vor.u32 s24, v1;
	[tilespmem:s23+$0x10] =	vst v5  }
0x2b: {  	[tilespmem:s23+$0xFFFFFFE0] =	vst v4  }
0x2c: {  	s24 =	sadd.s32 $0xFFFFFFD0, s20;
	[tilespmem:s19+$0xFFFFFFF0] =	vst v0  }
.Ltmp0:
0x2d: {  	s25 =	sadd.s32 $0xFFFFFFC0, s20;
	v4 =	vor.u32 s24, v1;
	[tilespmem:s19+$0x0] =	vst v0;
	(pc) =	sbr.rel @p2 .LBB2_2-.Ltmp0, $4  }
0x2e: {  	v5 =	vor.u32 s25, v1;
	[tilespmem:s23+$0x0] =	vst v4  }
0x2f: {  	s24 =	sadd.s32 $0xFFFFFFA0, s20;
	[tilespmem:s23+$0xFFFFFFF0] =	vst v5  }
0x30: {  	s25 =	sadd.s32 $0xFFFFFF90, s20;
	v5 =	vor.u32 s24, v1;
	[tilespmem:s19+$0xFFFFFFD0] =	vst v0  }
0x31: {  	v4 =	vor.u32 s25, v1;
	s23 =	sadd.s32 $0x80, s23;
	[tilespmem:s21+$0xFFFFFFD0] =	vst v5  }
0x32: {  	[tilespmem:s21+$0xFFFFFFC0] =	vst v4;
	s19 =	simm.s32 @!p0 $0x10000  }
0x33: {  	[spmem:s1] =	stream.linear.scatter @!p0 [tilespmem:s19], [sflag:$0x2], $0x400, $0x38;
	[tilespmem:$0x11840] =	vst v63  }
0x34: {  	s19 =	simm.s32 @!p0 $0x2  }
0x35: {  	_ =	swait.ge @!p0 [sflag:s19], $0x400  }
0x36: {  	[sflag:s19] =	ssyncset.done @!p0 $0x0  }
0x37: {  	[sflag:s19] =	ssyncadd.s32 @!p0 $0xFFFFFC00  }
0x38: {  	s24 =	simm.s32 $0x0;
	s25 =	simm.s32 $0x10840;
	[bflag:$0x0] =	sbarrier.arrive $0xFFFF  }
0x39: {  	[tilespmem:s25], [sflag:$0x2] =	stream.linear.gather [hbm4b:s6+s24], $0x20, $0x38;
	[tilespmem:$0x11840] =	vst v63  }
0x3a: {  	_ =	swait.ge [sflag:s14], $0x20  }
0x3b: {  	[sflag:s14] =	ssyncset.done $0x0  }
0x3c: {  	[sflag:s14] =	ssyncadd.s32 $0xFFFFFFE0  }
0x3d: {  	v4 =	vld [tilespmem:$0x10840]  }
0x3e: {  	v5 =	vld [tilespmem:$0x10850];
	[tilespmem:s25], [sflag:$0x2] =	stream.linear.gather [hbm4b:s3+s24], $0x1000, $0x38  }
0x3f: {  	_ =	swait.ge [sflag:s14], $0x1000  }
0x40: {  	[sflag:s14] =	ssyncset.done $0x0  }
0x41: {  	[sflag:s14] =	ssyncadd.s32 $0xFFFFF000  }
0x42: {  	s26 =	sand.u32 $0x7F0, s24;
	v6 =	vld [tilespmem:s25+$0x0]  }
0x43: {  	v7 =	vld [tilespmem:s26+$0x11040];
	_ =	sdelay $0x4  }
0x44: {  	s23 =	simm.s32 $0x10;
	s29 =	simm.s32 $0x10850;
	v7 =	vadd.s32 v6, v7  }
0x45: {  	s30 =	sand.u32 $0x7F0, s23;
	v8 =	vld [tilespmem:s29+$0x0];
	(xrf0) =	vadd.scan.msk.s32 $0xffff, v7  }
0x46: {  	v9 =	vld [tilespmem:s30+$0x11040];
	_ =	sdelay $0x4  }
0x47: {  	v6 =	vimm.s32 $0x0;
	v13 =	vadd.s32 v8, v9;
	v10, _, _ =	vpop (xrf0)  }
0x48: {  	s20 =	simm.s32 $0x20;
	(xrf0) =	vadd.scan.msk.s32 $0xffff, v13;
	v8 =	vadd.s32 v6, v10  }
0x49: {  	s21 =	sand.u32 $0x7F0, s20;
	vm1 =	vgt.s32 v8, v5  }
0x4a: {  	s31 =	simm.s32 $0x10860;
	v11 =	vld [tilespmem:s21+$0x11040];
	v9 =	vsel vm1, $0x3F800000, v2  }
0x4b: {  	v8 =	vld [tilespmem:s31+$0x0];
	(xrf0) =	vmax.scan.msk.f32 $0xffff, v9  }
0x4c: {  	v9 =	vbroadcast v10, $0xF;
	_ =	sdelay $0x1  }
0x4d: {  	v10, _, _ =	vpop (xrf0);
	v12 =	vadd.s32 v6, v9  }
0x4e: {  	v14 =	vadd.s32 v12, v10  }
0x4f: {  	s22 =	simm.s32 $0x10870;
	s21 =	simm.s32 $0x30;
	v9 =	vadd.s32 v8, v11;
	vm2 =	vgt.s32 v14, v5  }
0x50: {  	s25 =	sand.u32 $0x7F0, s21;
	(xrf0) =	vadd.scan.msk.s32 $0xffff, v9;
	v14 =	vld [tilespmem:s22+$0x0];
	v11 =	vsel vm2, $0x3F800000, v2;
	v8, _, _ =	vpop (xrf0)  }
0x51: {  	(xrf0) =	vmax.scan.msk.f32 $0xffff, v11;
	(v2sf) =	vpush v8, $0xF;
	v8 =	vld [tilespmem:s25+$0x11040];
	_ =	sdelay $0x2  }
0x52: {  	v10 =	vbroadcast v10, $0xF;
	_ =	sdelay $0x1  }
0x53: {  	v12 =	vadd.s32 v12, v10;
	v11, _, _ =	vpop (xrf0);
	v10 =	vadd.s32 v14, v8  }
0x54: {  	s22 =	simm.s32 $0x40;
	v14, _, _ =	vpop (xrf0);
	(xrf0) =	vadd.scan.msk.s32 $0xffff, v10  }
0x55: {  	s29 =	sand.u32 $0x7F0, s22;
	v8 =	vadd.s32 v12, v11  }
0x56: {  	s26 =	simm.s32 $0x10880;
	v15 =	vld [tilespmem:s29+$0x11040];
	vm3 =	vgt.s32 v8, v5;
	(v2sf) =	vpush v14, $0xF  }
0x57: {  	v8 =	vld [tilespmem:s26+$0x0];
	v14 =	vsel vm3, $0x3F800000, v2  }
0x58: {  	v11 =	vbroadcast v11, $0xF;
	(xrf0) =	vmax.scan.msk.f32 $0xffff, v14;
	_ =	sdelay $0x1  }
0x59: {  	v11 =	vadd.s32 v12, v11;
	v14, _, _ =	vpop (xrf0)  }
0x5a: {  	vm1 =	vmmov vm1;
	v12 =	vadd.s32 v11, v14  }
0x5b: {  	s19 =	simm.s32 $0x50;
	vm1 =	vmmov vm1;
	v8 =	vadd.s32 v8, v15  }
0x5c: {  	v18 =	vimm.s32 $0xFFFFFFFF;
	s30 =	sand.u32 $0x7F0, s19;
	vm1 =	vmmov vm1;
	vm2 =	vmmov vm2;
	(xrf0) =	vadd.scan.msk.s32 $0xffff, v8  }
0x5d: {  	v17 =	vld [tilespmem:s30+$0x11040];
	vm2 =	vmmov vm2;
	s25 =	simm.s32 $0x10890;
	v14 =	vbroadcast v14, $0xF;
	vm4 =	vgt.s32 v12, v5;
	s26 =	spop (v2sf);
	v12, _, _ =	vpop (xrf0)  }
0x5e: {  	v15 =	vld [tilespmem:s25+$0x0];
	v16 =	vsel vm4, $0x3F800000, v2;
	p2 =	sgt.f32 s26, $0.0e+00;
	(v2sf) =	vpush v12, $0xF;
	v12 =	vmctz.xlane vm1  }
0x5f: {  	vm5 =	vlt.s32 v18, $0x0;
	vm2 =	vmmov vm2;
	v14 =	vadd.s32 v11, v14;
	(xrf0) =	vmax.scan.msk.f32 $0xffff, v16  }
0x60: {  	vm4 =	vmmov vm4;
	vm1 =	vmmov vm3;
	v12 =	vpsel !p2, $0x10, v12  }
0x61: {  	vm3 =	vmmov vm1;
	vm1 =	vmmov vm0;
	vm6 =	vgt.s32 v12, v1  }
0x62: {  	v16, _, _ =	vpop (xrf0);
	vm1 =	vmneg @p2 vm1;
	v12 =	vadd.s32 s24, v12;
	v11 =	vnsel vm6, $0x0, v7  }
0x63: {  	vm1 =	vmand vm5, vm1;
	v7 =	vadd.s32 v15, v17;
	v15 =	vadd.s32 v14, v16;
	(xrf0) =	vadd.scan.msk.s32 $0xffff, v11  }
0x64: {  	s31 =	spop (v2sf);
	v17 =	vmctz.xlane vm2;
	v11 =	vsel vm1, v12, v18;
	vm6 =	vgt.s32 v15, v5  }
0x65: {  	vm1 =	vmmov vm5;
	p2 =	sgt.f32 s31, $0.0e+00;
	vm5 =	vmmov vm3;
	vm3 =	vmmov vm4;
	v12, _, _ =	vpop (xrf0)  }
0x66: {  	vm4 =	vmmov vm0;
	v18 =	vbroadcast v16, $0xF;
	(xrf0) =	vadd.scan.msk.s32 $0xffff, v7;
	(v2sf) =	vpush v12, $0xF  }
0x67: {  	s26 =	simm.s32 $0x108A0;
	s24 =	simm.s32 $0x60;
	vm2 =	vlt.s32 v11, $0x0;
	v17 =	vpsel !p2, $0x10, v17;
	vm4 =	vmneg @p2 vm4  }
0x68: {  	s28 =	sand.u32 $0x7F0, s24;
	v15 =	vsel vm6, $0x3F800000, v2;
	v12 =	vld [tilespmem:s26+$0x0];
	vm4 =	vmand vm2, vm4;
	v16 =	vadd.s32 s23, v17  }
0x69: {  	v11 =	vsel vm4, v16, v11;
	v16 =	vld [tilespmem:s28+$0x11040];
	v19, _, _ =	vpop (xrf0);
	(xrf0) =	vmax.scan.msk.f32 $0xffff, v15;
	_ =	sdelay $0x1  }
0x6a: {  	v14 =	vadd.s32 v14, v18;
	vm7 =	vgt.s32 v17, v1  }
0x6b: {  	s25 =	simm.s32 $0x70;
	s23 =	simm.s32 $0x80;
	vm4 =	vmmov vm6;
	s28 =	simm.s32 $0x90;
	v17 =	vnsel vm7, $0x0, v13;
	v15, _, _ =	vpop (xrf0);
	v13 =	vbroadcast v19, $0xF  }
.LBB2_4:
0x6c: {  	v18 =	vadd.s32 v14, v15;
	(xrf0) =	vadd.scan.msk.s32 $0xffff, v17;
	v17 =	vmov v9  }
0x6d: {  	p2 =	sne.s32 s28, $0x7F0;
	v9 =	vmovc v10;
	v10 =	vmovc v8;
	v8 =	vmov v7;
	v7 =	vadd.s32 v12, v16;
	v19 =	vmctz.xlane vm5  }
0x6e: {  	s26 =	sadd.s32 $0x10, s26;
	(xrf0) =	vadd.scan.msk.s32 $0xffff, v7;
	vm6 =	vgt.s32 v18, v5;
	v16, _, _ =	vpop (xrf0);
	s29 =	spop (v2sf);
	v13 =	vnsel vm1, $0x0, v13;
	vm1 =	vmmov vm2  }
0x6f: {  	s30 =	sand.u32 $0x7F0, s25;
	vm5 =	vmmov vm3;
	v12 =	vld [tilespmem:s26+$0x0];
	v18 =	vsel vm6, $0x3F800000, v2;
	(v2sf) =	vpush v16, $0xF;
	p3 =	sgt.f32 s29, $0.0e+00  }
.Ltmp1:
0x70: {  	vm3 =	vmmov vm4;
	vm4 =	vmmov vm0;
	v6 =	vadd.s32 v6, v13;
	v16 =	vld [tilespmem:s30+$0x11040];
	(xrf0) =	vmax.scan.msk.f32 $0xffff, v18;
	(pc) =	sbr.rel @p2 .LBB2_4-.Ltmp1, $4  }
0x71: {  	vm2 =	vlt.s32 v11, $0x0;
	v19 =	vpsel !p3, $0x10, v19;
	vm4 =	vmneg @p3 vm4  }
0x72: {  	v18 =	vbroadcast v15, $0xF;
	vm4 =	vmand vm2, vm4;
	v20 =	vadd.s32 s20, v19;
	s20 =	smov.u32 s21;
	s21 =	smov.u32 s22;
	s22 =	smov.u32 s19  }
0x73: {  	vm7 =	vgt.s32 v19, v1;
	s19 =	smov.u32 s24;
	s24 =	smov.u32 s25;
	s25 =	smov.u32 s23;
	v11 =	vsel vm4, v20, v11;
	v13, _, _ =	vpop (xrf0);
	vm4 =	vmmov vm6  }
0x74: {  	v14 =	vadd.s32 v14, v18;
	s23 =	smov.u32 s28;
	s28 =	sadd.s32 $0x10, s28;
	v17 =	vnsel vm7, $0x0, v17;
	v15, _, _ =	vpop (xrf0);
	v13 =	vbroadcast v13, $0xF  }
0x75: {  	_ =	sdelay $0x2  }
0x76: {  	v12 =	vadd.s32 v12, v16;
	(xrf0) =	vadd.scan.msk.s32 $0xffff, v17;
	v16, _, _ =	vpop (xrf0)  }
0x77: {  	(xrf0) =	vadd.scan.msk.s32 $0xffff, v12;
	(v2sf) =	vpush v16, $0xF  }
0x78: {  	s29 =	sand.u32 $0x7F0, s25  }
0x79: {  	s26 =	sadd.s32 $0x10, s26;
	s28 =	spop (v2sf);
	v19 =	vld [tilespmem:s29+$0x11040]  }
0x7a: {  	v17 =	vadd.s32 v14, v15;
	v18 =	vmctz.xlane vm5;
	p2 =	sgt.f32 s28, $0.0e+00;
	v16 =	vld [tilespmem:s26+$0x0]  }
0x7b: {  	v15 =	vbroadcast v15, $0xF;
	s30 =	sand.u32 $0x7F0, s23;
	vm5 =	vgt.s32 v17, v5  }
0x7c: {  	vm3 =	vmmov vm3;
	v23 =	vld [tilespmem:s30+$0x11040];
	s26 =	sadd.s32 $0x10, s26;
	v17 =	vsel vm5, $0x3F800000, v2;
	v18 =	vpsel !p2, $0x10, v18;
	v20, _, _ =	vpop (xrf0);
	s29 =	spop (v2sf)  }
0x7d: {  	v14 =	vadd.s32 v14, v15;
	v15 =	vmctz.xlane vm3;
	v21 =	vld [tilespmem:s26+$0x0];
	vm6 =	vgt.s32 v18, v1;
	v22, _, _ =	vpop (xrf0);
	p3 =	sgt.f32 s29, $0.0e+00  }
0x7e: {  	(xrf0) =	vmax.scan.msk.f32 $0xffff, v17;
	v9 =	vnsel vm6, $0x0, v9;
	v17 =	vadd.s32 v14, v22  }
0x7f: {  	(xrf0) =	vadd.scan.msk.s32 $0xffff, v9;
	v16 =	vadd.s32 v16, v19;
	vm3 =	vgt.s32 v17, v5;
	v9 =	vpsel !p3, $0x10, v15  }
0x80: {  	(xrf0) =	vadd.scan.msk.s32 $0xffff, v16;
	v15 =	vsel vm3, $0x3F800000, v2;
	vm6 =	vgt.s32 v9, v1  }
0x81: {  	(xrf0) =	vmax.scan.msk.f32 $0xffff, v15;
	v10 =	vnsel vm6, $0x0, v10  }
0x82: {  	v15 =	vadd.s32 v21, v23;
	(xrf0) =	vadd.scan.msk.s32 $0xffff, v10  }
0x83: {  	vm4 =	vmmov vm4;
	v19 =	vbroadcast v22, $0xF;
	(xrf0) =	vadd.scan.msk.s32 $0xffff, v15  }
0x84: {  	vm4 =	vmmov vm4;
	v10, _, _ =	vpop (xrf0)  }
0x85: {  	v22 =	vmctz.xlane vm4;
	v17, _, _ =	vpop (xrf0)  }
0x86: {  	s31 =	spop (v2sf);
	v21, _, _ =	vpop (xrf0)  }
0x87: {  	v14 =	vadd.s32 v14, v19;
	p4 =	sgt.f32 s31, $0.0e+00;
	v19, _, _ =	vpop (xrf0);
	v23 =	vbroadcast v21, $0xF  }
0x88: {  	v21 =	vadd.s32 v14, v21;
	v24, _, _ =	vpop (xrf0)  }
0x89: {  	vm6 =	vgt.s32 v21, v5;
	v21 =	vpsel !p4, $0x10, v22;
	v22, _, _ =	vpop (xrf0);
	v14 =	vadd.s32 v14, v23  }
0x8a: {  	v23 =	vsel vm6, $0x3F800000, v2;
	vm4 =	vgt.s32 v21, v1;
	v14 =	vadd.s32 v14, v22  }
0x8b: {  	(xrf0) =	vmax.scan.msk.f32 $0xffff, v23;
	v8 =	vnsel vm4, $0x0, v8;
	vm4 =	vgt.s32 v14, v5  }
0x8c: {  	(v2sf) =	vpush v10, $0xF;
	(xrf0) =	vadd.scan.msk.s32 $0xffff, v8;
	v8 =	vsel vm4, $0x3F800000, v2  }
0x8d: {  	(xrf0) =	vmax.scan.msk.f32 $0xffff, v8;
	_ =	sdelay $0x1  }
0x8e: {  	(v2sf) =	vpush v19, $0xF  }
0x8f: {  	vm7 =	vmmov vm0;
	vm8 =	vlt.s32 v11, $0x0  }
0x90: {  	vm9 =	vmmov vm0;
	vm2 =	vmmov vm2;
	vm7 =	vmneg @p2 vm7;
	v8, _, _ =	vpop (xrf0)  }
0x91: {  	vm9 =	vmneg @p3 vm9;
	vm3 =	vmmov vm3;
	(v2sf) =	vpush v8, $0xF;
	v8, _, _ =	vpop (xrf0)  }
0x92: {  	v9 =	vadd.s32 s21, v9;
	vm3 =	vmmov vm3;
	v10 =	vnsel vm1, $0x0, v13;
	v13, _, _ =	vpop (xrf0)  }
0x93: {  	v14 =	vadd.s32 s20, v18;
	v18 =	vbroadcast v20, $0xF;
	(v2sf) =	vpush v13, $0xF  }
0x94: {  	vm3 =	vmmov vm3;
	vm1 =	vmand vm8, vm7;
	v6 =	vadd.s32 v6, v10  }
0x95: {  	v10 =	vsel vm1, v14, v11;
	vm1 =	vmmov vm5;
	v11 =	vnsel vm2, $0x0, v18  }
0x96: {  	vm2 =	vmmov vm8;
	vm5 =	vlt.s32 v10, $0x0;
	vm7 =	vmmov vm1  }
0x97: {  	v6 =	vadd.s32 v6, v11;
	v11 =	vbroadcast v17, $0xF;
	vm1 =	vmand vm5, vm9  }
0x98: {  	vm5 =	vmmov vm5;
	vm7 =	vmmov vm7;
	v9 =	vsel vm1, v9, v10  }
0x99: {  	v10 =	vnsel vm2, $0x0, v11;
	vm2 =	vmmov vm0;
	vm1 =	vlt.s32 v9, $0x0  }
0x9a: {  	v11 =	vbroadcast v24, $0xF;
	vm2 =	vmneg @p4 vm2;
	v6 =	vadd.s32 v6, v10;
	s26 =	spop (v2sf)  }
0x9b: {  	v10 =	vadd.s32 s22, v21;
	vm2 =	vmand vm1, vm2;
	v13 =	vmctz.xlane vm7;
	p2 =	sgt.f32 s26, $0.0e+00  }
0x9c: {  	v9 =	vsel vm2, v10, v9;
	vm2 =	vmmov vm6;
	v10 =	vnsel vm5, $0x0, v11  }
0x9d: {  	vm5 =	vmmov vm0;
	vm2 =	vmmov vm2;
	s28 =	spop (v2sf);
	v11 =	vpsel !p2, $0x10, v13  }
0x9e: {  	vm5 =	vmneg @p2 vm5;
	v13 =	vmctz.xlane vm3;
	vm3 =	vmmov vm4;
	p2 =	sgt.f32 s28, $0.0e+00  }
0x9f: {  	vm4 =	vmmov vm2;
	vm2 =	vmmov vm0;
	vm6 =	vgt.s32 v11, v1  }
0xa0: {  	vm3 =	vmmov vm3;
	v7 =	vnsel vm6, $0x0, v7;
	v13 =	vpsel !p2, $0x10, v13;
	s29 =	spop (v2sf)  }
0xa1: {  	(xrf0) =	vadd.scan.msk.s32 $0xffff, v7;
	vm2 =	vmneg @p2 vm2;
	v7 =	vmctz.xlane vm4;
	vm6 =	vgt.s32 v13, v1;
	p2 =	sgt.f32 s29, $0.0e+00  }
0xa2: {  	v12 =	vnsel vm6, $0x0, v12;
	vm6 =	vmmov vm3;
	vm3 =	vmmov vm0;
	s30 =	spop (v2sf)  }
0xa3: {  	(xrf0) =	vadd.scan.msk.s32 $0xffff, v12;
	v12 =	vmctz.xlane vm6;
	v7 =	vpsel !p2, $0x10, v7;
	vm3 =	vmneg @p2 vm3;
	p2 =	sgt.f32 s30, $0.0e+00  }
0xa4: {  	v8 =	vbroadcast v8, $0xF;
	v6 =	vadd.s32 v6, v10  }
0xa5: {  	v11 =	vadd.s32 s19, v11;
	vm6 =	vgt.s32 v7, v1;
	v10 =	vpsel !p2, $0x10, v12  }
0xa6: {  	vm4 =	vlt.s32 v9, $0x0;
	v12 =	vnsel vm6, $0x0, v16;
	vm6 =	vgt.s32 v10, v1  }
0xa7: {  	vm1 =	vmmov vm1;
	vm5 =	vmand vm4, vm5;
	(xrf0) =	vadd.scan.msk.s32 $0xffff, v12;
	v12 =	vnsel vm6, $0x0, v15  }
0xa8: {  	v8 =	vnsel vm1, $0x0, v8;
	v9 =	vsel vm5, v11, v9;
	v11, _, _ =	vpop (xrf0)  }
0xa9: {  	vm1 =	vmmov vm4;
	vm4 =	vlt.s32 v9, $0x0;
	v11 =	vbroadcast v11, $0xF  }
0xaa: {  	v6 =	vadd.s32 v6, v8;
	v8 =	vadd.s32 s24, v13;
	vm2 =	vmand vm4, vm2;
	(xrf0) =	vadd.scan.msk.s32 $0xffff, v12;
	v12, _, _ =	vpop (xrf0)  }
0xab: {  	v8 =	vsel vm2, v8, v9;
	v9 =	vnsel vm1, $0x0, v11;
	v11 =	vbroadcast v12, $0xF  }
0xac: {  	vm2 =	vlt.s32 v8, $0x0;
	vm1 =	vmmov vm4;
	v6 =	vadd.s32 v6, v9  }
0xad: {  	vm3 =	vmand vm2, vm3;
	v7 =	vadd.s32 s25, v7;
	v9 =	vnsel vm1, $0x0, v11  }
0xae: {  	v7 =	vsel vm3, v7, v8  }
0xaf: {  	v4 =	vshll.u32 v4, $0xB;
	vm3 =	vlt.s32 v7, $0x0;
	v8, _, _ =	vpop (xrf0);
	vm1 =	vmmov vm2  }
0xb0: {  	vm2 =	vmmov vm0;
	v8 =	vbroadcast v8, $0xF;
	v6 =	vadd.s32 v6, v9;
	v9, _, _ =	vpop (xrf0)  }
0xb1: {  	v10 =	vadd.s32 s23, v10;
	vm2 =	vmneg @p2 vm2;
	v9 =	vbroadcast v9, $0xF  }
0xb2: {  	vm2 =	vmand vm3, vm2;
	v8 =	vnsel vm1, $0x0, v8;
	vm1 =	vmmov vm3  }
0xb3: {  	v7 =	vsel vm2, v10, v7;
	v6 =	vadd.s32 v6, v8;
	v8 =	vnsel vm1, $0x0, v9  }
0xb4: {  	v4 =	vor.u32 v4, v7;
	v6 =	vadd.s32 v6, v8  }
0xb5: {  	[tilespmem:$0x10840] =	vst @!p1 v4;
	v5 =	vsub.s32 @!p1 v5, v6  }
0xb6: {  	s20 =	simm.s32 @!p1 $0x10840;
	s19 =	simm.s32 @!p1 $0x0;
	[tilespmem:$0x10850] =	vst @!p1 v5  }
0xb7: {  	[hbm4b:s7+s19] =	stream.linear.scatter @!p1 [tilespmem:s20], [sflag:$0x2], $0x20, $0x38;
	[tilespmem:$0x11840] =	vst v63  }
0xb8: {  	s19 =	simm.s32 @!p1 $0x2  }
0xb9: {  	_ =	swait.ge @!p1 [sflag:s19], $0x20  }
0xba: {  	[sflag:s19] =	ssyncset.done @!p1 $0x0  }
0xbb: {  	[sflag:s19] =	ssyncadd.s32 @!p1 $0xFFFFFFE0  }
0xbc: {  	_ =	swait.ge [sflag:s15], $0x8000  }
0xbd: {  	[sflag:s15] =	ssyncset.done $0x0  }
0xbe: {  	[sflag:s15] =	ssyncadd.s32 $0xFFFF8000  }
0xbf: {  	_ =	swait.ge [sflag:s15], $0x8000  }
0xc0: {  	[sflag:s15] =	ssyncset.done $0x0  }
0xc1: {  	s31 =	simm.s32 $0x80;
	[sflag:s15] =	ssyncadd.s32 $0xFFFF8000  }
0xc2: {  	v5 =	vld [tilespmem:s31+$0xFFFFFF80]  }
0xc3: {  	v6 =	vld [tilespmem:s31+$0xFFFFFF90]  }
0xc4: {  	v29 =	vld [tilespmem:s31+$0x50]  }
0xc5: {  	v31 =	vld [tilespmem:s31+$0x60]  }
0xc6: {  	v36 =	vld [tilespmem:s31+$0x70];
	_ =	sdelay $0x1  }
0xc7: {  	v7 =	vshra.s32 v5, $0x1F  }
0xc8: {  	v9 =	vimm.s32 $0x7FFFFFFF;
	v11 =	vshra.s32 v6, $0x1F;
	v7 =	vor.u32 $0x80000000, v7  }
0xc9: {  	v8 =	vld [tilespmem:s31+$0xFFFFFFA0];
	v30 =	vshra.s32 v29, $0x1F;
	v59 =	vshra.s32 v31, $0x1F;
	v7 =	vxor.u32 v5, v7  }
0xca: {  	v61 =	vshra.s32 v36, $0x1F;
	v30 =	vor.u32 $0x80000000, v30;
	v5 =	vand.u32 $0x3FF, v7  }
0xcb: {  	v10 =	vxor.u32 $0x80000000, v7;
	v16 =	vshrl.u32 v7, $0xA;
	v7 =	vor.u32 $0x80000000, v11;
	v11 =	vld [tilespmem:s31+$0xFFFFFFB0]  }
0xcc: {  	vm1 =	vlt.s32 v9, v10;
	vm2 =	vgt.s32 v16, v4;
	v6 =	vxor.u32 v6, v7  }
0xcd: {  	v10 =	vsel vm1, v9, v10;
	v7 =	vxor.u32 $0x80000000, v6;
	v17 =	vshrl.u32 v6, $0xA  }
0xce: {  	v9 =	vsel vm2, v10, v9;
	v10 =	vshra.s32 v8, $0x1F;
	vm2 =	vgt.s32 v17, v4  }
0xcf: {  	v12 =	vld [tilespmem:s31+$0xFFFFFFC0];
	vm15 =	veq.s32 v17, v4;
	vm1 =	vlt.s32 v9, v7;
	v10 =	vor.u32 $0x80000000, v10  }
0xd0: {  	v13 =	vsel vm1, v9, v7;
	v7 =	vxor.u32 v8, v10;
	v10 =	vshra.s32 v11, $0x1F  }
0xd1: {  	v9 =	vsel vm2, v13, v9;
	v8 =	vxor.u32 $0x80000000, v7;
	v20 =	vshrl.u32 v7, $0xA  }
0xd2: {  	v10 =	vor.u32 $0x80000000, v10;
	v13 =	vld [tilespmem:s31+$0xFFFFFFD0];
	vm1 =	vlt.s32 v9, v8;
	vm2 =	vgt.s32 v20, v4  }
0xd3: {  	vm14 =	veq.s32 v20, v4;
	v14 =	vsel vm1, v9, v8;
	v8 =	vxor.u32 v11, v10  }
0xd4: {  	v11 =	vshra.s32 v12, $0x1F;
	v10 =	vsel vm2, v14, v9;
	v9 =	vxor.u32 $0x80000000, v8  }
0xd5: {  	v22 =	vshrl.u32 v8, $0xA;
	v11 =	vor.u32 $0x80000000, v11;
	v14 =	vld [tilespmem:s31+$0xFFFFFFE0];
	vm1 =	vlt.s32 v10, v9  }
0xd6: {  	vm2 =	vgt.s32 v22, v4;
	v15 =	vsel vm1, v10, v9;
	v9 =	vxor.u32 v12, v11  }
0xd7: {  	v12 =	vshra.s32 v13, $0x1F;
	v11 =	vsel vm2, v15, v10;
	v10 =	vxor.u32 $0x80000000, v9  }
0xd8: {  	v24 =	vshrl.u32 v9, $0xA;
	v12 =	vor.u32 $0x80000000, v12;
	v15 =	vld [tilespmem:s31+$0xFFFFFFF0];
	vm1 =	vlt.s32 v11, v10  }
0xd9: {  	vm2 =	vgt.s32 v24, v4;
	v18 =	vsel vm1, v11, v10;
	v10 =	vxor.u32 v13, v12  }
0xda: {  	v13 =	vshra.s32 v14, $0x1F;
	v12 =	vsel vm2, v18, v11;
	v11 =	vxor.u32 $0x80000000, v10  }
0xdb: {  	v25 =	vshrl.u32 v10, $0xA;
	v13 =	vor.u32 $0x80000000, v13;
	v18 =	vld [tilespmem:s31+$0x0];
	vm1 =	vlt.s32 v12, v11  }
0xdc: {  	vm2 =	vgt.s32 v25, v4;
	v19 =	vsel vm1, v12, v11;
	v11 =	vxor.u32 v14, v13  }
0xdd: {  	v14 =	vshra.s32 v15, $0x1F;
	v13 =	vsel vm2, v19, v12;
	v12 =	vxor.u32 $0x80000000, v11  }
0xde: {  	v27 =	vshrl.u32 v11, $0xA;
	v14 =	vor.u32 $0x80000000, v14;
	v19 =	vld [tilespmem:s31+$0x10];
	vm1 =	vlt.s32 v13, v12  }
0xdf: {  	vm2 =	vgt.s32 v27, v4;
	v21 =	vsel vm1, v13, v12;
	v12 =	vxor.u32 v15, v14  }
0xe0: {  	v15 =	vshra.s32 v18, $0x1F;
	v14 =	vsel vm2, v21, v13;
	v13 =	vxor.u32 $0x80000000, v12  }
0xe1: {  	v32 =	vshrl.u32 v12, $0xA;
	v15 =	vor.u32 $0x80000000, v15;
	v21 =	vld [tilespmem:s31+$0x20];
	vm1 =	vlt.s32 v14, v13  }
0xe2: {  	vm2 =	vgt.s32 v32, v4;
	v23 =	vsel vm1, v14, v13;
	v13 =	vxor.u32 v18, v15  }
0xe3: {  	v18 =	vshra.s32 v19, $0x1F;
	v15 =	vsel vm2, v23, v14;
	v14 =	vxor.u32 $0x80000000, v13  }
0xe4: {  	v33 =	vshrl.u32 v13, $0xA;
	v18 =	vor.u32 $0x80000000, v18;
	v23 =	vld [tilespmem:s31+$0x30];
	vm1 =	vlt.s32 v15, v14  }
0xe5: {  	vm2 =	vgt.s32 v33, v4;
	v26 =	vsel vm1, v15, v14;
	v14 =	vxor.u32 v19, v18  }
0xe6: {  	v19 =	vshra.s32 v21, $0x1F;
	v18 =	vsel vm2, v26, v15;
	v15 =	vxor.u32 $0x80000000, v14  }
0xe7: {  	v28 =	vld [tilespmem:s31+$0x40];
	v34 =	vshrl.u32 v14, $0xA;
	v19 =	vor.u32 $0x80000000, v19;
	vm1 =	vlt.s32 v18, v15  }
0xe8: {  	vm2 =	vgt.s32 v34, v4;
	v26 =	vsel vm1, v18, v15;
	v15 =	vxor.u32 v21, v19  }
0xe9: {  	v21 =	vshra.s32 v23, $0x1F;
	v18 =	vsel vm2, v26, v18;
	v19 =	vxor.u32 $0x80000000, v15  }
0xea: {  	v35 =	vshrl.u32 v15, $0xA;
	v21 =	vor.u32 $0x80000000, v21;
	vm1 =	vlt.s32 v18, v19  }
0xeb: {  	vm2 =	vgt.s32 v35, v4;
	v26 =	vsel vm1, v18, v19;
	v19 =	vxor.u32 v23, v21  }
0xec: {  	v23 =	vshra.s32 v28, $0x1F;
	v18 =	vsel vm2, v26, v18;
	v21 =	vxor.u32 $0x80000000, v19  }
0xed: {  	v26 =	vshrl.u32 v19, $0xA;
	v23 =	vor.u32 $0x80000000, v23;
	vm1 =	vlt.s32 v18, v21  }
0xee: {  	vm2 =	vgt.s32 v26, v4;
	v23 =	vxor.u32 v28, v23;
	v21 =	vsel vm1, v18, v21  }
0xef: {  	vm13 =	veq.s32 v22, v4;
	v18 =	vsel vm2, v21, v18;
	v21 =	vxor.u32 $0x80000000, v23  }
0xf0: {  	vm12 =	veq.s32 v24, v4;
	v28 =	vshrl.u32 v23, $0xA;
	vm1 =	vlt.s32 v18, v21  }
0xf1: {  	vm2 =	vgt.s32 v28, v4;
	v37 =	vsel vm1, v18, v21;
	v21 =	vxor.u32 v29, v30  }
0xf2: {  	vm11 =	veq.s32 v25, v4;
	v29 =	vsel vm2, v37, v18;
	v18 =	vxor.u32 $0x80000000, v21  }
0xf3: {  	v30 =	vshrl.u32 v21, $0xA;
	v37 =	vor.u32 $0x80000000, v59;
	vm1 =	vlt.s32 v29, v18  }
0xf4: {  	vm2 =	vgt.s32 v30, v4;
	v38 =	vsel vm1, v29, v18;
	v18 =	vxor.u32 v31, v37  }
0xf5: {  	v60 =	vsel vm2, v38, v29;
	v29 =	vxor.u32 $0x80000000, v18;
	v31 =	vshrl.u32 v18, $0xA  }
0xf6: {  	v38 =	vor.u32 $0x80000000, v61;
	vm1 =	vlt.s32 v60, v29;
	vm2 =	vgt.s32 v31, v4  }
0xf7: {  	v39 =	vsel vm1, v60, v29;
	v29 =	vxor.u32 v36, v38;
	vm1 =	veq.s32 v16, v4  }
0xf8: {  	vm10 =	veq.s32 v27, v4;
	v62 =	vsel vm2, v39, v60;
	v63 =	vxor.u32 $0x80000000, v29  }
0xf9: {  	vm9 =	veq.s32 v32, v4;
	v16 =	vshrl.u32 v29, $0xA;
	vm2 =	vlt.s32 v62, v63  }
0xfa: {  	vm8 =	veq.s32 v33, v4;
	vm3 =	vgt.s32 v16, v4;
	v17 =	vsel vm2, v62, v63  }
0xfb: {  	s20 =	simm.s32 $0x180;
	s19 =	simm.s32 $0x0;
	vm6 =	veq.s32 v34, v4;
	v17 =	vsel vm3, v17, v62;
	vm3 =	veq.s32 v35, v4  }
.LBB2_6:
0xfc: {  	v20 =	vld [tilespmem:s20+$0xFFFFFF80];
	s19 =	sadd.s32 $0x10, s19;
	vm7 =	veq.s32 v26, v4;
	vm5 =	veq.s32 v28, v4;
	vm4 =	veq.s32 v30, v4  }
0xfd: {  	vm2 =	veq.s32 v31, v4;
	p2 =	slt.u32 s19, $0xFF0;
	[tilespmem:v5+s16+$0x0] =	vst.idx.add.s32.msk vm1, v3;
	v5 =	vand.u32 $0x3FF, v6;
	vm1 =	veq.s32 v16, v4  }
0xfe: {  	v6 =	vand.u32 $0x3FF, v7;
	v7 =	vand.u32 $0x3FF, v8;
	v8 =	vand.u32 $0x3FF, v9  }
0xff: {  	v10 =	vand.u32 $0x3FF, v10;
	v11 =	vand.u32 $0x3FF, v11;
	v12 =	vand.u32 $0x3FF, v12;
	v9 =	vld [tilespmem:s20+$0xFFFFFF90]  }
0x100: {  	v13 =	vand.u32 $0x3FF, v13;
	v26 =	vand.u32 $0x3FF, v14;
	v14 =	vand.u32 $0x3FF, v15  }
0x101: {  	v15 =	vand.u32 $0x3FF, v19;
	v19 =	vand.u32 $0x3FF, v23;
	v16 =	vshra.s32 v20, $0x1F  }
0x102: {  	v23 =	vand.u32 $0x3FF, v21;
	v21 =	vand.u32 $0x3FF, v18;
	v16 =	vor.u32 $0x80000000, v16;
	v22 =	vld [tilespmem:s20+$0xFFFFFFA0]  }
0x103: {  	v18 =	vand.u32 $0x3FF, v29;
	v16 =	vxor.u32 v20, v16;
	[tilespmem:v5+s16+$0x0] =	vst.idx.add.s32.msk vm15, v3  }
0x104: {  	v5 =	vand.u32 $0x3FF, v16;
	v20 =	vxor.u32 $0x80000000, v16;
	v24 =	vshra.s32 v9, $0x1F;
	[tilespmem:v6+s16+$0x0] =	vst.idx.add.s32.msk vm14, v3  }
0x105: {  	v16 =	vshrl.u32 v16, $0xA;
	vm14 =	vlt.s32 v17, v20;
	v6 =	vor.u32 $0x80000000, v24;
	v24 =	vld [tilespmem:s20+$0xFFFFFFB0]  }
0x106: {  	vm15 =	vgt.s32 v16, v4;
	v20 =	vsel vm14, v17, v20;
	v6 =	vxor.u32 v9, v6  }
0x107: {  	v9 =	vsel vm15, v20, v17;
	v20 =	vxor.u32 $0x80000000, v6;
	v25 =	vshra.s32 v22, $0x1F;
	[tilespmem:v7+s16+$0x0] =	vst.idx.add.s32.msk vm13, v3  }
0x108: {  	v17 =	vshrl.u32 v6, $0xA;
	vm13 =	vlt.s32 v9, v20;
	v7 =	vor.u32 $0x80000000, v25;
	v25 =	vld [tilespmem:s20+$0xFFFFFFC0]  }
0x109: {  	vm14 =	vgt.s32 v17, v4;
	v20 =	vsel vm13, v9, v20;
	v7 =	vxor.u32 v22, v7  }
0x10a: {  	v9 =	vsel vm14, v20, v9;
	v22 =	vxor.u32 $0x80000000, v7;
	v27 =	vshra.s32 v24, $0x1F;
	[tilespmem:v8+s16+$0x0] =	vst.idx.add.s32.msk vm12, v3  }
0x10b: {  	v20 =	vshrl.u32 v7, $0xA;
	vm12 =	vlt.s32 v9, v22;
	v8 =	vor.u32 $0x80000000, v27;
	v27 =	vld [tilespmem:s20+$0xFFFFFFD0]  }
0x10c: {  	vm13 =	vgt.s32 v20, v4;
	v22 =	vsel vm12, v9, v22;
	v8 =	vxor.u32 v24, v8  }
0x10d: {  	v24 =	vsel vm13, v22, v9;
	v9 =	vxor.u32 $0x80000000, v8;
	v28 =	vshra.s32 v25, $0x1F;
	[tilespmem:v10+s16+$0x0] =	vst.idx.add.s32.msk vm11, v3  }
0x10e: {  	v22 =	vshrl.u32 v8, $0xA;
	vm11 =	vlt.s32 v24, v9;
	v10 =	vor.u32 $0x80000000, v28;
	v28 =	vld [tilespmem:s20+$0xFFFFFFE0]  }
0x10f: {  	vm12 =	vgt.s32 v22, v4;
	v29 =	vsel vm11, v24, v9;
	v9 =	vxor.u32 v25, v10  }
0x110: {  	v25 =	vsel vm12, v29, v24;
	v10 =	vxor.u32 $0x80000000, v9;
	v29 =	vshra.s32 v27, $0x1F;
	[tilespmem:v11+s16+$0x0] =	vst.idx.add.s32.msk vm10, v3  }
0x111: {  	v24 =	vshrl.u32 v9, $0xA;
	vm10 =	vlt.s32 v25, v10;
	v11 =	vor.u32 $0x80000000, v29;
	v29 =	vld [tilespmem:s20+$0xFFFFFFF0]  }
0x112: {  	vm11 =	vgt.s32 v24, v4;
	v30 =	vsel vm10, v25, v10;
	v10 =	vxor.u32 v27, v11  }
0x113: {  	v27 =	vsel vm11, v30, v25;
	v11 =	vxor.u32 $0x80000000, v10;
	v30 =	vshra.s32 v28, $0x1F;
	[tilespmem:v12+s16+$0x0] =	vst.idx.add.s32.msk vm9, v3  }
0x114: {  	v25 =	vshrl.u32 v10, $0xA;
	vm9 =	vlt.s32 v27, v11;
	v12 =	vor.u32 $0x80000000, v30;
	v30 =	vld [tilespmem:s20+$0x0]  }
0x115: {  	vm10 =	vgt.s32 v25, v4;
	v31 =	vsel vm9, v27, v11;
	v11 =	vxor.u32 v28, v12  }
0x116: {  	v28 =	vsel vm10, v31, v27;
	v12 =	vxor.u32 $0x80000000, v11;
	v31 =	vshra.s32 v29, $0x1F;
	[tilespmem:v13+s16+$0x0] =	vst.idx.add.s32.msk vm8, v3  }
0x117: {  	v27 =	vshrl.u32 v11, $0xA;
	vm8 =	vlt.s32 v28, v12;
	v13 =	vor.u32 $0x80000000, v31;
	v31 =	vld [tilespmem:s20+$0x10]  }
0x118: {  	vm9 =	vgt.s32 v27, v4;
	v32 =	vsel vm8, v28, v12;
	v12 =	vxor.u32 v29, v13  }
0x119: {  	v28 =	vsel vm9, v32, v28;
	v13 =	vxor.u32 $0x80000000, v12;
	v29 =	vshra.s32 v30, $0x1F;
	[tilespmem:v26+s16+$0x0] =	vst.idx.add.s32.msk vm6, v3  }
0x11a: {  	v32 =	vshrl.u32 v12, $0xA;
	vm6 =	vlt.s32 v28, v13;
	v26 =	vor.u32 $0x80000000, v29;
	v29 =	vld [tilespmem:s20+$0x20]  }
0x11b: {  	vm8 =	vgt.s32 v32, v4;
	v33 =	vsel vm6, v28, v13;
	v13 =	vxor.u32 v30, v26  }
0x11c: {  	v26 =	vsel vm8, v33, v28;
	v28 =	vxor.u32 $0x80000000, v13;
	v30 =	vshra.s32 v31, $0x1F;
	[tilespmem:v14+s16+$0x0] =	vst.idx.add.s32.msk vm3, v3  }
0x11d: {  	v33 =	vshrl.u32 v13, $0xA;
	vm3 =	vlt.s32 v26, v28;
	v14 =	vor.u32 $0x80000000, v30;
	v30 =	vld [tilespmem:s20+$0x30]  }
0x11e: {  	vm6 =	vgt.s32 v33, v4;
	v28 =	vsel vm3, v26, v28;
	v14 =	vxor.u32 v31, v14  }
0x11f: {  	v26 =	vsel vm6, v28, v26;
	v28 =	vxor.u32 $0x80000000, v14;
	v31 =	vshra.s32 v29, $0x1F;
	[tilespmem:v15+s16+$0x0] =	vst.idx.add.s32.msk vm7, v3  }
0x120: {  	v34 =	vshrl.u32 v14, $0xA;
	vm3 =	vlt.s32 v26, v28;
	v15 =	vor.u32 $0x80000000, v31;
	v31 =	vld [tilespmem:s20+$0x40]  }
0x121: {  	vm6 =	vgt.s32 v34, v4;
	v28 =	vsel vm3, v26, v28;
	v15 =	vxor.u32 v29, v15  }
0x122: {  	v26 =	vsel vm6, v28, v26;
	v28 =	vxor.u32 $0x80000000, v15;
	v29 =	vshra.s32 v30, $0x1F;
	[tilespmem:v19+s16+$0x0] =	vst.idx.add.s32.msk vm5, v3  }
0x123: {  	v35 =	vshrl.u32 v15, $0xA;
	vm3 =	vlt.s32 v26, v28;
	v19 =	vor.u32 $0x80000000, v29;
	v29 =	vld [tilespmem:s20+$0x50]  }
0x124: {  	vm5 =	vgt.s32 v35, v4;
	v28 =	vsel vm3, v26, v28;
	v19 =	vxor.u32 v30, v19  }
0x125: {  	v28 =	vsel vm5, v28, v26;
	v30 =	vxor.u32 $0x80000000, v19;
	v36 =	vshra.s32 v31, $0x1F;
	[tilespmem:v23+s16+$0x0] =	vst.idx.add.s32.msk vm4, v3  }
0x126: {  	v26 =	vshrl.u32 v19, $0xA;
	vm3 =	vlt.s32 v28, v30;
	v23 =	vor.u32 $0x80000000, v36;
	v36 =	vld [tilespmem:s20+$0x60]  }
0x127: {  	vm4 =	vgt.s32 v26, v4;
	v30 =	vsel vm3, v28, v30;
	v23 =	vxor.u32 v31, v23  }
0x128: {  	v30 =	vsel vm4, v30, v28;
	v31 =	vxor.u32 $0x80000000, v23;
	v37 =	vshra.s32 v29, $0x1F;
	[tilespmem:v21+s16+$0x0] =	vst.idx.add.s32.msk vm2, v3  }
0x129: {  	v28 =	vshrl.u32 v23, $0xA;
	vm2 =	vlt.s32 v30, v31;
	v21 =	vor.u32 $0x80000000, v37;
	v37 =	vld [tilespmem:s20+$0x70]  }
0x12a: {  	vm3 =	vgt.s32 v28, v4;
	v31 =	vsel vm2, v30, v31;
	v21 =	vxor.u32 v29, v21  }
0x12b: {  	v29 =	vsel vm3, v31, v30;
	v31 =	vxor.u32 $0x80000000, v21;
	v38 =	vshra.s32 v36, $0x1F;
	[tilespmem:v18+s16+$0x0] =	vst.idx.add.s32.msk vm1, v3  }
0x12c: {  	v30 =	vshrl.u32 v21, $0xA;
	vm1 =	vlt.s32 v29, v31;
	v18 =	vor.u32 $0x80000000, v38  }
0x12d: {  	vm2 =	vgt.s32 v30, v4;
	v31 =	vsel vm1, v29, v31;
	v18 =	vxor.u32 v36, v18  }
0x12e: {  	v36 =	vsel vm2, v31, v29;
	v29 =	vxor.u32 $0x80000000, v18;
	v38 =	vshra.s32 v37, $0x1F  }
0x12f: {  	v31 =	vshrl.u32 v18, $0xA;
	vm1 =	vlt.s32 v36, v29;
	v38 =	vor.u32 $0x80000000, v38  }
0x130: {  	vm2 =	vgt.s32 v31, v4;
	v39 =	vsel vm1, v36, v29;
	v29 =	vxor.u32 v37, v38  }
0x131: {  	vm1 =	veq.s32 v16, v4;
	v36 =	vsel vm2, v39, v36;
	v37 =	vxor.u32 $0x80000000, v29  }
.Ltmp2:
0x132: {  	vm15 =	veq.s32 v17, v4;
	v16 =	vshrl.u32 v29, $0xA;
	vm2 =	vlt.s32 v36, v37;
	(pc) =	sbr.rel @p2 .LBB2_6-.Ltmp2, $4  }
0x133: {  	vm14 =	veq.s32 v20, v4;
	vm3 =	vgt.s32 v16, v4;
	v17 =	vsel vm2, v36, v37  }
0x134: {  	vm13 =	veq.s32 v22, v4;
	vm12 =	veq.s32 v24, v4;
	v17 =	vsel vm3, v17, v36  }
0x135: {  	vm11 =	veq.s32 v25, v4;
	vm10 =	veq.s32 v27, v4;
	vm9 =	veq.s32 v32, v4  }
0x136: {  	vm8 =	veq.s32 v33, v4;
	vm6 =	veq.s32 v34, v4;
	s20 =	sadd.s32 $0x100, s20;
	vm3 =	veq.s32 v35, v4  }
0x137: {  	_ = 	snop  }
0x138: {  	v6 =	vand.u32 $0x3FF, v6  }
0x139: {  	v7 =	vand.u32 $0x3FF, v7  }
0x13a: {  	v8 =	vand.u32 $0x3FF, v8  }
0x13b: {  	v9 =	vand.u32 $0x3FF, v9  }
0x13c: {  	[tilespmem:v5+s16+$0x0] =	vst.idx.add.s32.msk vm1, v3;
	v5 =	vand.u32 $0x3FF, v10  }
0x13d: {  	v56 =	vand.u32 $0x3FF, v11;
	[tilespmem:v6+s16+$0x0] =	vst.idx.add.s32.msk vm15, v3  }
0x13e: {  	v57 =	vand.u32 $0x3FF, v12;
	[tilespmem:v7+s16+$0x0] =	vst.idx.add.s32.msk vm14, v3  }
0x13f: {  	v58 =	vand.u32 $0x3FF, v13;
	[tilespmem:v8+s16+$0x0] =	vst.idx.add.s32.msk vm13, v3  }
0x140: {  	v59 =	vand.u32 $0x3FF, v14;
	[tilespmem:v9+s16+$0x0] =	vst.idx.add.s32.msk vm12, v3  }
0x141: {  	v60 =	vand.u32 $0x3FF, v15;
	vm2 =	veq.s32 v28, v4;
	[tilespmem:v5+s16+$0x0] =	vst.idx.add.s32.msk vm11, v3  }
0x142: {  	vm4 =	veq.s32 v30, v4;
	v61 =	vand.u32 $0x3FF, v23;
	[tilespmem:v56+s16+$0x0] =	vst.idx.add.s32.msk vm10, v3  }
0x143: {  	vm5 =	veq.s32 v31, v4;
	v62 =	vand.u32 $0x3FF, v21;
	[tilespmem:v57+s16+$0x0] =	vst.idx.add.s32.msk vm9, v3  }
0x144: {  	vm1 =	veq.s32 v26, v4;
	vm7 =	veq.s32 v16, v4;
	v4 =	vand.u32 $0x3FF, v18;
	[tilespmem:v58+s16+$0x0] =	vst.idx.add.s32.msk vm8, v3  }
0x145: {  	v63 =	vand.u32 $0x3FF, v29;
	[tilespmem:v59+s16+$0x0] =	vst.idx.add.s32.msk vm6, v3  }
0x146: {  	v5 =	vand.u32 $0x3FF, v19;
	[tilespmem:v60+s16+$0x0] =	vst.idx.add.s32.msk vm3, v3  }
0x147: {  	[tilespmem:v61+s16+$0x0] =	vst.idx.add.s32.msk vm2, v3  }
0x148: {  	[tilespmem:v62+s16+$0x0] =	vst.idx.add.s32.msk vm4, v3  }
0x149: {  	[tilespmem:v4+s16+$0x0] =	vst.idx.add.s32.msk vm5, v3  }
0x14a: {  	[tilespmem:v63+s16+$0x0] =	vst.idx.add.s32.msk vm7, v3  }
0x14b: {  	[tilespmem:v5+s16+$0x0] =	vst.idx.add.s32.msk vm1, v3  }
0x14c: {  	[spmem:s1] =	stream.indirect.scatter.add.s32 [tilespmem:s16], [sflag:$0x2], $0x1, s17, s12, $0xb8;
	[tilespmem:$0x11840] =	vst v63  }
0x14d: {  	_ =	swait.ge [sflag:s14], $0x400  }
0x14e: {  	[sflag:s14] =	ssyncset.done $0x0  }
0x14f: {  	[sflag:s14] =	ssyncadd.s32 $0xFFFFFC00  }
0x150: {  	s19 =	sshrl.u32 @!p0 s1, $0x3;
	s20 =	simm.s32 @!p0 $0x1C02;
	[bflag:$0x0] =	sbarrier.arrive $0xFFFF  }
0x151: {  	[hbm:s8], [sflag:s20] =	dma.local @!p0 [spmem:s19], $0x80  }
0x152: {  	s19 =	simm.s32 @!p0 $0x2  }
0x153: {  	_ =	swait.ge @!p0 [sflag:s19], $0x80  }
0x154: {  	s18 =	sadd.s32 $0x1, s18;
	[sflag:s19] =	ssyncset.done @!p0 $0x0  }
0x155: {  	p2 =	sne.s32 s18, s10;
	[sflag:s19] =	ssyncadd.s32 @!p0 $0xFFFFFF80  }
.Ltmp3:
0x156: {  	[tilespmem:$0x10400] =	vst v17;
	(pc) =	sbr.rel @p2 .LBB2_1-.Ltmp3, $4  }
0x157: {  	[hbm4b:s9+s2] =	stream.linear.scatter [tilespmem:s17], [sflag:$0x2], $0x10, $0x38;
	[tilespmem:$0x11840] =	vst v63  }
0x158: {  	_ =	swait.ge [sflag:s14], $0x10  }
0x159: {  	[sflag:s14] =	ssyncset.done $0x0  }
0x15a: {  	[sflag:s14] =	ssyncadd.s32 $0xFFFFFFF0  }
0x15b: {  	_ =	sfence.sel $0x180000  }
0x15c: {  	[bflag:$0x0] =	sbarrier.arrive $0xFFFF  }
0x15d: {  	_ =	strace $0x9000004D  }
0x15e: {  	s0 =	sadd.s32 @!p0 $0x100000, s0;
	[bflag:$0x2] =	sbarrier.arrive $0xFFFF  }
0x15f: {  	[sflag:s0] =	ssyncadd.tile.s32 @!p0 $0x1;
	_ =	shalt  }
.Lfunc_end2:
_tile_overlayer_lowered:
.L_overlay_start_2:
0x160: {  	(tag) =	ssettag $0x2  }
0x161: {  	s0 =	rddreg [dreg:$0x0];
	s2 =	stileid.u32  }
0x162: {  	s1 =	rddreg [dreg:$0x1];
	p0 =	sne.s32 s2, $0x0  }
0x163: {  	s3 =	rddreg [dreg:$0x2];
	[bflag:$0x3] =	sbarrier.arrive $0xFFFF;
	s2 =	simm.s32 @!p0 $0x1C02  }
0x164: {  	[timem:s3], [sflag:s2] =	dma.local @!p0 [hbm:s0], s1  }
0x165: {  	s0 =	simm.s32 @!p0 $0x2  }
0x166: {  	_ =	swait.ge @!p0 [sflag:s0], s1  }
0x167: {  	s1 =	ssub.s32 @!p0 $0x0, s1;
	[sflag:s0] =	ssyncset.done @!p0 $0x0  }
0x168: {  	[sflag:s0] =	ssyncadd.s32 @!p0 s1  }
0x169: {  	[bflag:$0x3] =	sbarrier.arrive $0xFFFF  }
0x16a: {  	_ =	shalt  }

// kernel: kernel.15.cloned.1.call-start
scs
__scs_entry_jumppad:
0x0: {  	(pc) =	sbr.rel $0x88, $3  }
0x1: {  	(tag) =	ssettag $0x0;
	lr =	simm.s32 $0x1  }
0x2: {  	[smem:$0x3FA0] =	sst lr;
	_ =	strace $0xD0000000  }
0x3: {  	_ = 	snop  }
0x4: {  	_ = 	snop  }
0x5: {  	_ = 	snop  }
0x6: {  	_ = 	snop  }
0x7: {  	_ = 	snop  }
__scs_overlays_trampoline_lowered:
0x8: {  	[smem:$0x3FAF] =	sst s0  }
0x9: {  	[smem:$0x3FB0] =	sst s1  }
0xa: {  	[smem:$0x3FB1] =	sst s2  }
0xb: {  	[smem:$0x3FB2] =	sst s3  }
0xc: {  	[smem:$0x3FB3] =	sst s4  }
0xd: {  	[smem:$0x3FB4] =	sst s5  }
0xe: {  	[smem:$0x3FB5] =	sst s6  }
0xf: {  	[smem:$0x3FB6] =	sst s7  }
0x10: {  	[smem:$0x3FB7] =	sst s8  }
0x11: {  	[smem:$0x3FB8] =	sst s9;
	s0 =	simm.s32 @!p0 $0x0  }
0x12: {  	s1 =	sld [smem:$0x3F9E];
	s0 =	simm.s32 @p0 $0x1  }
0x13: {  	[smem:$0x3FB9] =	sst s0;
	s0 =	simm.s32 @!p1 $0x0  }
0x14: {  	s2 =	sld [smem:$0x3F9D];
	s0 =	simm.s32 @p1 $0x1  }
0x15: {  	[smem:$0x3FBA] =	sst s0;
	s0 =	simm.s32 @!p2 $0x0  }
0x16: {  	s3 =	sld [smem:$0x3FDB];
	s0 =	simm.s32 @p2 $0x1  }
0x17: {  	s4 =	simm.s32 $0x1BF5;
	[smem:$0x3FBC] =	sst s0  }
0x18: {  	s0 =	sld [smem:$0x3F9F];
	_ =	swait.ge [sflag:s4], $0x0  }
0x19: {  	s7 =	sld [smem:$0x3FA0]  }
0x1a: {  	s8 =	sadd.s32 $0xFFFFE003, lr  }
0x1b: {  	s9 =	sadd.s32 $0xFFFFFEF7, lr;
	s5 =	simm.s32 $0xFFFFFFFF;
	p2 =	slt.u32 s8, $0xFFFFF086  }
0x1c: {  	p1 =	slt.u32 s9, $0xF7A;
	s5 =	simm.s32 @!p2 $0x0  }
0x1d: {  	s5 =	simm.s32 @p1 $0x1;
	p0 =	seq.s32 s7, s2  }
0x1e: {  	s7 =	smul.u32 @!p0 $0xF7A, s2;
	p2 =	seq.s32 @!p0 s5, $0x0  }
0x1f: {  	s9 =	smul.u32 $0xF7A, s1;
	s8 =	simm.s32 @!p0 $0x1BF5;
	p2 =	por !p2, p0  }
0x20: {  	[sflag:s8] =	ssyncset.s32 @!p0 $0xFFFFF086;
	s6 =	sadd.s32 @!p0 s3, s7;
	s7 =	simm.s32 @!p0 $0x108  }
0x21: {  	s3 =	sadd.s32 s3, s9;
	s6 =	sadd.s32 @!p0 $0x88, s6;
	s7 =	simm.s32 @p2 $0x1082  }
0x22: {  	[simem:s7], [sflag:s8] =	dma.local @!p0 [hbm:s6], $0xF7A  }
0x23: {  	s9 =	sor.u32 $0xD0000000, s2;
	s6 =	simm.s32 $0x108;
	_ =	swait.ge @!p0 [sflag:s8], $0x0  }
0x24: {  	s3 =	sadd.s32 $0x88, s3;
	s6 =	simm.s32 @!p1 $0x1082;
	[sflag:s4] =	ssyncset.s32 $0xFFFFF086  }
0x25: {  	[simem:s6], [sflag:s4] =	dma.local [hbm:s3], $0xF7A  }
0x26: {  	[smem:$0x3FA0] =	sst s1;
	(tag) =	ssettag s2;
	_ =	strace s9  }
0x27: {  	s1 =	sld [smem:$0x3FB0]  }
0x28: {  	s2 =	sld [smem:$0x3FB1]  }
0x29: {  	s4 =	sld [smem:$0x3FB3]  }
0x2a: {  	p0 =	seq.s32 s5, $0x0;
	s5 =	sld [smem:$0x3FB4]  }
0x2b: {  	s6 =	sld [smem:$0x3FB5]  }
0x2c: {  	s7 =	sld [smem:$0x3FB6]  }
0x2d: {  	s3 =	simm.s32 $0x108;
	s8 =	sld [smem:$0x3FB7]  }
0x2e: {  	s3 =	simm.s32 @!p0 $0x1082;
	s9 =	sld [smem:$0x3FB8]  }
0x2f: {  	lr =	sadd.s32 s0, s3;
	s0 =	sld [smem:$0x3FAF]  }
0x30: {  	s3 =	sld [smem:$0x3FB2]  }
0x31: {  	[smem:$0x3FBB] =	sst s10  }
0x32: {  	s10 =	sld [smem:$0x3FB9];
	_ =	sdelay $0x3  }
0x33: {  	p0 =	seq.s32 s10, $0x1;
	s10 =	sld [smem:$0x3FBB];
	_ =	sdelay $0x3  }
0x34: {  	[smem:$0x3FBB] =	sst s10  }
0x35: {  	s10 =	sld [smem:$0x3FBA];
	_ =	sdelay $0x3  }
0x36: {  	p1 =	seq.s32 s10, $0x1;
	s10 =	sld [smem:$0x3FBB];
	_ =	sdelay $0x3  }
0x37: {  	[smem:$0x3FBB] =	sst s10  }
0x38: {  	s10 =	sld [smem:$0x3FBC]  }
0x39: {  	_ = 	snop;
	(pc) =	sbr.ind lr, $3  }
0x3a: {  	_ = 	snop  }
0x3b: {  	_ = 	snop  }
0x3c: {  	p2 =	seq.s32 s10, $0x1;
	s10 =	sld [smem:$0x3FBB]  }
0x3d: {  	_ =	shalt  }
0x3e: {  	_ =	shalt  }
0x3f: {  	_ =	shalt  }
0x40: {  	_ =	shalt  }
0x41: {  	_ =	shalt  }
0x42: {  	_ =	shalt  }
0x43: {  	_ =	shalt  }
0x44: {  	_ =	shalt  }
0x45: {  	_ =	shalt  }
0x46: {  	_ =	shalt  }
0x47: {  	_ =	shalt  }
0x48: {  	_ =	shalt  }
0x49: {  	_ =	shalt  }
0x4a: {  	_ =	shalt  }
0x4b: {  	_ =	shalt  }
0x4c: {  	_ =	shalt  }
0x4d: {  	_ =	shalt  }
0x4e: {  	_ =	shalt  }
0x4f: {  	_ =	shalt  }
0x50: {  	_ =	shalt  }
0x51: {  	_ =	shalt  }
0x52: {  	_ =	shalt  }
0x53: {  	_ =	shalt  }
0x54: {  	_ =	shalt  }
0x55: {  	_ =	shalt  }
0x56: {  	_ =	shalt  }
0x57: {  	_ =	shalt  }
0x58: {  	_ =	shalt  }
0x59: {  	_ =	shalt  }
0x5a: {  	_ =	shalt  }
0x5b: {  	_ =	shalt  }
0x5c: {  	_ =	shalt  }
0x5d: {  	_ =	shalt  }
0x5e: {  	_ =	shalt  }
0x5f: {  	_ =	shalt  }
0x60: {  	_ =	shalt  }
0x61: {  	_ =	shalt  }
0x62: {  	_ =	shalt  }
0x63: {  	_ =	shalt  }
0x64: {  	_ =	shalt  }
0x65: {  	_ =	shalt  }
0x66: {  	_ =	shalt  }
0x67: {  	_ =	shalt  }
0x68: {  	_ =	shalt  }
0x69: {  	_ =	shalt  }
0x6a: {  	_ =	shalt  }
0x6b: {  	_ =	shalt  }
0x6c: {  	_ =	shalt  }
0x6d: {  	_ =	shalt  }
0x6e: {  	_ =	shalt  }
0x6f: {  	_ =	shalt  }
0x70: {  	_ =	shalt  }
0x71: {  	_ =	shalt  }
0x72: {  	_ =	shalt  }
0x73: {  	_ =	shalt  }
0x74: {  	_ =	shalt  }
0x75: {  	_ =	shalt  }
0x76: {  	_ =	shalt  }
0x77: {  	_ =	shalt  }
0x78: {  	_ =	shalt  }
0x79: {  	_ =	shalt  }
0x7a: {  	_ =	shalt  }
0x7b: {  	_ =	shalt  }
0x7c: {  	_ =	shalt  }
0x7d: {  	_ =	shalt  }
0x7e: {  	_ =	shalt  }
0x7f: {  	_ =	shalt  }
0x80: {  	_ =	shalt  }
0x81: {  	_ =	shalt  }
0x82: {  	_ =	shalt  }
0x83: {  	_ =	shalt  }
0x84: {  	_ =	shalt  }
0x85: {  	_ =	shalt  }
0x86: {  	_ =	shalt  }
0x87: {  	_ =	shalt  }
.Lfunc_end0:
.L_simem_size_0:
called_computation.3_lowered:
.L_overlay_start_0:
0x88: {  	s2 =	sld [smem:$0x3FD9]  }
0x89: {  	s3 =	sld [smem:$0x3FFE];
	_ =	sdelay $0x1  }
0x8a: {  	s1 =	srdreg.scid  }
0x8b: {  	s0 =	sand.u32 $0x1, s1  }
0x8c: {  	s16 =	sshll.u32 s0, $0xA;
	s2 =	sadd.s32 s3, s2  }
0x8d: {  	s2 =	sadd.s32 s2, s16  }
0x8e: {  	[smem:$0x3FC7] =	sst s2  }
0x8f: {  	_ = 	snop  }
0x90: {  	(tm) =	ssettm $0x1  }
0x91: {  	s17 =	sld [smem:$0x3FFB];
	_ =	sdelay $0x3  }
0x92: {  	_ =	strace s17  }
0x93: {  	s2 =	sld [smem:$0x3FFC];
	_ =	sdelay $0x3  }
0x94: {  	_ =	strace s2  }
0x95: {  	s2 =	sld [smem:$0x3FFD];
	_ =	sdelay $0x3  }
0x96: {  	_ =	strace s2  }
0x97: {  	_ =	strace $0x8FFFFFFF  }
0x98: {  	s18 =	sld [smem:$0x3FDB];
	_ =	sdelay $0x1  }
0x99: {  	s19 =	simm.s32 $_scs_section_size  }
0x9a: {  	s4 =	simm.s32 $_size__tile_overlayer_lowered;
	s5 =	simm.s32 $_tile_overlayer_lowered  }
0x9b: {  	s22 =	simm.s32 $0x1BFF;
	s21 =	sshll.u32 s5, $0x1;
	s2 =	sadd.s32 s19, s18  }
0x9c: {  	s6 =	simm.s32 $0x0;
	s20 =	sshll.u32 s4, $0x1;
	s4 =	sadd.s32 s21, s2  }
0x9d: {  	[timem:s6], [sflag:s22] =	dma.local [hbm:s4], s20  }
0x9e: {  	_ =	swait.ge [sflag:s22], s20  }
0x9f: {  	s3 =	ssub.s32 $0x0, s20;
	[sflag:s22] =	ssyncset.done $0x0  }
0xa0: {  	[sflag:s22] =	ssyncadd.s32 s3;
	_ =	sdelay $0x1  }
0xa1: {  	s23 =	simm.s32 $0x1B8B  }
0xa2: {  	_ =	swait.ge [sflag:s23], $0x1  }
0xa3: {  	[sflag:s23] =	ssyncset.done $0x0  }
0xa4: {  	s25 =	simm.s32 $0x1B8E;
	s24 =	sld [smem:$0x3FFE];
	[sflag:s23] =	ssyncadd.s32 $0xFFFFFFFF  }
0xa5: {  	s26 =	simm.s32 $execute0_lowered;
	[smem:$0x3FD2] =	sst s25  }
0xa6: {  	s4 =	sshll.u32 s26, $0x1;
	_ =	strace $0x8000004F;
	[dreg:$0x1] =	wrdreg $0xFFFFFFFF  }
0xa7: {  	s28 =	simm.s32 $_size_execute0_lowered;
	s2 =	sadd.s32 s2, s4;
	[dreg:$0x0] =	wrdreg $0x0  }
0xa8: {  	s4 =	sshll.u32 s28, $0x1;
	[dreg:$0x2] =	wrdreg s2  }
0xa9: {  	[dreg:$0x3] =	wrdreg s4  }
0xaa: {  	[dreg:$0x4] =	wrdreg $0xC0  }
0xab: {  	_ =	task [dreg:s6], $0x5FFFF  }
0xac: {  	[dreg:$0x1] =	wrdreg $0xFFFFFFFF  }
0xad: {  	[dreg:$0x0] =	wrdreg $0x60  }
0xae: {  	[dreg:$0x2] =	wrdreg s24  }
0xaf: {  	[dreg:$0x3] =	wrdreg $0x9  }
0xb0: {  	_ =	task.clear_ibuf [dreg:s6], $0x4FFFF;
	_ =	strace $0x9000004F  }
0xb1: {  	s29 =	simm.s32 $0x9;
	_ =	strace $0x80000051  }
0xb2: {  	_ =	swait.ge [sflag:s29], $0x1  }
0xb3: {  	[sflag:s29] =	ssyncadd.s32 $0xFFFFFFFF  }
0xb4: {  	_ =	strace $0x90000051  }
0xb5: {  	_ =	sfence  }
0xb6: {  	s30 =	sld [smem:$0x0];
	_ =	sdelay $0x2  }
0xb7: {  	s31 =	sshll.u32 s1, $0xD;
	s1 =	sshrl.u32 s1, $0x2  }
0xb8: {  	s3 =	sand.u32 $0x4000, s31;
	s1 =	sadd.s32 s1, s30  }
0xb9: {  	s0 =	sor.u32 s3, s0;
	s1 =	sshll.u32 s1, $0x11  }
0xba: {  	s0 =	sor.u32 s1, s0  }
0xbb: {  	s0 =	sadd.s32 $0x8F2B, s0  }
0xbc: {  	[sflag:s0] =	ssyncadd.remote.s32 $0x1  }
0xbd: {  	_ =	sfence.sel $0xFFFF  }
0xbe: {  	[dreg:$0x0] =	wrdreg $0xFFFFFFFF;
	(pc) =	sbr.abs _section_cstart, $3  }
0xbf: {  	[dreg:$0x1] =	wrdreg $0xFFFFFFFF  }
0xc0: {  	_ =	task.clear_ibuf [dreg:s6], $0x2FFFF;
	_ =	strace $0x9FFFFFFF  }
0xc1: {  	(tm) =	ssettm $0x7FFFFFFF  }
tec
execute0_lowered:
.L_overlay_start_1:
0x0: {  	(tag) =	ssettag $0x1  }
0x1: {  	s0 =	srdreg.scid  }
0x2: {  	s1 =	stileid.u32;
	s3 =	sand.u32 $0x1, s0  }
0x3: {  	s4 =	sor.u32 s3, s1  }
0x4: {  	p0 =	sne.s32 s4, $0x0  }
.Ltmp0:
0x5: {  	_ = 	snop;
	(pc) =	sbr.rel @p0 .LBB2_9-.Ltmp0, $4  }
0x6: {  	_ = 	snop  }
0x7: {  	s6 =	rddreg [dreg:$0x0];
	s2 =	simm.s32 $0x0  }
0x8: {  	[smem:$0x7FF] =	sst s2  }
0x9: {  	s0 =	rddreg [dreg:$0x1];
	_ =	strace $0x80000050  }
0xa: {  	s5 =	ssub.s32 $0x2, s3;
	s3 =	sadd.s32 $0x1200, s6  }
0xb: {  	s4 =	sadd.s32 $0x1400, s6;
	s6 =	sadd.s32 $0x1300, s6;
	s8 =	simm.s32 $0x800  }
0xc: {  	v0 =	vimm.f32 $0.0e+00;
	vm0 =	vmxor vm0, vm0;
	s9 =	simm.s32 $0x1;
	s10 =	simm.s32 $0xA00;
	s7 =	sshrl.u32 s5, $0x1  }
0xd: {  	v1 =	vlaneseq.u32;
	v2 =	vimm.s32 $0x80000000;
	vm1 =	vcmask $0x308;
	s11 =	simm.s32 $0x0;
	s5 =	ssub.s32 s5, s7;
	s7 =	sadd.s32 $0x140, s3  }
.LBB2_2:
0xe: {  	s16 =	simm.s32 $0x0  }
0xf: {  	[tilespmem:s8], [sflag:$0x1] =	stream.linear.gather [hbm4b:s7+s16], $0x20, $0x38;
	[tilespmem:$0xA80] =	vst v63  }
0x10: {  	_ =	swait.ge [sflag:s9], $0x20  }
0x11: {  	[sflag:s9] =	ssyncset.done $0x0  }
0x12: {  	[sflag:s9] =	ssyncadd.s32 $0xFFFFFFE0  }
0x13: {  	v4 =	vld [tilespmem:$0x800]  }
0x14: {  	v3 =	vld [tilespmem:$0x810];
	[tilespmem:s16], [sflag:$0x1] =	stream.linear.gather [hbm4b:s3+s16], $0x800, $0x38  }
0x15: {  	_ =	swait.ge [sflag:s9], $0x800  }
0x16: {  	[sflag:s9] =	ssyncset.done $0x0  }
0x17: {  	[sflag:s9] =	ssyncadd.s32 $0xFFFFF800  }
0x18: {  	s12 =	sand.u32 $0x3F0, s16;
	v5 =	vld [tilespmem:s16+$0x0]  }
0x19: {  	v6 =	vld [tilespmem:s12+$0x400];
	_ =	sdelay $0x3  }
0x1a: {  	s26 =	simm.s32 $0x10  }
0x1b: {  	s13 =	sand.u32 $0x3F0, s26;
	v7 =	vadd.s32 v5, v6;
	v5 =	vld [tilespmem:s26+$0x0]  }
0x1c: {  	v6 =	vld [tilespmem:s13+$0x400];
	(xrf0) =	vadd.scan.msk.s32 $0xffff, v7;
	_ =	sdelay $0x4  }
0x1d: {  	v11 =	vadd.s32 v5, v6  }
0x1e: {  	s17 =	simm.s32 $0x20;
	v5 =	vimm.s32 $0x0;
	(xrf0) =	vadd.scan.msk.s32 $0xffff, v11;
	v6, _, _ =	vpop (xrf0)  }
0x1f: {  	s28 =	sand.u32 $0x3F0, s17;
	v8 =	vadd.s32 v5, v6  }
0x20: {  	v10 =	vld [tilespmem:s28+$0x400];
	vm2 =	vgt.s32 v8, v3  }
0x21: {  	v8 =	vld [tilespmem:s17+$0x0];
	v9 =	vsel vm2, $0x3F800000, v0  }
0x22: {  	v6 =	vbroadcast v6, $0xF;
	(xrf0) =	vmax.scan.msk.f32 $0xffff, v9;
	_ =	sdelay $0x1  }
0x23: {  	v6 =	vadd.s32 v5, v6;
	v12, _, _ =	vpop (xrf0)  }
0x24: {  	v13 =	vadd.s32 v6, v12  }
0x25: {  	v9 =	vadd.s32 v8, v10;
	vm3 =	vgt.s32 v13, v3  }
0x26: {  	(xrf0) =	vadd.scan.msk.s32 $0xffff, v9;
	v8 =	vsel vm3, $0x3F800000, v0  }
0x27: {  	(xrf0) =	vmax.scan.msk.f32 $0xffff, v8;
	v10, _, _ =	vpop (xrf0)  }
0x28: {  	s15 =	simm.s32 $0x30;
	(v2sf) =	vpush v10, $0xF  }
0x29: {  	s29 =	sand.u32 $0x3F0, s15;
	v12 =	vbroadcast v12, $0xF;
	v8 =	vld [tilespmem:s15+$0x0]  }
0x2a: {  	v10 =	vld [tilespmem:s29+$0x400];
	_ =	sdelay $0x1  }
0x2b: {  	v13, _, _ =	vpop (xrf0)  }
0x2c: {  	v6 =	vadd.s32 v6, v12;
	v12, _, _ =	vpop (xrf0)  }
0x2d: {  	v14 =	vadd.s32 v6, v13;
	(v2sf) =	vpush v12, $0xF  }
0x2e: {  	v8 =	vadd.s32 v8, v10;
	vm4 =	vgt.s32 v14, v3  }
0x2f: {  	(xrf0) =	vadd.scan.msk.s32 $0xffff, v8;
	v10 =	vsel vm4, $0x3F800000, v0  }
0x30: {  	(xrf0) =	vmax.scan.msk.f32 $0xffff, v10  }
0x31: {  	s14 =	simm.s32 $0x40  }
0x32: {  	s30 =	sand.u32 $0x3F0, s14  }
0x33: {  	v12 =	vld [tilespmem:s30+$0x400]  }
0x34: {  	vm2 =	vmmov vm2;
	v10 =	vld [tilespmem:s14+$0x0]  }
0x35: {  	vm2 =	vmmov vm2;
	v13 =	vbroadcast v13, $0xF;
	v14, _, _ =	vpop (xrf0)  }
0x36: {  	vm6 =	vmmov vm0;
	v16 =	vmctz.xlane vm2;
	v15, _, _ =	vpop (xrf0);
	s31 =	spop (v2sf)  }
0x37: {  	vm2 =	vmmov vm3;
	v17 =	vadd.s32 v6, v13;
	(v2sf) =	vpush v15, $0xF;
	p0 =	sgt.f32 s31, $0.0e+00  }
0x38: {  	vm2 =	vmmov vm2;
	v13 =	vimm.s32 $0xFFFFFFFF;
	v15 =	vadd.s32 v17, v14  }
0x39: {  	v6 =	vadd.s32 v10, v12;
	vm3 =	vgt.s32 v15, v3;
	v16 =	vpsel !p0, $0x10, v16  }
0x3a: {  	vm4 =	vmmov vm4;
	(xrf0) =	vadd.scan.msk.s32 $0xffff, v6;
	v10 =	vsel vm3, $0x3F800000, v0;
	vm5 =	vgt.s32 v16, v1  }
0x3b: {  	s13 =	simm.s32 $0x50;
	vm7 =	vlt.s32 v13, $0x0;
	(xrf0) =	vmax.scan.msk.f32 $0xffff, v10;
	v12 =	vnsel vm5, $0x0, v7;
	vm5 =	veq.s32 v16, v1  }
0x3c: {  	s18 =	sand.u32 $0x3F0, s13;
	v15 =	vmctz.xlane vm2;
	v10 =	vld [tilespmem:s13+$0x0];
	vm6 =	vmneg @p0 vm6;
	s19 =	spop (v2sf);
	v7 =	vnsel vm5, $0x0, v7;
	(xrf0) =	vadd.scan.msk.s32 $0xffff, v12  }
0x3d: {  	vm2 =	vmmov vm0;
	vm5 =	vmand vm7, vm6;
	v12 =	vadd.s32 s16, v16;
	p0 =	sgt.f32 s19, $0.0e+00;
	(xrf0) =	vadd.scan.msk.s32 $0xffff, v7;
	v7 =	vld [tilespmem:s18+$0x400]  }
0x3e: {  	vm7 =	vmmov vm7;
	v16 =	vsel vm5, v12, v13;
	v12 =	vbroadcast v14, $0xF  }
0x3f: {  	vm6 =	vmmov vm4;
	vm8 =	vmmov vm5;
	v14 =	vpsel !p0, $0x10, v15  }
0x40: {  	v13, _, _ =	vpop (xrf0);
	vm9 =	vlt.s32 v16, $0x0;
	vm2 =	vmneg @p0 vm2;
	v12 =	vadd.s32 v17, v12  }
0x41: {  	v15, _, _ =	vpop (xrf0);
	vm2 =	vmand vm9, vm2;
	v17 =	vadd.s32 s26, v14;
	v18 =	vadd.s32 v12, v13  }
0x42: {  	(v2sf) =	vpush v15, $0xF;
	vm4 =	vgt.s32 v18, v3;
	v19, _, _ =	vpop (xrf0);
	v7 =	vadd.s32 v10, v7  }
0x43: {  	vm5 =	vgt.s32 v14, v1;
	vm10 =	veq.s32 v14, v1;
	v15 =	vsel vm4, $0x3F800000, v0;
	v10, _, _ =	vpop (xrf0);
	(xrf0) =	vadd.scan.msk.s32 $0xffff, v7  }
0x44: {  	v62 =	vnsel vm5, $0x0, v11;
	v14 =	vbroadcast v19, $0xF;
	(xrf0) =	vmax.scan.msk.f32 $0xffff, v15;
	v63 =	vbroadcast v10, $0xF  }
0x45: {  	s12 =	simm.s32 $0x70;
	s16 =	simm.s32 $0x60;
	s19 =	simm.s32 $0x60;
	vm5 =	vmmov vm3;
	v11 =	vnsel vm10, $0x0, v11;
	vm3 =	vmmov vm9;
	(xrf0) =	vadd.scan.msk.s32 $0xffff, v62  }
0x46: {  	s18 =	simm.s32 $0x80;
	s21 =	sand.u32 $0x3F0, s16;
	v10 =	vsel vm2, v17, v16;
	v15 =	vld [tilespmem:s16+$0x0];
	s20 =	spop (v2sf);
	v14 =	vnsel vm7, $0x0, v14;
	(xrf0) =	vadd.scan.msk.s32 $0xffff, v11;
	v11 =	vsel vm8, v63, v5  }
.LBB2_3:
0x47: {  	v17 =	vmctz.xlane vm6  }
0x48: {  	p0 =	sne.s32 s18, $0x3F0;
	v16 =	vld [tilespmem:s21+$0x400];
	p1 =	sgt.f32 s20, $0.0e+00;
	v5 =	vadd.s32 v5, v14;
	vm7 =	vmmov vm2;
	v18 =	vbroadcast v13, $0xF  }
0x49: {  	vm6 =	vmmov vm5;
	vm5 =	vmmov vm4;
	vm2 =	vmmov vm0  }
0x4a: {  	vm8 =	vlt.s32 v10, $0x0;
	v13, _, _ =	vpop (xrf0);
	v17 =	vpsel !p1, $0x10, v17;
	vm2 =	vmneg @p1 vm2  }
0x4b: {  	v12 =	vadd.s32 v12, v18;
	v14, _, _ =	vpop (xrf0);
	vm2 =	vmand vm8, vm2;
	v18 =	vadd.s32 s17, v17;
	s17 =	smov.u32 s15;
	s15 =	smov.u32 s14;
	s14 =	smov.u32 s13  }
0x4c: {  	v19 =	vadd.s32 v12, v13;
	s13 =	smov.u32 s16;
	s16 =	smov.u32 s12;
	s12 =	smov.u32 s18;
	(v2sf) =	vpush v14, $0xF;
	v10 =	vsel vm2, v18, v10;
	v14, _, _ =	vpop (xrf0)  }
.Ltmp1:
0x4d: {  	vm9 =	vgt.s32 v17, v1;
	vm4 =	vgt.s32 v19, v3;
	v15 =	vadd.s32 v15, v16;
	v16, _, _ =	vpop (xrf0);
	(pc) =	sbr.rel @p0 .LBB2_3-.Ltmp1, $4  }
0x4e: {  	v19 =	vnsel vm9, $0x0, v9;
	vm9 =	veq.s32 v17, v1;
	v18 =	vsel vm4, $0x3F800000, v0;
	(xrf0) =	vadd.scan.msk.s32 $0xffff, v15  }
0x4f: {  	v17 =	vnsel vm9, $0x0, v9;
	v14 =	vbroadcast v14, $0xF;
	v9 =	vmovc v8;
	v16 =	vbroadcast v16, $0xF;
	(xrf0) =	vmax.scan.msk.f32 $0xffff, v18  }
0x50: {  	s19 =	sadd.s32 $0x10, s19;
	v8 =	vmovc v6;
	v6 =	vmov v7;
	v7 =	vmov v15;
	(xrf0) =	vadd.scan.msk.s32 $0xffff, v19  }
0x51: {  	s18 =	sadd.s32 $0x10, s18;
	s21 =	sand.u32 $0x3F0, s16;
	v14 =	vnsel vm3, $0x0, v14;
	vm3 =	vmmov vm8;
	v11 =	vsel vm7, v16, v11;
	v15 =	vld [tilespmem:s19+$0x0];
	s20 =	spop (v2sf);
	(xrf0) =	vadd.scan.msk.s32 $0xffff, v17  }
0x52: {  	v16 =	vld [tilespmem:s21+$0x400]  }
0x53: {  	v13 =	vbroadcast v13, $0xF  }
0x54: {  	s18 =	sadd.s32 $0x10, s19  }
0x55: {  	p0 =	sgt.f32 s20, $0.0e+00;
	v17 =	vmctz.xlane vm6;
	s24 =	sand.u32 $0x3F0, s12;
	v19 =	vld [tilespmem:s18+$0x0];
	v18, _, _ =	vpop (xrf0);
	v13 =	vadd.s32 v12, v13  }
0x56: {  	v21 =	vld [tilespmem:s24+$0x400];
	v20 =	vadd.s32 v13, v18  }
0x57: {  	v17 =	vpsel !p0, $0x10, v17;
	vm7 =	vgt.s32 v20, v3;
	v31 =	vadd.s32 v15, v16  }
0x58: {  	vm9 =	vgt.s32 v17, v1;
	v32 =	vsel vm7, $0x3F800000, v0;
	(xrf0) =	vadd.scan.msk.s32 $0xffff, v31  }
0x59: {  	vm10 =	veq.s32 v17, v1;
	v33 =	vnsel vm9, $0x0, v9;
	(xrf0) =	vmax.scan.msk.f32 $0xffff, v32  }
0x5a: {  	v9 =	vnsel vm10, $0x0, v9;
	(xrf0) =	vadd.scan.msk.s32 $0xffff, v33  }
0x5b: {  	v34, _, _ =	vpop (xrf0);
	(xrf0) =	vadd.scan.msk.s32 $0xffff, v9;
	v9 =	vadd.s32 v19, v21  }
0x5c: {  	v35, _, _ =	vpop (xrf0);
	(xrf0) =	vadd.scan.msk.s32 $0xffff, v9  }
0x5d: {  	v18 =	vbroadcast v18, $0xF;
	v36, _, _ =	vpop (xrf0)  }
0x5e: {  	vm5 =	vmmov vm5;
	s25 =	spop (v2sf);
	v37, _, _ =	vpop (xrf0)  }
0x5f: {  	v38 =	vmctz.xlane vm5;
	v13 =	vadd.s32 v13, v18;
	p1 =	sgt.f32 s25, $0.0e+00;
	v39, _, _ =	vpop (xrf0)  }
0x60: {  	v5 =	vadd.s32 v5, v14;
	v40 =	vadd.s32 v13, v37;
	v20 =	vbroadcast v37, $0xF;
	v22, _, _ =	vpop (xrf0)  }
0x61: {  	(v2sf) =	vpush v34, $0xF;
	v21 =	vpsel !p1, $0x10, v38;
	vm6 =	vgt.s32 v40, v3;
	v41, _, _ =	vpop (xrf0)  }
0x62: {  	vm11 =	vgt.s32 v21, v1;
	v23 =	vsel vm6, $0x3F800000, v0;
	v13 =	vadd.s32 v13, v20;
	v42, _, _ =	vpop (xrf0)  }
0x63: {  	vm8 =	veq.s32 v21, v1;
	v43 =	vnsel vm11, $0x0, v8;
	(xrf0) =	vmax.scan.msk.f32 $0xffff, v23;
	v13 =	vadd.s32 v13, v42  }
0x64: {  	vm4 =	vmmov vm4;
	v8 =	vnsel vm8, $0x0, v8;
	(xrf0) =	vadd.scan.msk.s32 $0xffff, v43;
	vm5 =	vgt.s32 v13, v3  }
0x65: {  	vm2 =	vmmov vm2;
	vm4 =	vmmov vm4;
	(xrf0) =	vadd.scan.msk.s32 $0xffff, v8;
	v8 =	vsel vm5, $0x3F800000, v0  }
0x66: {  	v51 =	vmctz.xlane vm4;
	vm9 =	vlt.s32 v10, $0x0;
	v44 =	vbroadcast v35, $0xF;
	(xrf0) =	vmax.scan.msk.f32 $0xffff, v8  }
0x67: {  	vm7 =	vmmov vm7;
	vm8 =	vmmov vm0;
	(v2sf) =	vpush v39, $0xF  }
0x68: {  	v45 =	vbroadcast v36, $0xF;
	vm13 =	vmmov vm7;
	vm8 =	vmneg @p0 vm8  }
0x69: {  	vm7 =	vmmov vm0;
	vm8 =	vmand vm9, vm8;
	v8 =	vadd.s32 s17, v17;
	v46, _, _ =	vpop (xrf0)  }
0x6a: {  	v56 =	vmctz.xlane vm13;
	v11 =	vsel vm2, v45, v11;
	v8 =	vsel vm8, v8, v10;
	v10, _, _ =	vpop (xrf0)  }
0x6b: {  	vm2 =	vmmov vm9;
	vm6 =	vmmov vm6;
	(v2sf) =	vpush v46, $0xF;
	v47, _, _ =	vpop (xrf0)  }
0x6c: {  	v50 =	vadd.s32 s15, v21;
	v49 =	vbroadcast v22, $0xF;
	vm6 =	vmmov vm6;
	v48, _, _ =	vpop (xrf0)  }
0x6d: {  	v15 =	vbroadcast v41, $0xF;
	v57 =	vmctz.xlane vm6;
	(v2sf) =	vpush v48, $0xF  }
0x6e: {  	vm6 =	vmmov vm0;
	v13 =	vnsel vm3, $0x0, v44;
	vm3 =	vmmov vm8  }
0x6f: {  	v5 =	vadd.s32 v5, v13;
	v13 =	vnsel vm2, $0x0, v49;
	vm8 =	vmmov vm0  }
0x70: {  	v11 =	vsel vm3, v15, v11;
	vm12 =	vlt.s32 v8, $0x0;
	vm8 =	vmneg @p1 vm8  }
0x71: {  	vm5 =	vmmov vm5;
	v5 =	vadd.s32 v5, v13;
	vm8 =	vmand vm12, vm8;
	s26 =	spop (v2sf)  }
0x72: {  	vm5 =	vmmov vm5;
	v8 =	vsel vm8, v50, v8;
	v10 =	vbroadcast v10, $0xF;
	p0 =	sgt.f32 s26, $0.0e+00  }
0x73: {  	vm2 =	vmmov vm12;
	vm3 =	vmmov vm8;
	vm14 =	vlt.s32 v8, $0x0  }
0x74: {  	v55 =	vbroadcast v47, $0xF;
	v10 =	vnsel vm2, $0x0, v10;
	v52 =	vpsel !p0, $0x10, v51  }
0x75: {  	vm4 =	vmmov vm14;
	vm2 =	vmmov vm0;
	vm15 =	vgt.s32 v52, v1  }
0x76: {  	vm7 =	vmneg @p0 vm7;
	v11 =	vsel vm3, v55, v11;
	v54 =	vnsel vm15, $0x0, v6;
	s28 =	spop (v2sf)  }
0x77: {  	vm7 =	vmand vm14, vm7;
	v53 =	vadd.s32 s14, v52;
	vm12 =	veq.s32 v52, v1;
	p0 =	sgt.f32 s28, $0.0e+00;
	(xrf0) =	vadd.scan.msk.s32 $0xffff, v54  }
0x78: {  	v5 =	vadd.s32 v5, v10;
	v8 =	vsel vm7, v53, v8;
	v6 =	vnsel vm12, $0x0, v6  }
0x79: {  	vm3 =	vlt.s32 v8, $0x0;
	(xrf0) =	vadd.scan.msk.s32 $0xffff, v6;
	v10 =	vpsel !p0, $0x10, v56;
	vm2 =	vmneg @p0 vm2  }
0x7a: {  	vm13 =	vgt.s32 v10, v1;
	vm14 =	veq.s32 v10, v1;
	v10 =	vadd.s32 s13, v10;
	s29 =	spop (v2sf)  }
0x7b: {  	vm15 =	vmmov vm7;
	vm2 =	vmand vm3, vm2;
	v6 =	vnsel vm13, $0x0, v7;
	p0 =	sgt.f32 s29, $0.0e+00  }
0x7c: {  	vm3 =	vmmov vm3;
	v7 =	vnsel vm14, $0x0, v7;
	v8 =	vsel vm2, v10, v8;
	(xrf0) =	vadd.scan.msk.s32 $0xffff, v6;
	s30 =	spop (v2sf)  }
0x7d: {  	(xrf0) =	vadd.scan.msk.s32 $0xffff, v7;
	v7 =	vmctz.xlane vm5;
	v10, _, _ =	vpop (xrf0);
	v6 =	vpsel !p0, $0x10, v57;
	vm6 =	vmneg @p0 vm6;
	p0 =	sgt.f32 s30, $0.0e+00  }
0x7e: {  	vm2 =	vmmov vm2;
	v10 =	vbroadcast v10, $0xF;
	vm9 =	vgt.s32 v6, v1  }
0x7f: {  	v59, _, _ =	vpop (xrf0);
	vm10 =	veq.s32 v6, v1;
	v58 =	vnsel vm9, $0x0, v31;
	v7 =	vpsel !p0, $0x10, v7  }
0x80: {  	v60 =	vbroadcast v59, $0xF;
	v12 =	vnsel vm10, $0x0, v31;
	(xrf0) =	vadd.scan.msk.s32 $0xffff, v58;
	vm11 =	vgt.s32 v7, v1  }
0x81: {  	vm13 =	vlt.s32 v8, $0x0;
	(xrf0) =	vadd.scan.msk.s32 $0xffff, v12;
	vm12 =	veq.s32 v7, v1;
	v61 =	vnsel vm11, $0x0, v9  }
0x82: {  	v10 =	vnsel vm4, $0x0, v10;
	v11 =	vsel vm15, v60, v11;
	v62, _, _ =	vpop (xrf0);
	v9 =	vnsel vm12, $0x0, v9;
	(xrf0) =	vadd.scan.msk.s32 $0xffff, v61  }
0x83: {  	vm14 =	vmand vm13, vm6;
	v63, _, _ =	vpop (xrf0);
	v6 =	vadd.s32 s16, v6;
	(xrf0) =	vadd.scan.msk.s32 $0xffff, v9;
	v9 =	vbroadcast v62, $0xF  }
0x84: {  	v5 =	vadd.s32 v5, v10;
	v6 =	vsel vm14, v6, v8;
	v12 =	vbroadcast v63, $0xF  }
0x85: {  	vm15 =	vlt.s32 v6, $0x0;
	v8 =	vnsel vm3, $0x0, v9;
	vm3 =	vmmov vm0  }
0x86: {  	v10, _, _ =	vpop (xrf0);
	v9 =	vsel vm2, v12, v11;
	v8 =	vadd.s32 v5, v8;
	vm3 =	vmneg @p0 vm3  }
0x87: {  	v11, _, _ =	vpop (xrf0);
	v5 =	vadd.s32 s12, v7;
	v7 =	vbroadcast v10, $0xF;
	vm3 =	vmand vm15, vm3  }
0x88: {  	vm5 =	vmmov vm14;
	vm2 =	vmmov vm13;
	v10, _, _ =	vpop (xrf0);
	v5 =	vsel vm3, v5, v6  }
0x89: {  	v6 =	vbroadcast v11, $0xF;
	v7 =	vnsel vm2, $0x0, v7;
	v11, _, _ =	vpop (xrf0);
	v10 =	vbroadcast v10, $0xF  }
0x8a: {  	s12 =	simm.s32 $0x0;
	vm2 =	vmmov vm15;
	vm3 =	vmmov vm3;
	v11 =	vbroadcast v11, $0xF  }
0x8b: {  	s31 =	sand.u32 $0x3F0, s12;
	v7 =	vadd.s32 v8, v7;
	v6 =	vsel vm5, v6, v9;
	v8 =	vnsel vm2, $0x0, v10;
	v10 =	vld [tilespmem:s12+$0x0]  }
0x8c: {  	v6 =	vsel vm3, v11, v6;
	v11 =	vld [tilespmem:s31+$0x400];
	_ =	sdelay $0x2  }
0x8d: {  	s14 =	simm.s32 $0x10;
	s13 =	simm.s32 $0x10;
	v9 =	vand.u32 $0x3FF, v5;
	v7 =	vadd.s32 v7, v8;
	v8 =	vimm.s32 $0x400  }
.LBB2_5:
0x8e: {  	s15 =	sand.u32 $0x3F0, s13  }
0x8f: {  	p0 =	sne.s32 s13, $0x3F0;
	v12 =	vadd.s32 v10, v11;
	v10 =	vld [tilespmem:s14+$0x0];
	v13 =	vor.u32 s12, v1;
	s12 =	smov.u32 s13;
	s13 =	sadd.s32 $0x10, s13  }
.Ltmp2:
0x90: {  	v11 =	vld [tilespmem:s15+$0x400];
	vm2 =	vgt.s32 v12, $0x0;
	vm3 =	vgt.u32 v13, v9;
	(pc) =	sbr.rel @p0 .LBB2_5-.Ltmp2, $4  }
0x91: {  	vm2 =	vmand vm3, vm2  }
0x92: {  	v12 =	vnsel vm2, $0x400, v13  }
0x93: {  	vm2 =	vlt.s32 v8, v12  }
0x94: {  	s14 =	sadd.s32 $0x10, s14;
	v8 =	vsel vm2, v8, v12  }
0x95: {  	v10 =	vadd.s32 v10, v11;
	v11 =	vor.u32 s12, v1;
	s31 =	simm.s32 $0x0  }
0x96: {  	vm2 =	vgt.s32 v10, $0x0;
	vm3 =	vgt.u32 v11, v9;
	[tilespmem:s8], [sflag:$0x1] =	stream.linear.gather [hbm4b:s6+s31], $0x200, $0x38;
	[tilespmem:$0xA80] =	vst v63  }
0x97: {  	vm2 =	vmand vm3, vm2;
	_ =	swait.ge [sflag:s9], $0x200  }
0x98: {  	v9 =	vnsel vm2, $0x400, v11;
	[sflag:s9] =	ssyncset.done $0x0  }
0x99: {  	s13 =	simm.s32 $0x0;
	vm2 =	vlt.s32 v8, v9;
	[sflag:s9] =	ssyncadd.s32 $0xFFFFFE00  }
0x9a: {  	s12 =	simm.s32 $0x40;
	v8 =	vsel vm2, v8, v9;
	v9 =	vimm.s32 $0x7FFFFFFF;
	v10 =	vld [tilespmem:s13+$0x800]  }
.LBB2_7:
0x9b: {  	p0 =	sne.s32 s12, $0x7C0  }
.Ltmp3:
0x9c: {  	_ = 	snop;
	(pc) =	sbr.rel @p0 .LBB2_7-.Ltmp3, $3  }
0x9d: {  	_ =	sdelay $0x1  }
0x9e: {  	s13 =	sshra.s32 s12, $0x2;
	s12 =	sadd.s32 $0x40, s12;
	vm2 =	vlt.s32 v9, v10  }
0x9f: {  	v9 =	vsel vm2, v9, v10;
	v10 =	vld [tilespmem:s13+$0x800]  }
0xa0: {  	_ =	sdelay $0x3  }
0xa1: {  	v8 =	vxor.u32 $0x80000000, v8;
	vm2 =	vlt.s32 v9, v10  }
0xa2: {  	(xrf0) =	vmin.scan.msk.u32 $0xffff, v8;
	v9 =	vsel vm2, v9, v10  }
0xa3: {  	v60 =	vxor.u32 $0x80000000, v9  }
0xa4: {  	(xrf0) =	vmin.scan.msk.u32 $0xffff, v60;
	_ =	sdelay $0x3  }
0xa5: {  	v61, _, _ =	vpop (xrf0)  }
0xa6: {  	(v2sf) =	vpush v61, $0xF  }
0xa7: {  	v62, _, _ =	vpop (xrf0)  }
0xa8: {  	(v2sf) =	vpush v62, $0xF;
	_ =	sdelay $0xb  }
0xa9: {  	v4 =	vshll.u32 v4, $0xA  }
0xaa: {  	v4 =	vor.u32 v4, v5;
	s12 =	spop (v2sf)  }
0xab: {  	v5 =	vand.u32 $0xFFFFFC00, v4;
	s12 =	sxor.u32 $0x80000000, s12  }
0xac: {  	v5 =	vor.u32 s12, v5;
	s13 =	spop (v2sf)  }
0xad: {  	v5 =	vxor.u32 $0x80000000, v5;
	s13 =	sxor.u32 $0x80000000, s13  }
0xae: {  	v3 =	vsub.s32 v7, v3;
	vm2 =	vlt.s32 v5, s13  }
0xaf: {  	v3 =	vadd.s32 v6, v3;
	p0 =	slt.s32 s12, $0x400;
	v5 =	vnsel vm2, s13, v5  }
0xb0: {  	v3 =	vadd.s32 $0xFFFFF, v3;
	v5 =	vpsel !p0, s13, v5  }
0xb1: {  	vm2 =	vgt.s32 v3, $0x100000;
	v3 =	vxor.u32 $0x80000000, v5  }
0xb2: {  	v3 =	vsel vm2, v4, v3  }
0xb3: {  	v3 =	vsel vm1, v4, v3  }
0xb4: {  	vm2 =	vgt.s32 v3, $0xFFFFFFFF  }
0xb5: {  	s11 =	sadd.s32 $0x1, s11;
	v63 =	vsel vm2, $0xFFFFFFFF, v2  }
0xb6: {  	p0 =	sne.s32 s11, s5;
	v3 =	vxor.u32 v3, v63  }
.Ltmp4:
0xb7: {  	[tilespmem:$0xA00] =	vst v3;
	(pc) =	sbr.rel @p0 .LBB2_2-.Ltmp4, $4  }
0xb8: {  	[hbm4b:s4+s2] =	stream.linear.scatter [tilespmem:s10], [sflag:$0x1], $0x80, $0x38;
	[tilespmem:$0xA80] =	vst v63  }
0xb9: {  	_ =	swait.ge [sflag:s9], $0x80  }
0xba: {  	[sflag:s9] =	ssyncset.done $0x0  }
0xbb: {  	[sflag:s9] =	ssyncadd.s32 $0xFFFFFF80  }
.LBB2_9:
0xbc: {  	_ =	sfence.sel $0x180000  }
0xbd: {  	[bflag:$0x0] =	sbarrier.arrive $0xFFFF  }
0xbe: {  	p0 =	sne.s32 s1, $0x0;
	_ =	strace $0x90000050  }
0xbf: {  	s0 =	sadd.s32 @!p0 $0x100000, s0;
	[bflag:$0x2] =	sbarrier.arrive $0xFFFF  }
0xc0: {  	[sflag:s0] =	ssyncadd.tile.s32 @!p0 $0x1;
	_ =	shalt  }
.Lfunc_end2:
_tile_overlayer_lowered:
.L_overlay_start_2:
0xc1: {  	(tag) =	ssettag $0x2  }
0xc2: {  	s0 =	rddreg [dreg:$0x0];
	s2 =	stileid.u32  }
0xc3: {  	s1 =	rddreg [dreg:$0x1];
	p0 =	sne.s32 s2, $0x0  }
0xc4: {  	s3 =	rddreg [dreg:$0x2];
	[bflag:$0x3] =	sbarrier.arrive $0xFFFF;
	s2 =	simm.s32 @!p0 $0x1C01  }
0xc5: {  	[timem:s3], [sflag:s2] =	dma.local @!p0 [hbm:s0], s1  }
0xc6: {  	s0 =	simm.s32 @!p0 $0x1  }
0xc7: {  	_ =	swait.ge @!p0 [sflag:s0], s1  }
0xc8: {  	s1 =	ssub.s32 @!p0 $0x0, s1;
	[sflag:s0] =	ssyncset.done @!p0 $0x0  }
0xc9: {  	[sflag:s0] =	ssyncadd.s32 @!p0 s1  }
0xca: {  	[bflag:$0x3] =	sbarrier.arrive $0xFFFF  }
0xcb: {  	_ =	shalt  }

// kernel: kernel.6.cloned.1.call-start
scs
__scs_entry_jumppad:
0x0: {  	(pc) =	sbr.rel $0x88, $3  }
0x1: {  	(tag) =	ssettag $0x0;
	lr =	simm.s32 $0x1  }
0x2: {  	[smem:$0x3FA0] =	sst lr;
	_ =	strace $0xD0000000  }
0x3: {  	_ = 	snop  }
0x4: {  	_ = 	snop  }
0x5: {  	_ = 	snop  }
0x6: {  	_ = 	snop  }
0x7: {  	_ = 	snop  }
__scs_overlays_trampoline_lowered:
0x8: {  	[smem:$0x3FAF] =	sst s0  }
0x9: {  	[smem:$0x3FB0] =	sst s1  }
0xa: {  	[smem:$0x3FB1] =	sst s2  }
0xb: {  	[smem:$0x3FB2] =	sst s3  }
0xc: {  	[smem:$0x3FB3] =	sst s4  }
0xd: {  	[smem:$0x3FB4] =	sst s5  }
0xe: {  	[smem:$0x3FB5] =	sst s6  }
0xf: {  	[smem:$0x3FB6] =	sst s7  }
0x10: {  	[smem:$0x3FB7] =	sst s8  }
0x11: {  	[smem:$0x3FB8] =	sst s9;
	s0 =	simm.s32 @!p0 $0x0  }
0x12: {  	s1 =	sld [smem:$0x3F9E];
	s0 =	simm.s32 @p0 $0x1  }
0x13: {  	[smem:$0x3FB9] =	sst s0;
	s0 =	simm.s32 @!p1 $0x0  }
0x14: {  	s2 =	sld [smem:$0x3F9D];
	s0 =	simm.s32 @p1 $0x1  }
0x15: {  	[smem:$0x3FBA] =	sst s0;
	s0 =	simm.s32 @!p2 $0x0  }
0x16: {  	s3 =	sld [smem:$0x3FDB];
	s0 =	simm.s32 @p2 $0x1  }
0x17: {  	s4 =	simm.s32 $0x1BF5;
	[smem:$0x3FBC] =	sst s0  }
0x18: {  	s0 =	sld [smem:$0x3F9F];
	_ =	swait.ge [sflag:s4], $0x0  }
0x19: {  	s7 =	sld [smem:$0x3FA0]  }
0x1a: {  	s8 =	sadd.s32 $0xFFFFE003, lr  }
0x1b: {  	s9 =	sadd.s32 $0xFFFFFEF7, lr;
	s5 =	simm.s32 $0xFFFFFFFF;
	p2 =	slt.u32 s8, $0xFFFFF086  }
0x1c: {  	p1 =	slt.u32 s9, $0xF7A;
	s5 =	simm.s32 @!p2 $0x0  }
0x1d: {  	s5 =	simm.s32 @p1 $0x1;
	p0 =	seq.s32 s7, s2  }
0x1e: {  	s7 =	smul.u32 @!p0 $0xF7A, s2;
	p2 =	seq.s32 @!p0 s5, $0x0  }
0x1f: {  	s9 =	smul.u32 $0xF7A, s1;
	s8 =	simm.s32 @!p0 $0x1BF5;
	p2 =	por !p2, p0  }
0x20: {  	[sflag:s8] =	ssyncset.s32 @!p0 $0xFFFFF086;
	s6 =	sadd.s32 @!p0 s3, s7;
	s7 =	simm.s32 @!p0 $0x108  }
0x21: {  	s3 =	sadd.s32 s3, s9;
	s6 =	sadd.s32 @!p0 $0x88, s6;
	s7 =	simm.s32 @p2 $0x1082  }
0x22: {  	[simem:s7], [sflag:s8] =	dma.local @!p0 [hbm:s6], $0xF7A  }
0x23: {  	s9 =	sor.u32 $0xD0000000, s2;
	s6 =	simm.s32 $0x108;
	_ =	swait.ge @!p0 [sflag:s8], $0x0  }
0x24: {  	s3 =	sadd.s32 $0x88, s3;
	s6 =	simm.s32 @!p1 $0x1082;
	[sflag:s4] =	ssyncset.s32 $0xFFFFF086  }
0x25: {  	[simem:s6], [sflag:s4] =	dma.local [hbm:s3], $0xF7A  }
0x26: {  	[smem:$0x3FA0] =	sst s1;
	(tag) =	ssettag s2;
	_ =	strace s9  }
0x27: {  	s1 =	sld [smem:$0x3FB0]  }
0x28: {  	s2 =	sld [smem:$0x3FB1]  }
0x29: {  	s4 =	sld [smem:$0x3FB3]  }
0x2a: {  	p0 =	seq.s32 s5, $0x0;
	s5 =	sld [smem:$0x3FB4]  }
0x2b: {  	s6 =	sld [smem:$0x3FB5]  }
0x2c: {  	s7 =	sld [smem:$0x3FB6]  }
0x2d: {  	s3 =	simm.s32 $0x108;
	s8 =	sld [smem:$0x3FB7]  }
0x2e: {  	s3 =	simm.s32 @!p0 $0x1082;
	s9 =	sld [smem:$0x3FB8]  }
0x2f: {  	lr =	sadd.s32 s0, s3;
	s0 =	sld [smem:$0x3FAF]  }
0x30: {  	s3 =	sld [smem:$0x3FB2]  }
0x31: {  	[smem:$0x3FBB] =	sst s10  }
0x32: {  	s10 =	sld [smem:$0x3FB9];
	_ =	sdelay $0x3  }
0x33: {  	p0 =	seq.s32 s10, $0x1;
	s10 =	sld [smem:$0x3FBB];
	_ =	sdelay $0x3  }
0x34: {  	[smem:$0x3FBB] =	sst s10  }
0x35: {  	s10 =	sld [smem:$0x3FBA];
	_ =	sdelay $0x3  }
0x36: {  	p1 =	seq.s32 s10, $0x1;
	s10 =	sld [smem:$0x3FBB];
	_ =	sdelay $0x3  }
0x37: {  	[smem:$0x3FBB] =	sst s10  }
0x38: {  	s10 =	sld [smem:$0x3FBC]  }
0x39: {  	_ = 	snop;
	(pc) =	sbr.ind lr, $3  }
0x3a: {  	_ = 	snop  }
0x3b: {  	_ = 	snop  }
0x3c: {  	p2 =	seq.s32 s10, $0x1;
	s10 =	sld [smem:$0x3FBB]  }
0x3d: {  	_ =	shalt  }
0x3e: {  	_ =	shalt  }
0x3f: {  	_ =	shalt  }
0x40: {  	_ =	shalt  }
0x41: {  	_ =	shalt  }
0x42: {  	_ =	shalt  }
0x43: {  	_ =	shalt  }
0x44: {  	_ =	shalt  }
0x45: {  	_ =	shalt  }
0x46: {  	_ =	shalt  }
0x47: {  	_ =	shalt  }
0x48: {  	_ =	shalt  }
0x49: {  	_ =	shalt  }
0x4a: {  	_ =	shalt  }
0x4b: {  	_ =	shalt  }
0x4c: {  	_ =	shalt  }
0x4d: {  	_ =	shalt  }
0x4e: {  	_ =	shalt  }
0x4f: {  	_ =	shalt  }
0x50: {  	_ =	shalt  }
0x51: {  	_ =	shalt  }
0x52: {  	_ =	shalt  }
0x53: {  	_ =	shalt  }
0x54: {  	_ =	shalt  }
0x55: {  	_ =	shalt  }
0x56: {  	_ =	shalt  }
0x57: {  	_ =	shalt  }
0x58: {  	_ =	shalt  }
0x59: {  	_ =	shalt  }
0x5a: {  	_ =	shalt  }
0x5b: {  	_ =	shalt  }
0x5c: {  	_ =	shalt  }
0x5d: {  	_ =	shalt  }
0x5e: {  	_ =	shalt  }
0x5f: {  	_ =	shalt  }
0x60: {  	_ =	shalt  }
0x61: {  	_ =	shalt  }
0x62: {  	_ =	shalt  }
0x63: {  	_ =	shalt  }
0x64: {  	_ =	shalt  }
0x65: {  	_ =	shalt  }
0x66: {  	_ =	shalt  }
0x67: {  	_ =	shalt  }
0x68: {  	_ =	shalt  }
0x69: {  	_ =	shalt  }
0x6a: {  	_ =	shalt  }
0x6b: {  	_ =	shalt  }
0x6c: {  	_ =	shalt  }
0x6d: {  	_ =	shalt  }
0x6e: {  	_ =	shalt  }
0x6f: {  	_ =	shalt  }
0x70: {  	_ =	shalt  }
0x71: {  	_ =	shalt  }
0x72: {  	_ =	shalt  }
0x73: {  	_ =	shalt  }
0x74: {  	_ =	shalt  }
0x75: {  	_ =	shalt  }
0x76: {  	_ =	shalt  }
0x77: {  	_ =	shalt  }
0x78: {  	_ =	shalt  }
0x79: {  	_ =	shalt  }
0x7a: {  	_ =	shalt  }
0x7b: {  	_ =	shalt  }
0x7c: {  	_ =	shalt  }
0x7d: {  	_ =	shalt  }
0x7e: {  	_ =	shalt  }
0x7f: {  	_ =	shalt  }
0x80: {  	_ =	shalt  }
0x81: {  	_ =	shalt  }
0x82: {  	_ =	shalt  }
0x83: {  	_ =	shalt  }
0x84: {  	_ =	shalt  }
0x85: {  	_ =	shalt  }
0x86: {  	_ =	shalt  }
0x87: {  	_ =	shalt  }
.Lfunc_end0:
.L_simem_size_0:
called_computation_lowered:
.L_overlay_start_0:
0x88: {  	s2 =	sld [smem:$0x3FD9]  }
0x89: {  	s3 =	sld [smem:$0x3FFE];
	_ =	sdelay $0x1  }
0x8a: {  	s1 =	srdreg.scid  }
0x8b: {  	s0 =	sand.u32 $0x1, s1  }
0x8c: {  	s17 =	sshll.u32 s0, $0xA;
	s2 =	sadd.s32 s3, s2  }
0x8d: {  	s2 =	sadd.s32 s2, s17  }
0x8e: {  	[smem:$0x3FC7] =	sst s2  }
0x8f: {  	_ = 	snop  }
0x90: {  	s2 =	sld [smem:$0x3FC9];
	(tm) =	ssettm $0x1  }
0x91: {  	s18 =	sld [smem:$0x3FFB];
	_ =	sdelay $0x3  }
0x92: {  	_ =	strace s18  }
0x93: {  	s3 =	sld [smem:$0x3FFC];
	_ =	sdelay $0x3  }
0x94: {  	_ =	strace s3  }
0x95: {  	s3 =	sld [smem:$0x3FFD];
	_ =	sdelay $0x3  }
0x96: {  	_ =	strace s3  }
0x97: {  	_ =	strace $0x8FFFFFFF  }
0x98: {  	s19 =	sld [smem:$0x3FDB];
	_ =	sdelay $0x1  }
0x99: {  	s4 =	simm.s32 $_scs_section_size  }
0x9a: {  	s5 =	simm.s32 $_size__tile_overlayer_lowered;
	s6 =	simm.s32 $_tile_overlayer_lowered  }
0x9b: {  	s22 =	simm.s32 $0x1BFF;
	s21 =	sshll.u32 s6, $0x1;
	s3 =	sadd.s32 s4, s19  }
0x9c: {  	s7 =	simm.s32 $0x0;
	s20 =	sshll.u32 s5, $0x1;
	s5 =	sadd.s32 s21, s3  }
0x9d: {  	[timem:s7], [sflag:s22] =	dma.local [hbm:s5], s20  }
0x9e: {  	_ =	swait.ge [sflag:s22], s20  }
0x9f: {  	s4 =	ssub.s32 $0x0, s20;
	[sflag:s22] =	ssyncset.done $0x0  }
0xa0: {  	[sflag:s22] =	ssyncadd.s32 s4;
	_ =	sdelay $0x1  }
0xa1: {  	s23 =	simm.s32 $0x1B8B  }
0xa2: {  	_ =	swait.ge [sflag:s23], $0x1  }
0xa3: {  	[sflag:s23] =	ssyncset.done $0x0  }
0xa4: {  	s25 =	simm.s32 $0x1B8E;
	s24 =	sld [smem:$0x3FFE];
	[sflag:s23] =	ssyncadd.s32 $0xFFFFFFFF  }
0xa5: {  	s26 =	simm.s32 $execute0_lowered;
	[smem:$0x3FD2] =	sst s25  }
0xa6: {  	s5 =	sshll.u32 s26, $0x1;
	_ =	strace $0x80000046;
	[dreg:$0x1] =	wrdreg $0xFFFFFFFF  }
0xa7: {  	s28 =	simm.s32 $_size_execute0_lowered;
	s3 =	sadd.s32 s3, s5;
	[dreg:$0x0] =	wrdreg $0x0  }
0xa8: {  	s5 =	sshll.u32 s28, $0x1;
	[dreg:$0x2] =	wrdreg s3  }
0xa9: {  	[dreg:$0x3] =	wrdreg s5  }
0xaa: {  	[dreg:$0x4] =	wrdreg $0xC0  }
0xab: {  	_ =	task [dreg:s7], $0x5FFFF  }
0xac: {  	[dreg:$0x1] =	wrdreg $0xFFFFFFFF  }
0xad: {  	[dreg:$0x0] =	wrdreg $0x60  }
0xae: {  	[dreg:$0x2] =	wrdreg s2  }
0xaf: {  	[dreg:$0x3] =	wrdreg s24  }
0xb0: {  	[dreg:$0x4] =	wrdreg $0x110000  }
0xb1: {  	[dreg:$0x5] =	wrdreg $0x9  }
0xb2: {  	_ =	task.clear_ibuf [dreg:s7], $0x6FFFF;
	_ =	strace $0x90000046  }
0xb3: {  	s29 =	simm.s32 $0x9;
	_ =	strace $0x80000048  }
0xb4: {  	_ =	swait.ge [sflag:s29], $0x1  }
0xb5: {  	[sflag:s29] =	ssyncadd.s32 $0xFFFFFFFF  }
0xb6: {  	_ =	strace $0x90000048  }
0xb7: {  	_ =	sfence  }
0xb8: {  	s30 =	sld [smem:$0x0];
	_ =	sdelay $0x2  }
0xb9: {  	s31 =	sshll.u32 s1, $0xD;
	s1 =	sshrl.u32 s1, $0x2  }
0xba: {  	s3 =	sand.u32 $0x4000, s31;
	s1 =	sadd.s32 s1, s30  }
0xbb: {  	s0 =	sor.u32 s3, s0;
	s1 =	sshll.u32 s1, $0x11  }
0xbc: {  	s0 =	sor.u32 s1, s0  }
0xbd: {  	s0 =	sadd.s32 $0x8F2B, s0  }
0xbe: {  	[sflag:s0] =	ssyncadd.remote.s32 $0x1  }
0xbf: {  	_ =	sfence.sel $0xFFFF  }
0xc0: {  	[dreg:$0x0] =	wrdreg $0xFFFFFFFF;
	(pc) =	sbr.abs _section_cstart, $3  }
0xc1: {  	[dreg:$0x1] =	wrdreg $0xFFFFFFFF  }
0xc2: {  	_ =	task.clear_ibuf [dreg:s7], $0x2FFFF;
	_ =	strace $0x9FFFFFFF  }
0xc3: {  	(tm) =	ssettm $0x7FFFFFFF  }
tec
execute0_lowered:
.L_overlay_start_1:
0x0: {  	(tag) =	ssettag $0x1  }
0x1: {  	s3 =	rddreg [dreg:$0x0];
	s10 =	stileid.u32  }
0x2: {  	s0 =	srdreg.scid;
	s4 =	rddreg [dreg:$0x1];
	s9 =	simm.s32 $0x8000  }
0x3: {  	s11 =	simm.s32 $0x10000;
	s12 =	simm.s32 $0x800;
	s13 =	simm.s32 $0x10800  }
0x4: {  	s14 =	simm.s32 $0x2;
	s15 =	simm.s32 $0x0;
	s1 =	sshll.u32 s10, $0x9  }
0x5: {  	s2 =	sshll.u32 s10, $0x11;
	s5 =	sand.u32 $0x1, s0;
	s0 =	rddreg [dreg:$0x3]  }
0x6: {  	p0 =	sne.s32 s10, $0x0;
	s10 =	simm.s32 $0x1;
	s30 =	sor.u32 s2, s1  }
0x7: {  	s1 =	rddreg [dreg:$0x2];
	s6 =	sshll.u32 s5, $0x8;
	s2 =	simm.s32 $0x0  }
0x8: {  	s5 =	ssub.s32 $0x2, s5;
	s7 =	sand.u32 $0x1C0200, s30;
	[smem:$0x7FF] =	sst s2  }
0x9: {  	s8 =	sshrl.u32 s5, $0x1;
	s7 =	sor.u32 s6, s7;
	_ =	strace $0x80000047  }
0xa: {  	s6 =	sadd.s32 s6, s4;
	s31 =	ssub.s32 s5, s8;
	s7 =	sshrl.u32 s7, $0x3  }
0xb: {  	s8 =	simm.s32 $0x400;
	s5 =	sadd.s32 $0x1200, s6;
	s3 =	sadd.s32 s3, s7  }
0xc: {  	v0 =	vimm.s32 $0x0;
	v1 =	vlaneseq.u32;
	v2 =	vimm.s32 $0x1;
	s6 =	smax.u32 s31, $0x1;
	s7 =	simm.s32 $0x80;
	s4 =	sadd.s32 $0x10, s3  }
.LBB2_1:
0xd: {  	[tilespmem:s2], [sflag:$0x1] =	stream.strided.gather [hbm4b:s3+s7], $0x8000, s8, s7, $0x38;
	[tilespmem:$0x11080] =	vst v63  }
0xe: {  	s16 =	simm.s32 $0x10040  }
0xf: {  	[tilespmem:s9], [sflag:$0x1] =	stream.strided.gather [hbm4b:s4+s7], $0x8000, s8, s7, $0x38;
	[tilespmem:$0x11080] =	vst v63  }
0x10: {  	[tilespmem:s16+$0xFFFFFFC0] =	vst v0  }
0x11: {  	[tilespmem:s16+$0x30] =	vst v0  }
0x12: {  	[tilespmem:s16+$0x10] =	vst v0  }
0x13: {  	[tilespmem:s16+$0xFFFFFFE0] =	vst v0  }
0x14: {  	[tilespmem:s16+$0x20] =	vst v0  }
0x15: {  	[tilespmem:s16+$0xFFFFFFF0] =	vst v0  }
0x16: {  	s17 =	simm.s32 $0x70;
	[tilespmem:s16+$0x0] =	vst v0  }
0x17: {  	s18 =	simm.s32 $0x10840;
	s20 =	simm.s32 $0x50;
	v3 =	vor.u32 s17, v1;
	[tilespmem:s16+$0xFFFFFFD0] =	vst v0  }
0x18: {  	s19 =	simm.s32 $0x60;
	v4 =	vor.u32 s20, v1;
	[tilespmem:s18+$0x30] =	vst v3  }
0x19: {  	s29 =	simm.s32 $0x30;
	v3 =	vor.u32 s19, v1;
	[tilespmem:s18+$0x10] =	vst v4  }
0x1a: {  	s26 =	simm.s32 $0x20;
	v4 =	vor.u32 s29, v1;
	[tilespmem:s18+$0x20] =	vst v3  }
0x1b: {  	s30 =	simm.s32 $0x10;
	v3 =	vor.u32 s26, v1;
	[tilespmem:s18+$0xFFFFFFF0] =	vst v4  }
0x1c: {  	s28 =	simm.s32 $0x40;
	v4 =	vor.u32 s30, v1;
	[tilespmem:s18+$0xFFFFFFE0] =	vst v3  }
0x1d: {  	s31 =	simm.s32 $0x0;
	v3 =	vor.u32 s28, v1;
	[tilespmem:s18+$0xFFFFFFD0] =	vst v4  }
0x1e: {  	s20 =	simm.s32 $0x108C0;
	s19 =	simm.s32 $0x0;
	[tilespmem:s18+$0x0] =	vst v3;
	v3 =	vor.u32 s31, v1  }
.LBB2_2:
0x1f: {  	s19 =	sadd.s32 $0x8, s19;
	[tilespmem:s18+$0xFFFFFFC0] =	vst v3;
	s17 =	sadd.s32 $0x80, s17;
	s16 =	sadd.s32 $0x80, s16  }
0x20: {  	s18 =	smov.u32 s20;
	[tilespmem:s16+$0xFFFFFFC0] =	vst v0;
	p1 =	slt.u32 s19, $0x78  }
0x21: {  	v3 =	vor.u32 s17, v1;
	[tilespmem:s16+$0x30] =	vst v0  }
0x22: {  	[tilespmem:s20+$0x30] =	vst v3  }
0x23: {  	[tilespmem:s16+$0x10] =	vst v0  }
0x24: {  	s21 =	sadd.s32 $0xFFFFFFF0, s17;
	[tilespmem:s16+$0xFFFFFFE0] =	vst v0  }
0x25: {  	s22 =	sadd.s32 $0xFFFFFFE0, s17;
	v3 =	vor.u32 s21, v1;
	[tilespmem:s16+$0x20] =	vst v0  }
0x26: {  	v4 =	vor.u32 s22, v1;
	s21 =	sadd.s32 $0xFFFFFFB0, s17;
	[tilespmem:s20+$0x20] =	vst v3  }
0x27: {  	v3 =	vor.u32 s21, v1;
	[tilespmem:s20+$0x10] =	vst v4  }
0x28: {  	[tilespmem:s20+$0xFFFFFFE0] =	vst v3  }
0x29: {  	s21 =	sadd.s32 $0xFFFFFFD0, s17;
	[tilespmem:s16+$0xFFFFFFF0] =	vst v0  }
.Ltmp0:
0x2a: {  	s22 =	sadd.s32 $0xFFFFFFC0, s17;
	v3 =	vor.u32 s21, v1;
	[tilespmem:s16+$0x0] =	vst v0;
	(pc) =	sbr.rel @p1 .LBB2_2-.Ltmp0, $4  }
0x2b: {  	v4 =	vor.u32 s22, v1;
	[tilespmem:s20+$0x0] =	vst v3  }
0x2c: {  	s21 =	sadd.s32 $0xFFFFFFA0, s17;
	[tilespmem:s20+$0xFFFFFFF0] =	vst v4  }
0x2d: {  	s22 =	sadd.s32 $0xFFFFFF90, s17;
	v4 =	vor.u32 s21, v1;
	[tilespmem:s16+$0xFFFFFFD0] =	vst v0  }
0x2e: {  	v3 =	vor.u32 s22, v1;
	s20 =	sadd.s32 $0x80, s20;
	[tilespmem:s18+$0xFFFFFFD0] =	vst v4  }
0x2f: {  	[tilespmem:s18+$0xFFFFFFC0] =	vst v3;
	s16 =	simm.s32 @!p0 $0x10000  }
0x30: {  	[spmem:s1] =	stream.linear.scatter @!p0 [tilespmem:s16], [sflag:$0x2], $0x800, $0x38;
	[tilespmem:$0x11080] =	vst v63  }
0x31: {  	s16 =	simm.s32 @!p0 $0x2  }
0x32: {  	_ =	swait.ge @!p0 [sflag:s16], $0x800  }
0x33: {  	[sflag:s16] =	ssyncset.done @!p0 $0x0  }
0x34: {  	[sflag:s16] =	ssyncadd.s32 @!p0 $0xFFFFF800  }
0x35: {  	[bflag:$0x0] =	sbarrier.arrive $0xFFFF  }
0x36: {  	_ =	swait.ge [sflag:s10], $0x8000  }
0x37: {  	[sflag:s10] =	ssyncset.done $0x0  }
0x38: {  	[sflag:s10] =	ssyncadd.s32 $0xFFFF8000  }
0x39: {  	_ =	swait.ge [sflag:s10], $0x8000  }
0x3a: {  	[sflag:s10] =	ssyncset.done $0x0  }
0x3b: {  	s31 =	simm.s32 $0x80;
	[sflag:s10] =	ssyncadd.s32 $0xFFFF8000  }
0x3c: {  	v3 =	vld [tilespmem:s31+$0x70]  }
0x3d: {  	v4 =	vld [tilespmem:s31+$0xFFFFFF90]  }
0x3e: {  	v5 =	vld [tilespmem:s31+$0xFFFFFFA0]  }
0x3f: {  	v6 =	vld [tilespmem:s31+$0xFFFFFFB0]  }
0x40: {  	v7 =	vld [tilespmem:s31+$0xFFFFFFC0]  }
0x41: {  	v8 =	vld [tilespmem:s31+$0xFFFFFFD0]  }
0x42: {  	v11 =	vld [tilespmem:s31+$0xFFFFFFE0]  }
0x43: {  	v13 =	vld [tilespmem:s31+$0xFFFFFFF0]  }
0x44: {  	v14 =	vld [tilespmem:s31+$0x0]  }
0x45: {  	v15 =	vld [tilespmem:s31+$0x10]  }
0x46: {  	v16 =	vld [tilespmem:s31+$0x20];
	_ =	sdelay $0x1  }
0x47: {  	v9 =	vshra.s32 v3, $0x1F;
	v10 =	vshra.s32 v4, $0x1F  }
0x48: {  	v12 =	vshra.s32 v5, $0x1F;
	v51 =	vshra.s32 v6, $0x1F;
	v52 =	vshra.s32 v7, $0x1F  }
0x49: {  	v53 =	vshra.s32 v8, $0x1F;
	v54 =	vshra.s32 v11, $0x1F;
	v17 =	vshra.s32 v13, $0x1F  }
0x4a: {  	v18 =	vshra.s32 v14, $0x1F;
	v56 =	vshra.s32 v15, $0x1F;
	v19 =	vshra.s32 v16, $0x1F  }
0x4b: {  	v9 =	vor.u32 $0x80000000, v9;
	v10 =	vor.u32 $0x80000000, v10;
	v17 =	vor.u32 $0x80000000, v17  }
0x4c: {  	v55 =	vor.u32 $0x80000000, v18;
	v18 =	vor.u32 $0x80000000, v56;
	v19 =	vor.u32 $0x80000000, v19  }
0x4d: {  	v3 =	vxor.u32 v3, v9;
	v9 =	vor.u32 $0x80000000, v12;
	v4 =	vxor.u32 v4, v10  }
0x4e: {  	v20 =	vld [tilespmem:s31+$0x50];
	v10 =	vor.u32 $0x80000000, v51;
	v5 =	vxor.u32 v5, v9;
	v9 =	vor.u32 $0x80000000, v52  }
0x4f: {  	v12 =	vor.u32 $0x80000000, v54;
	v13 =	vxor.u32 v13, v17;
	v7 =	vxor.u32 v7, v9;
	v9 =	vld [tilespmem:s31+$0xFFFFFF80]  }
0x50: {  	v16 =	vxor.u32 v16, v19;
	v3 =	vshrl.u32 v3, $0x15;
	v6 =	vxor.u32 v6, v10  }
0x51: {  	v10 =	vor.u32 $0x80000000, v53;
	v11 =	vxor.u32 v11, v12;
	v4 =	vshrl.u32 v4, $0x15  }
0x52: {  	v12 =	vxor.u32 v14, v55;
	v8 =	vxor.u32 v8, v10;
	v10 =	vld [tilespmem:s31+$0x30];
	v5 =	vshrl.u32 v5, $0x15  }
0x53: {  	v57 =	vld [tilespmem:s31+$0x40];
	v7 =	vshrl.u32 v7, $0x15;
	v61 =	vshrl.u32 v8, $0x15;
	v8 =	vshra.s32 v20, $0x1F  }
0x54: {  	v21 =	vld [tilespmem:s31+$0x60];
	v6 =	vshrl.u32 v6, $0x15;
	v8 =	vor.u32 $0x80000000, v8;
	v58 =	vshra.s32 v9, $0x1F  }
0x55: {  	v11 =	vshrl.u32 v11, $0x15;
	v62 =	vxor.u32 v20, v8;
	[tilespmem:v3+s11+$0x0] =	vst.idx.add.s32.msk $0xffff, v2;
	v14 =	vor.u32 $0x80000000, v58  }
0x56: {  	v3 =	vxor.u32 v15, v18;
	[tilespmem:v4+s11+$0x0] =	vst.idx.add.s32.msk $0xffff, v2;
	v9 =	vxor.u32 v9, v14  }
0x57: {  	v59 =	vshra.s32 v10, $0x1F;
	[tilespmem:v5+s11+$0x0] =	vst.idx.add.s32.msk $0xffff, v2;
	v8 =	vshrl.u32 v3, $0x15;
	v60 =	vshrl.u32 v9, $0x15  }
0x58: {  	[tilespmem:v7+s11+$0x0] =	vst.idx.add.s32.msk $0xffff, v2;
	v7 =	vshrl.u32 v16, $0x15;
	v14 =	vor.u32 $0x80000000, v59;
	v9 =	vshra.s32 v57, $0x1F  }
0x59: {  	[tilespmem:v6+s11+$0x0] =	vst.idx.add.s32.msk $0xffff, v2;
	v4 =	vxor.u32 v10, v14;
	v5 =	vor.u32 $0x80000000, v9;
	v9 =	vshra.s32 v21, $0x1F  }
0x5a: {  	[tilespmem:v11+s11+$0x0] =	vst.idx.add.s32.msk $0xffff, v2;
	v10 =	vshrl.u32 v13, $0x15;
	v5 =	vxor.u32 v57, v5;
	v6 =	vor.u32 $0x80000000, v9  }
0x5b: {  	[tilespmem:v61+s11+$0x0] =	vst.idx.add.s32.msk $0xffff, v2;
	v9 =	vshrl.u32 v12, $0x15;
	v63 =	vxor.u32 v21, v6;
	v6 =	vshrl.u32 v4, $0x15  }
0x5c: {  	s17 =	simm.s32 $0x180;
	s16 =	simm.s32 $0x0;
	v5 =	vshrl.u32 v5, $0x15;
	v4 =	vshrl.u32 v62, $0x15;
	v3 =	vshrl.u32 v63, $0x15;
	[tilespmem:v60+s11+$0x0] =	vst.idx.add.s32.msk $0xffff, v2  }
.LBB2_4:
0x5d: {  	v11 =	vld [tilespmem:s17+$0x70];
	s16 =	sadd.s32 $0x10, s16  }
0x5e: {  	v12 =	vld [tilespmem:s17+$0xFFFFFF90];
	p1 =	slt.u32 s16, $0xFF0  }
0x5f: {  	v13 =	vld [tilespmem:s17+$0xFFFFFFA0]  }
0x60: {  	v14 =	vld [tilespmem:s17+$0xFFFFFFB0]  }
0x61: {  	v15 =	vld [tilespmem:s17+$0xFFFFFFC0]  }
0x62: {  	v16 =	vld [tilespmem:s17+$0xFFFFFFD0];
	v17 =	vshra.s32 v11, $0x1F  }
0x63: {  	v18 =	vshra.s32 v12, $0x1F;
	v19 =	vld [tilespmem:s17+$0xFFFFFFE0];
	v17 =	vor.u32 $0x80000000, v17  }
0x64: {  	v18 =	vor.u32 $0x80000000, v18;
	v20 =	vshra.s32 v13, $0x1F;
	v21 =	vld [tilespmem:s17+$0xFFFFFFF0];
	v11 =	vxor.u32 v11, v17  }
0x65: {  	v17 =	vor.u32 $0x80000000, v20;
	v20 =	vshra.s32 v14, $0x1F;
	v22 =	vld [tilespmem:s17+$0x0];
	v11 =	vshrl.u32 v11, $0x15  }
0x66: {  	v12 =	vxor.u32 v12, v18;
	v18 =	vor.u32 $0x80000000, v20;
	v20 =	vshra.s32 v15, $0x1F;
	v23 =	vld [tilespmem:s17+$0x10]  }
0x67: {  	v13 =	vxor.u32 v13, v17;
	v17 =	vor.u32 $0x80000000, v20;
	v20 =	vshra.s32 v16, $0x1F;
	v24 =	vld [tilespmem:s17+$0x20]  }
0x68: {  	v14 =	vxor.u32 v14, v18;
	v18 =	vor.u32 $0x80000000, v20;
	v20 =	vshra.s32 v19, $0x1F;
	v25 =	vld [tilespmem:s17+$0x30]  }
0x69: {  	v15 =	vxor.u32 v15, v17;
	v17 =	vor.u32 $0x80000000, v20;
	v20 =	vshra.s32 v21, $0x1F;
	v26 =	vld [tilespmem:s17+$0x40]  }
0x6a: {  	v16 =	vxor.u32 v16, v18;
	v18 =	vor.u32 $0x80000000, v20;
	v20 =	vshra.s32 v22, $0x1F;
	[tilespmem:v11+s11+$0x0] =	vst.idx.add.s32.msk $0xffff, v2  }
0x6b: {  	v11 =	vxor.u32 v19, v17;
	v17 =	vor.u32 $0x80000000, v20;
	v19 =	vshra.s32 v23, $0x1F;
	v20 =	vld [tilespmem:s17+$0x50]  }
0x6c: {  	v18 =	vxor.u32 v21, v18;
	v19 =	vor.u32 $0x80000000, v19;
	v21 =	vshra.s32 v24, $0x1F;
	v27 =	vld [tilespmem:s17+$0x60]  }
0x6d: {  	v17 =	vxor.u32 v22, v17;
	v28 =	vld [tilespmem:s17+$0xFFFFFF80];
	v21 =	vor.u32 $0x80000000, v21;
	v22 =	vshra.s32 v25, $0x1F  }
0x6e: {  	v19 =	vxor.u32 v23, v19;
	v22 =	vor.u32 $0x80000000, v22;
	v23 =	vshra.s32 v26, $0x1F;
	[tilespmem:v10+s11+$0x0] =	vst.idx.add.s32.msk $0xffff, v2  }
0x6f: {  	v21 =	vxor.u32 v24, v21;
	v22 =	vxor.u32 v25, v22;
	v10 =	vor.u32 $0x80000000, v23;
	[tilespmem:v9+s11+$0x0] =	vst.idx.add.s32.msk $0xffff, v2  }
0x70: {  	v9 =	vshrl.u32 v12, $0x15;
	v12 =	vxor.u32 v26, v10;
	v10 =	vshra.s32 v20, $0x1F;
	[tilespmem:v8+s11+$0x0] =	vst.idx.add.s32.msk $0xffff, v2  }
0x71: {  	v8 =	vshrl.u32 v13, $0x15;
	v10 =	vor.u32 $0x80000000, v10;
	v13 =	vshra.s32 v27, $0x1F;
	[tilespmem:v7+s11+$0x0] =	vst.idx.add.s32.msk $0xffff, v2  }
0x72: {  	v7 =	vshra.s32 v28, $0x1F;
	v20 =	vxor.u32 v20, v10;
	v10 =	vor.u32 $0x80000000, v13;
	[tilespmem:v6+s11+$0x0] =	vst.idx.add.s32.msk $0xffff, v2  }
0x73: {  	v13 =	vshrl.u32 v14, $0x15;
	v6 =	vor.u32 $0x80000000, v7;
	v14 =	vxor.u32 v27, v10;
	[tilespmem:v5+s11+$0x0] =	vst.idx.add.s32.msk $0xffff, v2  }
0x74: {  	v15 =	vshrl.u32 v15, $0x15;
	v16 =	vshrl.u32 v16, $0x15;
	v5 =	vxor.u32 v28, v6;
	[tilespmem:v4+s11+$0x0] =	vst.idx.add.s32.msk $0xffff, v2  }
0x75: {  	v11 =	vshrl.u32 v11, $0x15;
	v10 =	vshrl.u32 v18, $0x15;
	v23 =	vshrl.u32 v5, $0x15;
	[tilespmem:v9+s11+$0x0] =	vst.idx.add.s32.msk $0xffff, v2  }
0x76: {  	v7 =	vshrl.u32 v21, $0x15;
	v9 =	vshrl.u32 v17, $0x15;
	[tilespmem:v8+s11+$0x0] =	vst.idx.add.s32.msk $0xffff, v2;
	v8 =	vshrl.u32 v19, $0x15  }
0x77: {  	v6 =	vshrl.u32 v22, $0x15;
	v4 =	vshrl.u32 v20, $0x15;
	v5 =	vshrl.u32 v12, $0x15;
	[tilespmem:v3+s11+$0x0] =	vst.idx.add.s32.msk $0xffff, v2  }
.Ltmp1:
0x78: {  	v3 =	vshrl.u32 v14, $0x15;
	[tilespmem:v13+s11+$0x0] =	vst.idx.add.s32.msk $0xffff, v2;
	(pc) =	sbr.rel @p1 .LBB2_4-.Ltmp1, $4  }
0x79: {  	[tilespmem:v15+s11+$0x0] =	vst.idx.add.s32.msk $0xffff, v2  }
0x7a: {  	[tilespmem:v23+s11+$0x0] =	vst.idx.add.s32.msk $0xffff, v2  }
0x7b: {  	[tilespmem:v16+s11+$0x0] =	vst.idx.add.s32.msk $0xffff, v2  }
0x7c: {  	s17 =	sadd.s32 $0x100, s17;
	[tilespmem:v11+s11+$0x0] =	vst.idx.add.s32.msk $0xffff, v2  }
0x7d: {  	_ =	sdelay $0x3  }
0x7e: {  	[tilespmem:v10+s11+$0x0] =	vst.idx.add.s32.msk $0xffff, v2  }
0x7f: {  	[tilespmem:v9+s11+$0x0] =	vst.idx.add.s32.msk $0xffff, v2  }
0x80: {  	[tilespmem:v8+s11+$0x0] =	vst.idx.add.s32.msk $0xffff, v2  }
0x81: {  	[tilespmem:v7+s11+$0x0] =	vst.idx.add.s32.msk $0xffff, v2  }
0x82: {  	[tilespmem:v6+s11+$0x0] =	vst.idx.add.s32.msk $0xffff, v2  }
0x83: {  	[tilespmem:v5+s11+$0x0] =	vst.idx.add.s32.msk $0xffff, v2  }
0x84: {  	[tilespmem:v4+s11+$0x0] =	vst.idx.add.s32.msk $0xffff, v2  }
0x85: {  	[tilespmem:v3+s11+$0x0] =	vst.idx.add.s32.msk $0xffff, v2  }
0x86: {  	[spmem:s1] =	stream.indirect.scatter.add.s32 [tilespmem:s11], [sflag:$0x2], $0x1, s13, s12, $0xb8;
	[tilespmem:$0x11080] =	vst v63  }
0x87: {  	_ =	swait.ge [sflag:s14], $0x800  }
0x88: {  	[sflag:s14] =	ssyncset.done $0x0  }
0x89: {  	s16 =	sshrl.u32 @!p0 s1, $0x3;
	s15 =	sadd.s32 $0x1, s15;
	[sflag:s14] =	ssyncadd.s32 $0xFFFFF800  }
0x8a: {  	s17 =	simm.s32 @!p0 $0x1C02;
	p1 =	sne.s32 s15, s6;
	[bflag:$0x0] =	sbarrier.arrive $0xFFFF  }
0x8b: {  	[hbm:s5], [sflag:s17] =	dma.local @!p0 [spmem:s16], $0x100  }
.Ltmp2:
0x8c: {  	_ = 	snop;
	(pc) =	sbr.rel @p1 .LBB2_1-.Ltmp2, $4  }
0x8d: {  	s16 =	simm.s32 @!p0 $0x2  }
0x8e: {  	_ =	swait.ge @!p0 [sflag:s16], $0x100  }
0x8f: {  	[sflag:s16] =	ssyncset.done @!p0 $0x0  }
0x90: {  	[sflag:s16] =	ssyncadd.s32 @!p0 $0xFFFFFF00  }
0x91: {  	_ =	sfence.sel $0x180000  }
0x92: {  	[bflag:$0x0] =	sbarrier.arrive $0xFFFF  }
0x93: {  	_ =	strace $0x90000047  }
0x94: {  	s0 =	sadd.s32 @!p0 $0x100000, s0;
	[bflag:$0x2] =	sbarrier.arrive $0xFFFF  }
0x95: {  	[sflag:s0] =	ssyncadd.tile.s32 @!p0 $0x1;
	_ =	shalt  }
.Lfunc_end2:
_tile_overlayer_lowered:
.L_overlay_start_2:
0x96: {  	(tag) =	ssettag $0x2  }
0x97: {  	s0 =	rddreg [dreg:$0x0];
	s2 =	stileid.u32  }
0x98: {  	s1 =	rddreg [dreg:$0x1];
	p0 =	sne.s32 s2, $0x0  }
0x99: {  	s3 =	rddreg [dreg:$0x2];
	[bflag:$0x3] =	sbarrier.arrive $0xFFFF;
	s2 =	simm.s32 @!p0 $0x1C02  }
0x9a: {  	[timem:s3], [sflag:s2] =	dma.local @!p0 [hbm:s0], s1  }
0x9b: {  	s0 =	simm.s32 @!p0 $0x2  }
0x9c: {  	_ =	swait.ge @!p0 [sflag:s0], s1  }
0x9d: {  	s1 =	ssub.s32 @!p0 $0x0, s1;
	[sflag:s0] =	ssyncset.done @!p0 $0x0  }
0x9e: {  	[sflag:s0] =	ssyncadd.s32 @!p0 s1  }
0x9f: {  	[bflag:$0x3] =	sbarrier.arrive $0xFFFF  }
0xa0: {  	_ =	shalt  }

// kernel: kernel.9.cloned.1.call-start
scs
__scs_entry_jumppad:
0x0: {  	(pc) =	sbr.rel $0x88, $3  }
0x1: {  	(tag) =	ssettag $0x0;
	lr =	simm.s32 $0x1  }
0x2: {  	[smem:$0x3FA0] =	sst lr;
	_ =	strace $0xD0000000  }
0x3: {  	_ = 	snop  }
0x4: {  	_ = 	snop  }
0x5: {  	_ = 	snop  }
0x6: {  	_ = 	snop  }
0x7: {  	_ = 	snop  }
__scs_overlays_trampoline_lowered:
0x8: {  	[smem:$0x3FAF] =	sst s0  }
0x9: {  	[smem:$0x3FB0] =	sst s1  }
0xa: {  	[smem:$0x3FB1] =	sst s2  }
0xb: {  	[smem:$0x3FB2] =	sst s3  }
0xc: {  	[smem:$0x3FB3] =	sst s4  }
0xd: {  	[smem:$0x3FB4] =	sst s5  }
0xe: {  	[smem:$0x3FB5] =	sst s6  }
0xf: {  	[smem:$0x3FB6] =	sst s7  }
0x10: {  	[smem:$0x3FB7] =	sst s8  }
0x11: {  	[smem:$0x3FB8] =	sst s9;
	s0 =	simm.s32 @!p0 $0x0  }
0x12: {  	s1 =	sld [smem:$0x3F9E];
	s0 =	simm.s32 @p0 $0x1  }
0x13: {  	[smem:$0x3FB9] =	sst s0;
	s0 =	simm.s32 @!p1 $0x0  }
0x14: {  	s2 =	sld [smem:$0x3F9D];
	s0 =	simm.s32 @p1 $0x1  }
0x15: {  	[smem:$0x3FBA] =	sst s0;
	s0 =	simm.s32 @!p2 $0x0  }
0x16: {  	s3 =	sld [smem:$0x3FDB];
	s0 =	simm.s32 @p2 $0x1  }
0x17: {  	s4 =	simm.s32 $0x1BF5;
	[smem:$0x3FBC] =	sst s0  }
0x18: {  	s0 =	sld [smem:$0x3F9F];
	_ =	swait.ge [sflag:s4], $0x0  }
0x19: {  	s7 =	sld [smem:$0x3FA0]  }
0x1a: {  	s8 =	sadd.s32 $0xFFFFE003, lr  }
0x1b: {  	s9 =	sadd.s32 $0xFFFFFEF7, lr;
	s5 =	simm.s32 $0xFFFFFFFF;
	p2 =	slt.u32 s8, $0xFFFFF086  }
0x1c: {  	p1 =	slt.u32 s9, $0xF7A;
	s5 =	simm.s32 @!p2 $0x0  }
0x1d: {  	s5 =	simm.s32 @p1 $0x1;
	p0 =	seq.s32 s7, s2  }
0x1e: {  	s7 =	smul.u32 @!p0 $0xF7A, s2;
	p2 =	seq.s32 @!p0 s5, $0x0  }
0x1f: {  	s9 =	smul.u32 $0xF7A, s1;
	s8 =	simm.s32 @!p0 $0x1BF5;
	p2 =	por !p2, p0  }
0x20: {  	[sflag:s8] =	ssyncset.s32 @!p0 $0xFFFFF086;
	s6 =	sadd.s32 @!p0 s3, s7;
	s7 =	simm.s32 @!p0 $0x108  }
0x21: {  	s3 =	sadd.s32 s3, s9;
	s6 =	sadd.s32 @!p0 $0x88, s6;
	s7 =	simm.s32 @p2 $0x1082  }
0x22: {  	[simem:s7], [sflag:s8] =	dma.local @!p0 [hbm:s6], $0xF7A  }
0x23: {  	s9 =	sor.u32 $0xD0000000, s2;
	s6 =	simm.s32 $0x108;
	_ =	swait.ge @!p0 [sflag:s8], $0x0  }
0x24: {  	s3 =	sadd.s32 $0x88, s3;
	s6 =	simm.s32 @!p1 $0x1082;
	[sflag:s4] =	ssyncset.s32 $0xFFFFF086  }
0x25: {  	[simem:s6], [sflag:s4] =	dma.local [hbm:s3], $0xF7A  }
0x26: {  	[smem:$0x3FA0] =	sst s1;
	(tag) =	ssettag s2;
	_ =	strace s9  }
0x27: {  	s1 =	sld [smem:$0x3FB0]  }
0x28: {  	s2 =	sld [smem:$0x3FB1]  }
0x29: {  	s4 =	sld [smem:$0x3FB3]  }
0x2a: {  	p0 =	seq.s32 s5, $0x0;
	s5 =	sld [smem:$0x3FB4]  }
0x2b: {  	s6 =	sld [smem:$0x3FB5]  }
0x2c: {  	s7 =	sld [smem:$0x3FB6]  }
0x2d: {  	s3 =	simm.s32 $0x108;
	s8 =	sld [smem:$0x3FB7]  }
0x2e: {  	s3 =	simm.s32 @!p0 $0x1082;
	s9 =	sld [smem:$0x3FB8]  }
0x2f: {  	lr =	sadd.s32 s0, s3;
	s0 =	sld [smem:$0x3FAF]  }
0x30: {  	s3 =	sld [smem:$0x3FB2]  }
0x31: {  	[smem:$0x3FBB] =	sst s10  }
0x32: {  	s10 =	sld [smem:$0x3FB9];
	_ =	sdelay $0x3  }
0x33: {  	p0 =	seq.s32 s10, $0x1;
	s10 =	sld [smem:$0x3FBB];
	_ =	sdelay $0x3  }
0x34: {  	[smem:$0x3FBB] =	sst s10  }
0x35: {  	s10 =	sld [smem:$0x3FBA];
	_ =	sdelay $0x3  }
0x36: {  	p1 =	seq.s32 s10, $0x1;
	s10 =	sld [smem:$0x3FBB];
	_ =	sdelay $0x3  }
0x37: {  	[smem:$0x3FBB] =	sst s10  }
0x38: {  	s10 =	sld [smem:$0x3FBC]  }
0x39: {  	_ = 	snop;
	(pc) =	sbr.ind lr, $3  }
0x3a: {  	_ = 	snop  }
0x3b: {  	_ = 	snop  }
0x3c: {  	p2 =	seq.s32 s10, $0x1;
	s10 =	sld [smem:$0x3FBB]  }
0x3d: {  	_ =	shalt  }
0x3e: {  	_ =	shalt  }
0x3f: {  	_ =	shalt  }
0x40: {  	_ =	shalt  }
0x41: {  	_ =	shalt  }
0x42: {  	_ =	shalt  }
0x43: {  	_ =	shalt  }
0x44: {  	_ =	shalt  }
0x45: {  	_ =	shalt  }
0x46: {  	_ =	shalt  }
0x47: {  	_ =	shalt  }
0x48: {  	_ =	shalt  }
0x49: {  	_ =	shalt  }
0x4a: {  	_ =	shalt  }
0x4b: {  	_ =	shalt  }
0x4c: {  	_ =	shalt  }
0x4d: {  	_ =	shalt  }
0x4e: {  	_ =	shalt  }
0x4f: {  	_ =	shalt  }
0x50: {  	_ =	shalt  }
0x51: {  	_ =	shalt  }
0x52: {  	_ =	shalt  }
0x53: {  	_ =	shalt  }
0x54: {  	_ =	shalt  }
0x55: {  	_ =	shalt  }
0x56: {  	_ =	shalt  }
0x57: {  	_ =	shalt  }
0x58: {  	_ =	shalt  }
0x59: {  	_ =	shalt  }
0x5a: {  	_ =	shalt  }
0x5b: {  	_ =	shalt  }
0x5c: {  	_ =	shalt  }
0x5d: {  	_ =	shalt  }
0x5e: {  	_ =	shalt  }
0x5f: {  	_ =	shalt  }
0x60: {  	_ =	shalt  }
0x61: {  	_ =	shalt  }
0x62: {  	_ =	shalt  }
0x63: {  	_ =	shalt  }
0x64: {  	_ =	shalt  }
0x65: {  	_ =	shalt  }
0x66: {  	_ =	shalt  }
0x67: {  	_ =	shalt  }
0x68: {  	_ =	shalt  }
0x69: {  	_ =	shalt  }
0x6a: {  	_ =	shalt  }
0x6b: {  	_ =	shalt  }
0x6c: {  	_ =	shalt  }
0x6d: {  	_ =	shalt  }
0x6e: {  	_ =	shalt  }
0x6f: {  	_ =	shalt  }
0x70: {  	_ =	shalt  }
0x71: {  	_ =	shalt  }
0x72: {  	_ =	shalt  }
0x73: {  	_ =	shalt  }
0x74: {  	_ =	shalt  }
0x75: {  	_ =	shalt  }
0x76: {  	_ =	shalt  }
0x77: {  	_ =	shalt  }
0x78: {  	_ =	shalt  }
0x79: {  	_ =	shalt  }
0x7a: {  	_ =	shalt  }
0x7b: {  	_ =	shalt  }
0x7c: {  	_ =	shalt  }
0x7d: {  	_ =	shalt  }
0x7e: {  	_ =	shalt  }
0x7f: {  	_ =	shalt  }
0x80: {  	_ =	shalt  }
0x81: {  	_ =	shalt  }
0x82: {  	_ =	shalt  }
0x83: {  	_ =	shalt  }
0x84: {  	_ =	shalt  }
0x85: {  	_ =	shalt  }
0x86: {  	_ =	shalt  }
0x87: {  	_ =	shalt  }
.Lfunc_end0:
.L_simem_size_0:
called_computation.1_lowered:
.L_overlay_start_0:
0x88: {  	s2 =	sld [smem:$0x3FD9]  }
0x89: {  	s3 =	sld [smem:$0x3FFE];
	_ =	sdelay $0x1  }
0x8a: {  	s1 =	srdreg.scid  }
0x8b: {  	s0 =	sand.u32 $0x1, s1  }
0x8c: {  	s17 =	sshll.u32 s0, $0xA;
	s2 =	sadd.s32 s3, s2  }
0x8d: {  	s2 =	sadd.s32 s2, s17  }
0x8e: {  	[smem:$0x3FC7] =	sst s2  }
0x8f: {  	_ = 	snop  }
0x90: {  	s2 =	sld [smem:$0x3FC9];
	(tm) =	ssettm $0x1  }
0x91: {  	s18 =	sld [smem:$0x3FFB];
	_ =	sdelay $0x3  }
0x92: {  	_ =	strace s18  }
0x93: {  	s3 =	sld [smem:$0x3FFC];
	_ =	sdelay $0x3  }
0x94: {  	_ =	strace s3  }
0x95: {  	s3 =	sld [smem:$0x3FFD];
	_ =	sdelay $0x3  }
0x96: {  	_ =	strace s3  }
0x97: {  	_ =	strace $0x8FFFFFFF  }
0x98: {  	s19 =	sld [smem:$0x3FDB];
	_ =	sdelay $0x1  }
0x99: {  	s4 =	simm.s32 $_scs_section_size  }
0x9a: {  	s5 =	simm.s32 $_size__tile_overlayer_lowered;
	s6 =	simm.s32 $_tile_overlayer_lowered  }
0x9b: {  	s22 =	simm.s32 $0x1BFF;
	s21 =	sshll.u32 s6, $0x1;
	s3 =	sadd.s32 s4, s19  }
0x9c: {  	s7 =	simm.s32 $0x0;
	s20 =	sshll.u32 s5, $0x1;
	s5 =	sadd.s32 s21, s3  }
0x9d: {  	[timem:s7], [sflag:s22] =	dma.local [hbm:s5], s20  }
0x9e: {  	_ =	swait.ge [sflag:s22], s20  }
0x9f: {  	s4 =	ssub.s32 $0x0, s20;
	[sflag:s22] =	ssyncset.done $0x0  }
0xa0: {  	[sflag:s22] =	ssyncadd.s32 s4;
	_ =	sdelay $0x1  }
0xa1: {  	s23 =	simm.s32 $0x1B8B  }
0xa2: {  	_ =	swait.ge [sflag:s23], $0x1  }
0xa3: {  	[sflag:s23] =	ssyncset.done $0x0  }
0xa4: {  	s25 =	simm.s32 $0x1B8E;
	s24 =	sld [smem:$0x3FFE];
	[sflag:s23] =	ssyncadd.s32 $0xFFFFFFFF  }
0xa5: {  	s26 =	simm.s32 $execute0_lowered;
	[smem:$0x3FD2] =	sst s25  }
0xa6: {  	s5 =	sshll.u32 s26, $0x1;
	_ =	strace $0x80000049;
	[dreg:$0x1] =	wrdreg $0xFFFFFFFF  }
0xa7: {  	s28 =	simm.s32 $_size_execute0_lowered;
	s3 =	sadd.s32 s3, s5;
	[dreg:$0x0] =	wrdreg $0x0  }
0xa8: {  	s5 =	sshll.u32 s28, $0x1;
	[dreg:$0x2] =	wrdreg s3  }
0xa9: {  	[dreg:$0x3] =	wrdreg s5  }
0xaa: {  	[dreg:$0x4] =	wrdreg $0xC0  }
0xab: {  	_ =	task [dreg:s7], $0x5FFFF  }
0xac: {  	[dreg:$0x1] =	wrdreg $0xFFFFFFFF  }
0xad: {  	[dreg:$0x0] =	wrdreg $0x60  }
0xae: {  	[dreg:$0x2] =	wrdreg s2  }
0xaf: {  	[dreg:$0x3] =	wrdreg s24  }
0xb0: {  	[dreg:$0x4] =	wrdreg $0x110000  }
0xb1: {  	[dreg:$0x5] =	wrdreg $0x9  }
0xb2: {  	_ =	task.clear_ibuf [dreg:s7], $0x6FFFF;
	_ =	strace $0x90000049  }
0xb3: {  	s29 =	simm.s32 $0x9;
	_ =	strace $0x8000004B  }
0xb4: {  	_ =	swait.ge [sflag:s29], $0x1  }
0xb5: {  	[sflag:s29] =	ssyncadd.s32 $0xFFFFFFFF  }
0xb6: {  	_ =	strace $0x9000004B  }
0xb7: {  	_ =	sfence  }
0xb8: {  	s30 =	sld [smem:$0x0];
	_ =	sdelay $0x2  }
0xb9: {  	s31 =	sshll.u32 s1, $0xD;
	s1 =	sshrl.u32 s1, $0x2  }
0xba: {  	s3 =	sand.u32 $0x4000, s31;
	s1 =	sadd.s32 s1, s30  }
0xbb: {  	s0 =	sor.u32 s3, s0;
	s1 =	sshll.u32 s1, $0x11  }
0xbc: {  	s0 =	sor.u32 s1, s0  }
0xbd: {  	s0 =	sadd.s32 $0x8F2B, s0  }
0xbe: {  	[sflag:s0] =	ssyncadd.remote.s32 $0x1  }
0xbf: {  	_ =	sfence.sel $0xFFFF  }
0xc0: {  	[dreg:$0x0] =	wrdreg $0xFFFFFFFF;
	(pc) =	sbr.abs _section_cstart, $3  }
0xc1: {  	[dreg:$0x1] =	wrdreg $0xFFFFFFFF  }
0xc2: {  	_ =	task.clear_ibuf [dreg:s7], $0x2FFFF;
	_ =	strace $0x9FFFFFFF  }
0xc3: {  	(tm) =	ssettm $0x7FFFFFFF  }
tec
execute0_lowered:
.L_overlay_start_1:
0x0: {  	(tag) =	ssettag $0x1  }
0x1: {  	s4 =	rddreg [dreg:$0x0]  }
0x2: {  	s6 =	rddreg [dreg:$0x1]  }
0x3: {  	s1 =	rddreg [dreg:$0x2];
	s12 =	stileid.u32  }
0x4: {  	s2 =	srdreg.scid;
	s0 =	rddreg [dreg:$0x3]  }
0x5: {  	s11 =	simm.s32 $0x8000;
	s14 =	simm.s32 $0x10000;
	s15 =	simm.s32 $0x800  }
0x6: {  	s16 =	simm.s32 $0x10800;
	s17 =	simm.s32 $0x0;
	s3 =	sshll.u32 s12, $0x9  }
0x7: {  	s5 =	sshll.u32 s12, $0x11;
	s7 =	sand.u32 $0x1, s2;
	s2 =	simm.s32 $0x0  }
0x8: {  	p0 =	sne.s32 s12, $0x0;
	s3 =	sor.u32 s5, s3;
	s30 =	sshll.u32 s7, $0x8  }
0x9: {  	[smem:$0x7FF] =	sst s2;
	s8 =	ssub.s32 $0x2, s7;
	s13 =	sor.u32 s7, s12  }
0xa: {  	s12 =	simm.s32 $0x2;
	s3 =	sand.u32 $0x1C0200, s3;
	_ =	strace $0x8000004A  }
0xb: {  	s10 =	sshrl.u32 s8, $0x1;
	s31 =	sadd.s32 s30, s6;
	p1 =	sne.s32 s13, $0x0  }
0xc: {  	s13 =	simm.s32 $0x1;
	s3 =	sor.u32 s30, s3;
	s8 =	ssub.s32 s8, s10  }
0xd: {  	s7 =	sadd.s32 $0x1400, s31;
	s10 =	simm.s32 $0x400;
	s9 =	sshrl.u32 s3, $0x3  }
0xe: {  	v0 =	vimm.s32 $0x0;
	v1 =	vlaneseq.u32;
	s3 =	sadd.s32 $0x1200, s6;
	s6 =	sadd.s32 $0x1600, s6;
	s4 =	sadd.s32 s4, s9  }
0xf: {  	v2 =	vimm.f32 $0.0e+00;
	vm0 =	vmxor vm0, vm0;
	v3 =	vimm.s32 $0x1;
	s8 =	smax.u32 s8, $0x1;
	s9 =	simm.s32 $0x80;
	s5 =	sadd.s32 $0x10, s4  }
.LBB2_1:
0x10: {  	[tilespmem:s2], [sflag:$0x1] =	stream.strided.gather [hbm4b:s4+s9], $0x8000, s10, s9, $0x38;
	[tilespmem:$0x12080] =	vst v63  }
0x11: {  	s18 =	simm.s32 $0x10040  }
0x12: {  	[tilespmem:s11], [sflag:$0x1] =	stream.strided.gather [hbm4b:s5+s9], $0x8000, s10, s9, $0x38;
	[tilespmem:$0x12080] =	vst v63  }
0x13: {  	[tilespmem:s18+$0xFFFFFFC0] =	vst v0  }
0x14: {  	[tilespmem:s18+$0x30] =	vst v0  }
0x15: {  	[tilespmem:s18+$0x10] =	vst v0  }
0x16: {  	[tilespmem:s18+$0xFFFFFFE0] =	vst v0  }
0x17: {  	[tilespmem:s18+$0x20] =	vst v0  }
0x18: {  	[tilespmem:s18+$0xFFFFFFF0] =	vst v0  }
0x19: {  	s19 =	simm.s32 $0x70;
	[tilespmem:s18+$0x0] =	vst v0  }
0x1a: {  	s20 =	simm.s32 $0x10840;
	s22 =	simm.s32 $0x50;
	v4 =	vor.u32 s19, v1;
	[tilespmem:s18+$0xFFFFFFD0] =	vst v0  }
0x1b: {  	s21 =	simm.s32 $0x60;
	v5 =	vor.u32 s22, v1;
	[tilespmem:s20+$0x30] =	vst v4  }
0x1c: {  	s29 =	simm.s32 $0x30;
	v4 =	vor.u32 s21, v1;
	[tilespmem:s20+$0x10] =	vst v5  }
0x1d: {  	s26 =	simm.s32 $0x20;
	v5 =	vor.u32 s29, v1;
	[tilespmem:s20+$0x20] =	vst v4  }
0x1e: {  	s30 =	simm.s32 $0x10;
	v4 =	vor.u32 s26, v1;
	[tilespmem:s20+$0xFFFFFFF0] =	vst v5  }
0x1f: {  	s28 =	simm.s32 $0x40;
	v5 =	vor.u32 s30, v1;
	[tilespmem:s20+$0xFFFFFFE0] =	vst v4  }
0x20: {  	s31 =	simm.s32 $0x0;
	v4 =	vor.u32 s28, v1;
	[tilespmem:s20+$0xFFFFFFD0] =	vst v5  }
0x21: {  	s22 =	simm.s32 $0x108C0;
	s21 =	simm.s32 $0x0;
	[tilespmem:s20+$0x0] =	vst v4;
	v4 =	vor.u32 s31, v1  }
.LBB2_2:
0x22: {  	s21 =	sadd.s32 $0x8, s21;
	[tilespmem:s20+$0xFFFFFFC0] =	vst v4;
	s19 =	sadd.s32 $0x80, s19;
	s18 =	sadd.s32 $0x80, s18  }
0x23: {  	s20 =	smov.u32 s22;
	[tilespmem:s18+$0xFFFFFFC0] =	vst v0;
	p2 =	slt.u32 s21, $0x78  }
0x24: {  	v4 =	vor.u32 s19, v1;
	[tilespmem:s18+$0x30] =	vst v0  }
0x25: {  	[tilespmem:s22+$0x30] =	vst v4  }
0x26: {  	[tilespmem:s18+$0x10] =	vst v0  }
0x27: {  	s23 =	sadd.s32 $0xFFFFFFF0, s19;
	[tilespmem:s18+$0xFFFFFFE0] =	vst v0  }
0x28: {  	s24 =	sadd.s32 $0xFFFFFFE0, s19;
	v4 =	vor.u32 s23, v1;
	[tilespmem:s18+$0x20] =	vst v0  }
0x29: {  	v5 =	vor.u32 s24, v1;
	s23 =	sadd.s32 $0xFFFFFFB0, s19;
	[tilespmem:s22+$0x20] =	vst v4  }
0x2a: {  	v4 =	vor.u32 s23, v1;
	[tilespmem:s22+$0x10] =	vst v5  }
0x2b: {  	[tilespmem:s22+$0xFFFFFFE0] =	vst v4  }
0x2c: {  	s23 =	sadd.s32 $0xFFFFFFD0, s19;
	[tilespmem:s18+$0xFFFFFFF0] =	vst v0  }
.Ltmp0:
0x2d: {  	s24 =	sadd.s32 $0xFFFFFFC0, s19;
	v4 =	vor.u32 s23, v1;
	[tilespmem:s18+$0x0] =	vst v0;
	(pc) =	sbr.rel @p2 .LBB2_2-.Ltmp0, $4  }
0x2e: {  	v5 =	vor.u32 s24, v1;
	[tilespmem:s22+$0x0] =	vst v4  }
0x2f: {  	s23 =	sadd.s32 $0xFFFFFFA0, s19;
	[tilespmem:s22+$0xFFFFFFF0] =	vst v5  }
0x30: {  	s24 =	sadd.s32 $0xFFFFFF90, s19;
	v5 =	vor.u32 s23, v1;
	[tilespmem:s18+$0xFFFFFFD0] =	vst v0  }
0x31: {  	v4 =	vor.u32 s24, v1;
	s22 =	sadd.s32 $0x80, s22;
	[tilespmem:s20+$0xFFFFFFD0] =	vst v5  }
0x32: {  	[tilespmem:s20+$0xFFFFFFC0] =	vst v4;
	s18 =	simm.s32 @!p0 $0x10000  }
0x33: {  	[spmem:s1] =	stream.linear.scatter @!p0 [tilespmem:s18], [sflag:$0x2], $0x800, $0x38;
	[tilespmem:$0x12080] =	vst v63  }
0x34: {  	s18 =	simm.s32 @!p0 $0x2  }
0x35: {  	_ =	swait.ge @!p0 [sflag:s18], $0x800  }
0x36: {  	[sflag:s18] =	ssyncset.done @!p0 $0x0  }
0x37: {  	[sflag:s18] =	ssyncadd.s32 @!p0 $0xFFFFF800  }
0x38: {  	s23 =	simm.s32 $0x0;
	s30 =	simm.s32 $0x11080;
	[bflag:$0x0] =	sbarrier.arrive $0xFFFF  }
0x39: {  	[tilespmem:s30], [sflag:$0x2] =	stream.linear.gather [hbm4b:s3+s23], $0x1000, $0x38;
	[tilespmem:$0x12080] =	vst v63  }
0x3a: {  	_ =	swait.ge [sflag:s12], $0x1000  }
0x3b: {  	[sflag:s12] =	ssyncset.done $0x0  }
0x3c: {  	[sflag:s12] =	ssyncadd.s32 $0xFFFFF000  }
0x3d: {  	s31 =	sand.u32 $0x7F0, s23;
	v4 =	vld [tilespmem:s30+$0x0]  }
0x3e: {  	v5 =	vld [tilespmem:s31+$0x11880];
	_ =	sdelay $0x4  }
0x3f: {  	s22 =	simm.s32 $0x10;
	s19 =	simm.s32 $0x11090;
	v5 =	vadd.s32 v4, v5  }
0x40: {  	s20 =	sand.u32 $0x7F0, s22;
	v6 =	vld [tilespmem:s19+$0x0];
	(xrf0) =	vadd.scan.msk.s32 $0xffff, v5  }
0x41: {  	v7 =	vld [tilespmem:s20+$0x11880];
	_ =	sdelay $0x4  }
0x42: {  	v4 =	vimm.s32 $0x0;
	v11 =	vadd.s32 v6, v7;
	v8, _, _ =	vpop (xrf0)  }
0x43: {  	s19 =	simm.s32 $0x20;
	(xrf0) =	vadd.scan.msk.s32 $0xffff, v11;
	v6 =	vadd.s32 v4, v8  }
0x44: {  	s24 =	sand.u32 $0x7F0, s19;
	vm1 =	vgt.s32 v6, $0xFFFFF  }
0x45: {  	s21 =	simm.s32 $0x110A0;
	v9 =	vld [tilespmem:s24+$0x11880];
	v7 =	vsel vm1, $0x3F800000, v2  }
0x46: {  	v6 =	vld [tilespmem:s21+$0x0];
	(xrf0) =	vmax.scan.msk.f32 $0xffff, v7  }
0x47: {  	v7 =	vbroadcast v8, $0xF;
	_ =	sdelay $0x1  }
0x48: {  	v8, _, _ =	vpop (xrf0);
	v10 =	vadd.s32 v4, v7  }
0x49: {  	v12 =	vadd.s32 v10, v8  }
0x4a: {  	s25 =	simm.s32 $0x110B0;
	s21 =	simm.s32 $0x30;
	v7 =	vadd.s32 v6, v9;
	vm2 =	vgt.s32 v12, $0xFFFFF  }
0x4b: {  	s26 =	sand.u32 $0x7F0, s21;
	(xrf0) =	vadd.scan.msk.s32 $0xffff, v7;
	v12 =	vld [tilespmem:s25+$0x0];
	v9 =	vsel vm2, $0x3F800000, v2;
	v6, _, _ =	vpop (xrf0)  }
0x4c: {  	(xrf0) =	vmax.scan.msk.f32 $0xffff, v9;
	(v2sf) =	vpush v6, $0xF;
	v6 =	vld [tilespmem:s26+$0x11880];
	_ =	sdelay $0x2  }
0x4d: {  	v8 =	vbroadcast v8, $0xF;
	_ =	sdelay $0x1  }
0x4e: {  	v10 =	vadd.s32 v10, v8;
	v9, _, _ =	vpop (xrf0);
	v8 =	vadd.s32 v12, v6  }
0x4f: {  	s20 =	simm.s32 $0x40;
	v12, _, _ =	vpop (xrf0);
	(xrf0) =	vadd.scan.msk.s32 $0xffff, v8  }
0x50: {  	s29 =	sand.u32 $0x7F0, s20;
	v6 =	vadd.s32 v10, v9  }
0x51: {  	s28 =	simm.s32 $0x110C0;
	v13 =	vld [tilespmem:s29+$0x11880];
	vm3 =	vgt.s32 v6, $0xFFFFF;
	(v2sf) =	vpush v12, $0xF  }
0x52: {  	v6 =	vld [tilespmem:s28+$0x0];
	v12 =	vsel vm3, $0x3F800000, v2  }
0x53: {  	v9 =	vbroadcast v9, $0xF;
	(xrf0) =	vmax.scan.msk.f32 $0xffff, v12;
	_ =	sdelay $0x1  }
0x54: {  	v9 =	vadd.s32 v10, v9;
	v12, _, _ =	vpop (xrf0)  }
0x55: {  	vm1 =	vmmov vm1;
	v10 =	vadd.s32 v9, v12  }
0x56: {  	s18 =	simm.s32 $0x50;
	vm1 =	vmmov vm1;
	v6 =	vadd.s32 v6, v13  }
0x57: {  	v16 =	vimm.s32 $0xFFFFFFFF;
	s30 =	sand.u32 $0x7F0, s18;
	vm1 =	vmmov vm1;
	vm2 =	vmmov vm2;
	(xrf0) =	vadd.scan.msk.s32 $0xffff, v6  }
0x58: {  	v15 =	vld [tilespmem:s30+$0x11880];
	s24 =	simm.s32 $0x110D0;
	vm2 =	vmmov vm2;
	v12 =	vbroadcast v12, $0xF;
	vm4 =	vgt.s32 v10, $0xFFFFF;
	s25 =	spop (v2sf);
	v10, _, _ =	vpop (xrf0)  }
0x59: {  	v13 =	vld [tilespmem:s24+$0x0];
	v14 =	vsel vm4, $0x3F800000, v2;
	p2 =	sgt.f32 s25, $0.0e+00;
	(v2sf) =	vpush v10, $0xF;
	v10 =	vmctz.xlane vm1  }
0x5a: {  	vm5 =	vlt.s32 v16, $0x0;
	vm2 =	vmmov vm2;
	v12 =	vadd.s32 v9, v12;
	(xrf0) =	vmax.scan.msk.f32 $0xffff, v14  }
0x5b: {  	vm4 =	vmmov vm4;
	vm1 =	vmmov vm3;
	v10 =	vpsel !p2, $0x10, v10  }
0x5c: {  	vm3 =	vmmov vm1;
	vm1 =	vmmov vm0;
	vm6 =	vgt.s32 v10, v1  }
0x5d: {  	v14, _, _ =	vpop (xrf0);
	vm1 =	vmneg @p2 vm1;
	v10 =	vadd.s32 s23, v10;
	v9 =	vnsel vm6, $0x0, v5  }
0x5e: {  	vm1 =	vmand vm5, vm1;
	v5 =	vadd.s32 v13, v15;
	v13 =	vadd.s32 v12, v14;
	(xrf0) =	vadd.scan.msk.s32 $0xffff, v9  }
0x5f: {  	s31 =	spop (v2sf);
	v15 =	vmctz.xlane vm2;
	v9 =	vsel vm1, v10, v16;
	vm6 =	vgt.s32 v13, $0xFFFFF  }
0x60: {  	vm1 =	vmmov vm5;
	p2 =	sgt.f32 s31, $0.0e+00;
	vm5 =	vmmov vm3;
	vm3 =	vmmov vm4;
	v10, _, _ =	vpop (xrf0)  }
0x61: {  	vm4 =	vmmov vm0;
	v16 =	vbroadcast v14, $0xF;
	(xrf0) =	vadd.scan.msk.s32 $0xffff, v5;
	(v2sf) =	vpush v10, $0xF  }
0x62: {  	s24 =	simm.s32 $0x60;
	s25 =	simm.s32 $0x110E0;
	vm2 =	vlt.s32 v9, $0x0;
	v15 =	vpsel !p2, $0x10, v15;
	vm4 =	vmneg @p2 vm4  }
0x63: {  	s26 =	sand.u32 $0x7F0, s24;
	v13 =	vsel vm6, $0x3F800000, v2;
	v10 =	vld [tilespmem:s25+$0x0];
	vm4 =	vmand vm2, vm4;
	v14 =	vadd.s32 s22, v15  }
0x64: {  	v9 =	vsel vm4, v14, v9;
	v14 =	vld [tilespmem:s26+$0x11880];
	v17, _, _ =	vpop (xrf0);
	(xrf0) =	vmax.scan.msk.f32 $0xffff, v13;
	_ =	sdelay $0x1  }
0x65: {  	v12 =	vadd.s32 v12, v16;
	vm7 =	vgt.s32 v15, v1  }
0x66: {  	s23 =	simm.s32 $0x70;
	s22 =	simm.s32 $0x80;
	vm4 =	vmmov vm6;
	s26 =	simm.s32 $0x90;
	v15 =	vnsel vm7, $0x0, v11;
	v13, _, _ =	vpop (xrf0);
	v11 =	vbroadcast v17, $0xF  }
.LBB2_4:
0x67: {  	v16 =	vadd.s32 v12, v13;
	(xrf0) =	vadd.scan.msk.s32 $0xffff, v15;
	v15 =	vmov v7  }
0x68: {  	p2 =	sne.s32 s26, $0x7F0;
	v7 =	vmovc v8;
	v8 =	vmovc v6;
	v6 =	vmov v5;
	v5 =	vadd.s32 v10, v14;
	v17 =	vmctz.xlane vm5  }
0x69: {  	s25 =	sadd.s32 $0x10, s25;
	(xrf0) =	vadd.scan.msk.s32 $0xffff, v5;
	vm6 =	vgt.s32 v16, $0xFFFFF;
	v14, _, _ =	vpop (xrf0);
	s28 =	spop (v2sf);
	v11 =	vnsel vm1, $0x0, v11;
	vm1 =	vmmov vm2  }
0x6a: {  	s29 =	sand.u32 $0x7F0, s23;
	vm5 =	vmmov vm3;
	v10 =	vld [tilespmem:s25+$0x0];
	v16 =	vsel vm6, $0x3F800000, v2;
	(v2sf) =	vpush v14, $0xF;
	p3 =	sgt.f32 s28, $0.0e+00  }
.Ltmp1:
0x6b: {  	vm3 =	vmmov vm4;
	vm4 =	vmmov vm0;
	v4 =	vadd.s32 v4, v11;
	v14 =	vld [tilespmem:s29+$0x11880];
	(xrf0) =	vmax.scan.msk.f32 $0xffff, v16;
	(pc) =	sbr.rel @p2 .LBB2_4-.Ltmp1, $4  }
0x6c: {  	vm2 =	vlt.s32 v9, $0x0;
	v17 =	vpsel !p3, $0x10, v17;
	vm4 =	vmneg @p3 vm4  }
0x6d: {  	v16 =	vbroadcast v13, $0xF;
	vm4 =	vmand vm2, vm4;
	v18 =	vadd.s32 s19, v17;
	s19 =	smov.u32 s21;
	s21 =	smov.u32 s20;
	s20 =	smov.u32 s18  }
0x6e: {  	vm7 =	vgt.s32 v17, v1;
	s18 =	smov.u32 s24;
	s24 =	smov.u32 s23;
	s23 =	smov.u32 s22;
	v9 =	vsel vm4, v18, v9;
	v11, _, _ =	vpop (xrf0);
	vm4 =	vmmov vm6  }
0x6f: {  	v12 =	vadd.s32 v12, v16;
	s22 =	smov.u32 s26;
	s26 =	sadd.s32 $0x10, s26;
	v15 =	vnsel vm7, $0x0, v15;
	v13, _, _ =	vpop (xrf0);
	v11 =	vbroadcast v11, $0xF  }
0x70: {  	_ =	sdelay $0x2  }
0x71: {  	v10 =	vadd.s32 v10, v14;
	(xrf0) =	vadd.scan.msk.s32 $0xffff, v15;
	v14, _, _ =	vpop (xrf0)  }
0x72: {  	(xrf0) =	vadd.scan.msk.s32 $0xffff, v10;
	(v2sf) =	vpush v14, $0xF  }
0x73: {  	s28 =	sand.u32 $0x7F0, s23  }
0x74: {  	s25 =	sadd.s32 $0x10, s25;
	s26 =	spop (v2sf);
	v17 =	vld [tilespmem:s28+$0x11880]  }
0x75: {  	v15 =	vadd.s32 v12, v13;
	v16 =	vmctz.xlane vm5;
	p2 =	sgt.f32 s26, $0.0e+00;
	v14 =	vld [tilespmem:s25+$0x0]  }
0x76: {  	v13 =	vbroadcast v13, $0xF;
	s30 =	sand.u32 $0x7F0, s22;
	vm5 =	vgt.s32 v15, $0xFFFFF  }
0x77: {  	vm3 =	vmmov vm3;
	v21 =	vld [tilespmem:s30+$0x11880];
	s25 =	sadd.s32 $0x10, s25;
	v15 =	vsel vm5, $0x3F800000, v2;
	v16 =	vpsel !p2, $0x10, v16;
	v18, _, _ =	vpop (xrf0);
	s29 =	spop (v2sf)  }
0x78: {  	v12 =	vadd.s32 v12, v13;
	v13 =	vmctz.xlane vm3;
	v19 =	vld [tilespmem:s25+$0x0];
	vm6 =	vgt.s32 v16, v1;
	v20, _, _ =	vpop (xrf0);
	p4 =	sgt.f32 s29, $0.0e+00  }
0x79: {  	(xrf0) =	vmax.scan.msk.f32 $0xffff, v15;
	v7 =	vnsel vm6, $0x0, v7;
	v15 =	vadd.s32 v12, v20  }
0x7a: {  	(xrf0) =	vadd.scan.msk.s32 $0xffff, v7;
	v14 =	vadd.s32 v14, v17;
	vm3 =	vgt.s32 v15, $0xFFFFF;
	v7 =	vpsel !p4, $0x10, v13  }
0x7b: {  	(xrf0) =	vadd.scan.msk.s32 $0xffff, v14;
	v13 =	vsel vm3, $0x3F800000, v2;
	vm6 =	vgt.s32 v7, v1  }
0x7c: {  	(xrf0) =	vmax.scan.msk.f32 $0xffff, v13;
	v8 =	vnsel vm6, $0x0, v8  }
0x7d: {  	v13 =	vadd.s32 v19, v21;
	(xrf0) =	vadd.scan.msk.s32 $0xffff, v8  }
0x7e: {  	vm4 =	vmmov vm4;
	v17 =	vbroadcast v20, $0xF;
	(xrf0) =	vadd.scan.msk.s32 $0xffff, v13  }
0x7f: {  	vm4 =	vmmov vm4;
	v8, _, _ =	vpop (xrf0)  }
0x80: {  	v20 =	vmctz.xlane vm4;
	v15, _, _ =	vpop (xrf0)  }
0x81: {  	s31 =	spop (v2sf);
	v19, _, _ =	vpop (xrf0)  }
0x82: {  	v12 =	vadd.s32 v12, v17;
	p3 =	sgt.f32 s31, $0.0e+00;
	v17, _, _ =	vpop (xrf0);
	v21 =	vbroadcast v19, $0xF  }
0x83: {  	v19 =	vadd.s32 v12, v19;
	v22, _, _ =	vpop (xrf0)  }
0x84: {  	vm6 =	vgt.s32 v19, $0xFFFFF;
	v19 =	vpsel !p3, $0x10, v20;
	v20, _, _ =	vpop (xrf0);
	v12 =	vadd.s32 v12, v21  }
0x85: {  	v21 =	vsel vm6, $0x3F800000, v2;
	vm4 =	vgt.s32 v19, v1;
	v12 =	vadd.s32 v12, v20  }
0x86: {  	(v2sf) =	vpush v8, $0xF;
	(xrf0) =	vmax.scan.msk.f32 $0xffff, v21;
	v6 =	vnsel vm4, $0x0, v6;
	vm4 =	vgt.s32 v12, $0xFFFFF  }
0x87: {  	(xrf0) =	vadd.scan.msk.s32 $0xffff, v6;
	v6 =	vsel vm4, $0x3F800000, v2  }
0x88: {  	(xrf0) =	vmax.scan.msk.f32 $0xffff, v6  }
0x89: {  	(v2sf) =	vpush v17, $0xF  }
0x8a: {  	vm5 =	vmmov vm5  }
0x8b: {  	vm7 =	vmmov vm0;
	vm8 =	vmmov vm0;
	vm5 =	vmmov vm5  }
0x8c: {  	vm7 =	vmneg @p2 vm7;
	vm5 =	vmmov vm5;
	vm3 =	vmmov vm3;
	v6, _, _ =	vpop (xrf0)  }
0x8d: {  	vm8 =	vmneg @p4 vm8;
	vm3 =	vmmov vm3;
	(v2sf) =	vpush v6, $0xF;
	v6, _, _ =	vpop (xrf0)  }
0x8e: {  	v7 =	vadd.s32 s21, v7;
	vm3 =	vmmov vm3;
	v8 =	vnsel vm1, $0x0, v11;
	v11, _, _ =	vpop (xrf0)  }
0x8f: {  	vm1 =	vmmov vm2;
	vm2 =	vlt.s32 v9, $0x0;
	(v2sf) =	vpush v11, $0xF  }
0x90: {  	vm7 =	vmand vm2, vm7;
	v4 =	vadd.s32 v4, v8;
	v12 =	vbroadcast v18, $0xF  }
0x91: {  	vm4 =	vmmov vm4;
	v6 =	vbroadcast v6, $0xF;
	v11 =	vadd.s32 s19, v16  }
0x92: {  	v8 =	vsel vm7, v11, v9;
	v9 =	vnsel vm1, $0x0, v12;
	vm1 =	vmmov vm2  }
0x93: {  	v11 =	vbroadcast v15, $0xF;
	v12 =	vmctz.xlane vm3;
	vm2 =	vlt.s32 v8, $0x0  }
0x94: {  	v4 =	vadd.s32 v4, v9;
	v9 =	vadd.s32 s20, v19;
	vm7 =	vmand vm2, vm8  }
0x95: {  	s26 =	spop (v2sf);
	vm2 =	vmmov vm2;
	v7 =	vsel vm7, v7, v8;
	v8 =	vnsel vm1, $0x0, v11  }
0x96: {  	p2 =	sgt.f32 s26, $0.0e+00;
	vm7 =	vmmov vm0;
	v11 =	vmctz.xlane vm5;
	vm5 =	vmmov vm6  }
0x97: {  	vm6 =	vmmov vm0;
	vm1 =	vlt.s32 v7, $0x0;
	vm7 =	vmneg @p3 vm7  }
0x98: {  	s28 =	spop (v2sf);
	vm6 =	vmneg @p2 vm6;
	vm3 =	vmmov vm5;
	vm5 =	vmmov vm4  }
0x99: {  	vm4 =	vmmov vm0;
	v4 =	vadd.s32 v4, v8;
	v11 =	vpsel !p2, $0x10, v11;
	p2 =	sgt.f32 s28, $0.0e+00  }
0x9a: {  	vm7 =	vmand vm1, vm7;
	vm3 =	vmmov vm3;
	vm5 =	vmmov vm5  }
0x9b: {  	v7 =	vsel vm7, v9, v7;
	vm7 =	vgt.s32 v11, v1;
	v12 =	vpsel !p2, $0x10, v12  }
0x9c: {  	vm1 =	vmmov vm1;
	v5 =	vnsel vm7, $0x0, v5;
	vm7 =	vgt.s32 v12, v1;
	s29 =	spop (v2sf)  }
0x9d: {  	v15 =	vmctz.xlane vm3;
	vm4 =	vmneg @p2 vm4;
	(xrf0) =	vadd.scan.msk.s32 $0xffff, v5;
	v5 =	vnsel vm7, $0x0, v10;
	p2 =	sgt.f32 s29, $0.0e+00  }
0x9e: {  	v9 =	vbroadcast v22, $0xF;
	vm3 =	vmmov vm0;
	vm8 =	vlt.s32 v7, $0x0;
	(xrf0) =	vadd.scan.msk.s32 $0xffff, v5;
	s30 =	spop (v2sf)  }
0x9f: {  	v10 =	vpsel !p2, $0x10, v15;
	vm3 =	vmneg @p2 vm3;
	v15 =	vmctz.xlane vm5;
	p2 =	sgt.f32 s30, $0.0e+00  }
0xa0: {  	v6 =	vnsel vm1, $0x0, v6;
	v8 =	vnsel vm2, $0x0, v9;
	vm2 =	vmand vm8, vm6  }
0xa1: {  	v5 =	vadd.s32 s18, v11;
	vm5 =	vgt.s32 v10, v1;
	v9 =	vpsel !p2, $0x10, v15  }
0xa2: {  	v5 =	vsel vm2, v5, v7;
	v11 =	vnsel vm5, $0x0, v14;
	vm5 =	vgt.s32 v9, v1  }
0xa3: {  	v4 =	vadd.s32 v4, v8;
	vm1 =	vlt.s32 v5, $0x0;
	v8, _, _ =	vpop (xrf0);
	(xrf0) =	vadd.scan.msk.s32 $0xffff, v11;
	v7 =	vnsel vm5, $0x0, v13  }
0xa4: {  	v4 =	vadd.s32 v4, v6;
	vm2 =	vmand vm1, vm4;
	v8 =	vbroadcast v8, $0xF;
	v6, _, _ =	vpop (xrf0);
	(xrf0) =	vadd.scan.msk.s32 $0xffff, v7  }
0xa5: {  	vm4 =	vmmov vm8;
	v6 =	vbroadcast v6, $0xF;
	v7 =	vadd.s32 s24, v12  }
0xa6: {  	vm1 =	vmmov vm1;
	v5 =	vsel vm2, v7, v5;
	v7 =	vnsel vm4, $0x0, v8  }
0xa7: {  	v6 =	vnsel vm1, $0x0, v6  }
0xa8: {  	v8 =	vadd.s32 s23, v10;
	vm2 =	vlt.s32 v5, $0x0;
	v4 =	vadd.s32 v4, v7  }
0xa9: {  	vm3 =	vmand vm2, vm3;
	vm1 =	vmmov vm2;
	v4 =	vadd.s32 v4, v6;
	v7, _, _ =	vpop (xrf0)  }
0xaa: {  	vm2 =	vmmov vm0;
	v5 =	vsel vm3, v8, v5;
	v6 =	vbroadcast v7, $0xF;
	v7, _, _ =	vpop (xrf0)  }
0xab: {  	vm2 =	vmneg @p2 vm2;
	vm3 =	vlt.s32 v5, $0x0;
	v7 =	vbroadcast v7, $0xF  }
0xac: {  	v8 =	vadd.s32 s22, v9;
	v6 =	vnsel vm1, $0x0, v6;
	vm1 =	vmmov vm3  }
0xad: {  	vm2 =	vmand vm3, vm2;
	v6 =	vadd.s32 v4, v6;
	v7 =	vnsel vm1, $0x0, v7  }
0xae: {  	v4 =	vsel vm2, v8, v5;
	v5 =	vadd.s32 v6, v7  }
0xaf: {  	[tilespmem:$0x11080] =	vst @!p1 v4;
	v5 =	vsub.s32 @!p1 $0xFFFFF, v5  }
0xb0: {  	s19 =	simm.s32 @!p1 $0x11080;
	s18 =	simm.s32 @!p1 $0x0;
	[tilespmem:$0x11090] =	vst @!p1 v5  }
0xb1: {  	[hbm4b:s6+s18] =	stream.linear.scatter @!p1 [tilespmem:s19], [sflag:$0x2], $0x20, $0x38;
	[tilespmem:$0x12080] =	vst v63  }
0xb2: {  	s18 =	simm.s32 @!p1 $0x2  }
0xb3: {  	_ =	swait.ge @!p1 [sflag:s18], $0x20  }
0xb4: {  	[sflag:s18] =	ssyncset.done @!p1 $0x0  }
0xb5: {  	[sflag:s18] =	ssyncadd.s32 @!p1 $0xFFFFFFE0  }
0xb6: {  	_ =	swait.ge [sflag:s13], $0x8000  }
0xb7: {  	[sflag:s13] =	ssyncset.done $0x0  }
0xb8: {  	[sflag:s13] =	ssyncadd.s32 $0xFFFF8000  }
0xb9: {  	_ =	swait.ge [sflag:s13], $0x8000  }
0xba: {  	[sflag:s13] =	ssyncset.done $0x0  }
0xbb: {  	s31 =	simm.s32 $0x80;
	[sflag:s13] =	ssyncadd.s32 $0xFFFF8000  }
0xbc: {  	v5 =	vld [tilespmem:s31+$0x70]  }
0xbd: {  	v6 =	vld [tilespmem:s31+$0xFFFFFF90]  }
0xbe: {  	v7 =	vld [tilespmem:s31+$0xFFFFFFA0]  }
0xbf: {  	v9 =	vld [tilespmem:s31+$0xFFFFFFC0]  }
0xc0: {  	v8 =	vld [tilespmem:s31+$0xFFFFFFB0];
	_ =	sdelay $0x2  }
0xc1: {  	v10 =	vld [tilespmem:s31+$0xFFFFFFD0];
	v11 =	vshra.s32 v5, $0x1F;
	v12 =	vshra.s32 v6, $0x1F;
	v14 =	vshra.s32 v7, $0x1F  }
0xc2: {  	v13 =	vld [tilespmem:s31+$0xFFFFFFE0];
	v18 =	vshra.s32 v9, $0x1F;
	v11 =	vor.u32 $0x80000000, v11;
	v12 =	vor.u32 $0x80000000, v12  }
0xc3: {  	v5 =	vxor.u32 v5, v11;
	v11 =	vor.u32 $0x80000000, v14;
	v14 =	vshra.s32 v8, $0x1F  }
0xc4: {  	v15 =	vld [tilespmem:s31+$0xFFFFFFF0];
	v6 =	vxor.u32 v6, v12;
	v17 =	vshrl.u32 v5, $0x15;
	v5 =	vshrl.u32 v5, $0xA  }
0xc5: {  	v14 =	vor.u32 $0x80000000, v14;
	v7 =	vxor.u32 v7, v11;
	v63 =	vshrl.u32 v6, $0x15  }
0xc6: {  	v16 =	vld [tilespmem:s31+$0x0];
	vm1 =	veq.s32 v17, v4;
	v17 =	vshra.s32 v10, $0x1F;
	v21 =	vand.u32 $0x7FF, v5  }
0xc7: {  	v5 =	vor.u32 $0x80000000, v18;
	v18 =	vshra.s32 v13, $0x1F;
	v8 =	vxor.u32 v8, v14  }
0xc8: {  	v19 =	vld [tilespmem:s31+$0x10];
	v29 =	vshrl.u32 v7, $0x15;
	vm14 =	veq.s32 v63, v4;
	v17 =	vor.u32 $0x80000000, v17  }
0xc9: {  	v20 =	vld [tilespmem:s31+$0x20];
	v12 =	vor.u32 $0x80000000, v18;
	v18 =	vshra.s32 v15, $0x1F;
	v5 =	vxor.u32 v9, v5  }
0xca: {  	v25 =	vld [tilespmem:s31+$0x60];
	v31 =	vshrl.u32 v8, $0x15;
	vm13 =	veq.s32 v29, v4;
	v11 =	vor.u32 $0x80000000, v18  }
0xcb: {  	v18 =	vshra.s32 v16, $0x1F;
	v10 =	vxor.u32 v10, v17;
	v12 =	vxor.u32 v13, v12  }
0xcc: {  	v22 =	vld [tilespmem:s31+$0x30];
	v32 =	vshrl.u32 v5, $0x15;
	vm12 =	veq.s32 v31, v4;
	v14 =	vor.u32 $0x80000000, v18  }
0xcd: {  	v18 =	vshra.s32 v19, $0x1F;
	v11 =	vxor.u32 v15, v11;
	v33 =	vshrl.u32 v10, $0x15  }
0xce: {  	v23 =	vld [tilespmem:s31+$0x40];
	v34 =	vshrl.u32 v12, $0x15;
	vm11 =	veq.s32 v32, v4;
	v9 =	vor.u32 $0x80000000, v18  }
0xcf: {  	v26 =	vld [tilespmem:s31+$0xFFFFFF80];
	v18 =	vshra.s32 v20, $0x1F;
	v27 =	vxor.u32 v16, v14;
	v16 =	vshra.s32 v25, $0x1F  }
0xd0: {  	v35 =	vshrl.u32 v11, $0x15;
	vm9 =	veq.s32 v33, v4;
	vm8 =	veq.s32 v34, v4  }
0xd1: {  	v24 =	vld [tilespmem:s31+$0x50];
	v17 =	vor.u32 $0x80000000, v18;
	v18 =	vshra.s32 v22, $0x1F;
	v9 =	vxor.u32 v19, v9  }
0xd2: {  	v16 =	vor.u32 $0x80000000, v16;
	v36 =	vshrl.u32 v27, $0x15;
	v19 =	vshrl.u32 v5, $0xA  }
0xd3: {  	vm7 =	veq.s32 v35, v4;
	v13 =	vor.u32 $0x80000000, v18;
	v18 =	vshra.s32 v23, $0x1F  }
0xd4: {  	v28 =	vxor.u32 v20, v17;
	v17 =	vshra.s32 v26, $0x1F;
	v25 =	vxor.u32 v25, v16  }
0xd5: {  	v37 =	vshrl.u32 v9, $0x15;
	v16 =	vshrl.u32 v6, $0xA;
	v20 =	vshrl.u32 v10, $0xA  }
0xd6: {  	vm6 =	veq.s32 v36, v4;
	v15 =	vor.u32 $0x80000000, v18;
	v18 =	vshra.s32 v24, $0x1F  }
0xd7: {  	v22 =	vxor.u32 v22, v13;
	v13 =	vor.u32 $0x80000000, v17;
	v38 =	vshrl.u32 v28, $0x15  }
0xd8: {  	v6 =	vshrl.u32 v25, $0x15;
	v17 =	vshrl.u32 v7, $0xA;
	v10 =	vshrl.u32 v28, $0xA  }
0xd9: {  	vm5 =	veq.s32 v37, v4;
	v14 =	vor.u32 $0x80000000, v18;
	v23 =	vxor.u32 v23, v15  }
0xda: {  	v13 =	vxor.u32 v26, v13;
	v39 =	vshrl.u32 v22, $0x15;
	v18 =	vshrl.u32 v8, $0xA  }
0xdb: {  	v8 =	vshrl.u32 v25, $0xA;
	vm4 =	veq.s32 v38, v4;
	v24 =	vxor.u32 v24, v14  }
0xdc: {  	v30 =	vshrl.u32 v13, $0x15;
	v40 =	vshrl.u32 v23, $0x15;
	v15 =	vshrl.u32 v13, $0xA  }
0xdd: {  	v14 =	vshrl.u32 v12, $0xA;
	v13 =	vshrl.u32 v11, $0xA;
	v12 =	vshrl.u32 v27, $0xA  }
0xde: {  	v11 =	vshrl.u32 v9, $0xA;
	v9 =	vshrl.u32 v22, $0xA;
	v7 =	vshrl.u32 v23, $0xA  }
0xdf: {  	[tilespmem:v21+s14+$0x0] =	vst.idx.add.s32.msk vm1, v3;
	vm3 =	veq.s32 v39, v4;
	v41 =	vshrl.u32 v24, $0x15;
	v5 =	vshrl.u32 v24, $0xA  }
0xe0: {  	s19 =	simm.s32 $0x180;
	s18 =	simm.s32 $0x0;
	vm15 =	veq.s32 v30, v4;
	vm2 =	veq.s32 v40, v4;
	vm1 =	veq.s32 v41, v4  }
.LBB2_6:
0xe1: {  	v21 =	vld [tilespmem:s19+$0x70];
	s18 =	sadd.s32 $0x10, s18;
	v15 =	vand.u32 $0x7FF, v15;
	v16 =	vand.u32 $0x7FF, v16;
	vm10 =	veq.s32 v6, v4  }
0xe2: {  	v17 =	vand.u32 $0x7FF, v17;
	v18 =	vand.u32 $0x7FF, v18;
	v19 =	vand.u32 $0x7FF, v19;
	v6 =	vld [tilespmem:s19+$0xFFFFFF90];
	p2 =	slt.u32 s18, $0xFF0  }
0xe3: {  	v20 =	vand.u32 $0x7FF, v20;
	v14 =	vand.u32 $0x7FF, v14;
	v13 =	vand.u32 $0x7FF, v13;
	v22 =	vld [tilespmem:s19+$0xFFFFFFA0]  }
0xe4: {  	v12 =	vand.u32 $0x7FF, v12;
	v11 =	vand.u32 $0x7FF, v11;
	v10 =	vand.u32 $0x7FF, v10;
	v23 =	vld [tilespmem:s19+$0xFFFFFFB0]  }
0xe5: {  	v9 =	vand.u32 $0x7FF, v9;
	v7 =	vand.u32 $0x7FF, v7;
	v25 =	vand.u32 $0x7FF, v5;
	v24 =	vld [tilespmem:s19+$0xFFFFFFC0]  }
0xe6: {  	v5 =	vand.u32 $0x7FF, v8;
	v26 =	vld [tilespmem:s19+$0xFFFFFFD0];
	v27 =	vshra.s32 v21, $0x1F  }
0xe7: {  	v8 =	vshra.s32 v6, $0x1F;
	v28 =	vld [tilespmem:s19+$0xFFFFFFE0];
	v27 =	vor.u32 $0x80000000, v27  }
0xe8: {  	v8 =	vor.u32 $0x80000000, v8;
	v29 =	vshra.s32 v22, $0x1F;
	v30 =	vld [tilespmem:s19+$0xFFFFFFF0];
	v21 =	vxor.u32 v21, v27  }
0xe9: {  	v27 =	vor.u32 $0x80000000, v29;
	v29 =	vshra.s32 v23, $0x1F;
	v31 =	vld [tilespmem:s19+$0x0];
	v32 =	vshrl.u32 v21, $0x15  }
0xea: {  	v21 =	vshrl.u32 v21, $0xA;
	v33 =	vshra.s32 v24, $0x1F;
	v34 =	vld [tilespmem:s19+$0x10];
	vm0 =	veq.s32 v32, v4  }
0xeb: {  	v29 =	vor.u32 $0x80000000, v29;
	v21 =	vand.u32 $0x7FF, v21;
	v32 =	vshra.s32 v26, $0x1F;
	v35 =	vld [tilespmem:s19+$0x20]  }
0xec: {  	v33 =	vor.u32 $0x80000000, v33;
	v32 =	vor.u32 $0x80000000, v32;
	v36 =	vshra.s32 v28, $0x1F;
	v37 =	vld [tilespmem:s19+$0x30]  }
0xed: {  	v6 =	vxor.u32 v6, v8;
	v8 =	vor.u32 $0x80000000, v36;
	v36 =	vshra.s32 v30, $0x1F;
	v38 =	vld [tilespmem:s19+$0x40]  }
0xee: {  	v22 =	vxor.u32 v22, v27;
	v27 =	vor.u32 $0x80000000, v36;
	v36 =	vshra.s32 v31, $0x1F;
	v39 =	vld [tilespmem:s19+$0x50]  }
0xef: {  	v23 =	vxor.u32 v23, v29;
	v29 =	vor.u32 $0x80000000, v36;
	v36 =	vshra.s32 v34, $0x1F;
	v40 =	vld [tilespmem:s19+$0x60]  }
0xf0: {  	v24 =	vxor.u32 v24, v33;
	v33 =	vor.u32 $0x80000000, v36;
	v36 =	vshra.s32 v35, $0x1F;
	[tilespmem:v21+s14+$0x0] =	vst.idx.add.s32.msk vm0, v3  }
0xf1: {  	v26 =	vxor.u32 v26, v32;
	v21 =	vld [tilespmem:s19+$0xFFFFFF80];
	v32 =	vor.u32 $0x80000000, v36;
	v36 =	vshra.s32 v37, $0x1F  }
0xf2: {  	v8 =	vxor.u32 v28, v8;
	v28 =	vor.u32 $0x80000000, v36;
	v36 =	vshra.s32 v38, $0x1F;
	[tilespmem:v15+s14+$0x0] =	vst.idx.add.s32.msk vm15, v3  }
0xf3: {  	v27 =	vxor.u32 v30, v27;
	v15 =	vor.u32 $0x80000000, v36;
	v30 =	vshra.s32 v39, $0x1F;
	[tilespmem:v16+s14+$0x0] =	vst.idx.add.s32.msk vm14, v3  }
0xf4: {  	v29 =	vxor.u32 v31, v29;
	v16 =	vor.u32 $0x80000000, v30;
	v30 =	vshra.s32 v40, $0x1F;
	[tilespmem:v17+s14+$0x0] =	vst.idx.add.s32.msk vm13, v3  }
0xf5: {  	v31 =	vxor.u32 v34, v33;
	v32 =	vxor.u32 v35, v32;
	v17 =	vor.u32 $0x80000000, v30;
	[tilespmem:v18+s14+$0x0] =	vst.idx.add.s32.msk vm12, v3  }
0xf6: {  	v28 =	vxor.u32 v37, v28;
	v30 =	vxor.u32 v38, v15;
	v18 =	vshra.s32 v21, $0x1F;
	[tilespmem:v19+s14+$0x0] =	vst.idx.add.s32.msk vm11, v3  }
0xf7: {  	v33 =	vxor.u32 v39, v16;
	v34 =	vxor.u32 v40, v17;
	v15 =	vor.u32 $0x80000000, v18;
	[tilespmem:v20+s14+$0x0] =	vst.idx.add.s32.msk vm9, v3  }
0xf8: {  	v35 =	vshrl.u32 v22, $0x15;
	v15 =	vxor.u32 v21, v15;
	v21 =	vshrl.u32 v6, $0x15;
	[tilespmem:v14+s14+$0x0] =	vst.idx.add.s32.msk vm8, v3  }
0xf9: {  	v37 =	vshrl.u32 v23, $0x15;
	v38 =	vshrl.u32 v24, $0x15;
	v36 =	vshrl.u32 v15, $0x15;
	[tilespmem:v13+s14+$0x0] =	vst.idx.add.s32.msk vm7, v3  }
0xfa: {  	v41 =	vshrl.u32 v27, $0x15;
	v39 =	vshrl.u32 v26, $0x15;
	v40 =	vshrl.u32 v8, $0x15;
	[tilespmem:v12+s14+$0x0] =	vst.idx.add.s32.msk vm6, v3  }
0xfb: {  	v42 =	vshrl.u32 v29, $0x15;
	v43 =	vshrl.u32 v31, $0x15;
	v44 =	vshrl.u32 v32, $0x15;
	[tilespmem:v11+s14+$0x0] =	vst.idx.add.s32.msk vm5, v3  }
0xfc: {  	v45 =	vshrl.u32 v28, $0x15;
	v46 =	vshrl.u32 v30, $0x15;
	v47 =	vshrl.u32 v33, $0x15;
	[tilespmem:v10+s14+$0x0] =	vst.idx.add.s32.msk vm4, v3  }
0xfd: {  	v16 =	vshrl.u32 v6, $0xA;
	v6 =	vshrl.u32 v34, $0x15;
	v15 =	vshrl.u32 v15, $0xA;
	[tilespmem:v9+s14+$0x0] =	vst.idx.add.s32.msk vm3, v3  }
0xfe: {  	v17 =	vshrl.u32 v22, $0xA;
	v19 =	vshrl.u32 v24, $0xA;
	v18 =	vshrl.u32 v23, $0xA;
	[tilespmem:v7+s14+$0x0] =	vst.idx.add.s32.msk vm2, v3  }
0xff: {  	v20 =	vshrl.u32 v26, $0xA;
	v14 =	vshrl.u32 v8, $0xA;
	v13 =	vshrl.u32 v27, $0xA;
	[tilespmem:v25+s14+$0x0] =	vst.idx.add.s32.msk vm1, v3  }
0x100: {  	v12 =	vshrl.u32 v29, $0xA;
	v11 =	vshrl.u32 v31, $0xA;
	v10 =	vshrl.u32 v32, $0xA;
	[tilespmem:v5+s14+$0x0] =	vst.idx.add.s32.msk vm10, v3  }
0x101: {  	v9 =	vshrl.u32 v28, $0xA;
	v7 =	vshrl.u32 v30, $0xA;
	v5 =	vshrl.u32 v33, $0xA  }
.Ltmp2:
0x102: {  	v8 =	vshrl.u32 v34, $0xA;
	vm14 =	veq.s32 v21, v4;
	vm15 =	veq.s32 v36, v4;
	(pc) =	sbr.rel @p2 .LBB2_6-.Ltmp2, $4  }
0x103: {  	vm13 =	veq.s32 v35, v4;
	vm12 =	veq.s32 v37, v4;
	vm11 =	veq.s32 v38, v4  }
0x104: {  	vm9 =	veq.s32 v39, v4;
	vm8 =	veq.s32 v40, v4;
	vm7 =	veq.s32 v41, v4  }
0x105: {  	vm6 =	veq.s32 v42, v4;
	vm5 =	veq.s32 v43, v4;
	vm4 =	veq.s32 v44, v4  }
0x106: {  	s19 =	sadd.s32 $0x100, s19;
	vm3 =	veq.s32 v45, v4;
	vm2 =	veq.s32 v46, v4;
	vm1 =	veq.s32 v47, v4  }
0x107: {  	v15 =	vand.u32 $0x7FF, v15  }
0x108: {  	v16 =	vand.u32 $0x7FF, v16  }
0x109: {  	v17 =	vand.u32 $0x7FF, v17  }
0x10a: {  	v18 =	vand.u32 $0x7FF, v18  }
0x10b: {  	v19 =	vand.u32 $0x7FF, v19  }
0x10c: {  	v20 =	vand.u32 $0x7FF, v20;
	[tilespmem:v15+s14+$0x0] =	vst.idx.add.s32.msk vm15, v3  }
0x10d: {  	v14 =	vand.u32 $0x7FF, v14;
	[tilespmem:v16+s14+$0x0] =	vst.idx.add.s32.msk vm14, v3  }
0x10e: {  	v13 =	vand.u32 $0x7FF, v13;
	[tilespmem:v17+s14+$0x0] =	vst.idx.add.s32.msk vm13, v3  }
0x10f: {  	v12 =	vand.u32 $0x7FF, v12;
	[tilespmem:v18+s14+$0x0] =	vst.idx.add.s32.msk vm12, v3  }
0x110: {  	v11 =	vand.u32 $0x7FF, v11;
	[tilespmem:v19+s14+$0x0] =	vst.idx.add.s32.msk vm11, v3  }
0x111: {  	v10 =	vand.u32 $0x7FF, v10;
	[tilespmem:v20+s14+$0x0] =	vst.idx.add.s32.msk vm9, v3  }
0x112: {  	v9 =	vand.u32 $0x7FF, v9;
	[tilespmem:v14+s14+$0x0] =	vst.idx.add.s32.msk vm8, v3  }
0x113: {  	v7 =	vand.u32 $0x7FF, v7;
	[tilespmem:v13+s14+$0x0] =	vst.idx.add.s32.msk vm7, v3  }
0x114: {  	vm0 =	veq.s32 v6, v4;
	v4 =	vand.u32 $0x7FF, v5;
	[tilespmem:v12+s14+$0x0] =	vst.idx.add.s32.msk vm6, v3  }
0x115: {  	v5 =	vand.u32 $0x7FF, v8;
	[tilespmem:v11+s14+$0x0] =	vst.idx.add.s32.msk vm5, v3  }
0x116: {  	[tilespmem:v10+s14+$0x0] =	vst.idx.add.s32.msk vm4, v3  }
0x117: {  	[tilespmem:v9+s14+$0x0] =	vst.idx.add.s32.msk vm3, v3  }
0x118: {  	[tilespmem:v7+s14+$0x0] =	vst.idx.add.s32.msk vm2, v3  }
0x119: {  	[tilespmem:v4+s14+$0x0] =	vst.idx.add.s32.msk vm1, v3  }
0x11a: {  	[tilespmem:v5+s14+$0x0] =	vst.idx.add.s32.msk vm0, v3  }
0x11b: {  	[spmem:s1] =	stream.indirect.scatter.add.s32 [tilespmem:s14], [sflag:$0x2], $0x1, s16, s15, $0xb8;
	[tilespmem:$0x12080] =	vst v63  }
0x11c: {  	_ =	swait.ge [sflag:s12], $0x800  }
0x11d: {  	[sflag:s12] =	ssyncset.done $0x0  }
0x11e: {  	s18 =	sshrl.u32 @!p0 s1, $0x3;
	s17 =	sadd.s32 $0x1, s17;
	[sflag:s12] =	ssyncadd.s32 $0xFFFFF800  }
0x11f: {  	s19 =	simm.s32 @!p0 $0x1C02;
	p2 =	sne.s32 s17, s8;
	[bflag:$0x0] =	sbarrier.arrive $0xFFFF  }
0x120: {  	[hbm:s7], [sflag:s19] =	dma.local @!p0 [spmem:s18], $0x100  }
.Ltmp3:
0x121: {  	_ = 	snop;
	(pc) =	sbr.rel @p2 .LBB2_1-.Ltmp3, $4  }
0x122: {  	s18 =	simm.s32 @!p0 $0x2  }
0x123: {  	_ =	swait.ge @!p0 [sflag:s18], $0x100  }
0x124: {  	[sflag:s18] =	ssyncset.done @!p0 $0x0  }
0x125: {  	vm0 =	vmxor vm0, vm0;
	[sflag:s18] =	ssyncadd.s32 @!p0 $0xFFFFFF00  }
0x126: {  	_ =	sfence.sel $0x180000  }
0x127: {  	[bflag:$0x0] =	sbarrier.arrive $0xFFFF  }
0x128: {  	_ =	strace $0x9000004A  }
0x129: {  	s0 =	sadd.s32 @!p0 $0x100000, s0;
	[bflag:$0x2] =	sbarrier.arrive $0xFFFF  }
0x12a: {  	[sflag:s0] =	ssyncadd.tile.s32 @!p0 $0x1;
	_ =	shalt  }
.Lfunc_end2:
_tile_overlayer_lowered:
.L_overlay_start_2:
0x12b: {  	(tag) =	ssettag $0x2  }
0x12c: {  	s0 =	rddreg [dreg:$0x0];
	s2 =	stileid.u32  }
0x12d: {  	s1 =	rddreg [dreg:$0x1];
	p0 =	sne.s32 s2, $0x0  }
0x12e: {  	s3 =	rddreg [dreg:$0x2];
	[bflag:$0x3] =	sbarrier.arrive $0xFFFF;
	s2 =	simm.s32 @!p0 $0x1C02  }
0x12f: {  	[timem:s3], [sflag:s2] =	dma.local @!p0 [hbm:s0], s1  }
0x130: {  	s0 =	simm.s32 @!p0 $0x2  }
0x131: {  	_ =	swait.ge @!p0 [sflag:s0], s1  }
0x132: {  	s1 =	ssub.s32 @!p0 $0x0, s1;
	[sflag:s0] =	ssyncset.done @!p0 $0x0  }
0x133: {  	[sflag:s0] =	ssyncadd.s32 @!p0 s1  }
0x134: {  	[bflag:$0x3] =	sbarrier.arrive $0xFFFF  }
0x135: {  	_ =	shalt  }

</sc_bundles>
